<compile_context>
chip_gen: v7x
topology: tpu7x:2x2x1
jax: 0.10.2.dev20260603
libtpu: 0.0.44.dev20260713+nightly
codegen_flags: <defaults>
</compile_context>

<pallas_src>
import functools

import jax
import jax.numpy as jnp
from jax import lax
from jax.experimental import pallas as pl
from jax.experimental.pallas import tpu as pltpu
from jax.experimental.pallas import tpu_sc as plsc

B, N, T = 4, 100000, 200000
NW = 32
NPAD = 102400
TPAD = 204800
NB_W = TPAD // NW
NC_W = NPAD // NW
CH_B = 640
CH_C = 640
GB = 128

_GDN = lax.GatherDimensionNumbers(
    offset_dims=(), collapsed_slice_dims=(0,), start_index_map=(0,))


def _perm_vectors():
    io = lax.iota(jnp.int32, 16)
    grp = io & jnp.int32(~3)
    q = io & jnp.int32(3)
    p1 = grp + jnp.where(q == 3, jnp.int32(3), lax.rem(q + 1, jnp.int32(3)))
    p2 = grp + jnp.where(q == 3, jnp.int32(3), lax.rem(q + 2, jnp.int32(3)))
    return p1, p2


def _perm(x, idx):
    return lax.gather(x, idx[:, None], _GDN, (1,),
                      mode=lax.GatherScatterMode.PROMISE_IN_BOUNDS)


def _rsqrt_fast(x):
    i = lax.bitcast_convert_type(x, jnp.int32)
    i = jnp.int32(0x5F3759DF) - lax.shift_right_logical(i, 1)
    y = lax.bitcast_convert_type(i, jnp.float32)
    y = y * (jnp.float32(1.5) - jnp.float32(0.5) * x * y * y)
    y = y * (jnp.float32(1.5) - jnp.float32(0.5) * x * y * y)
    return y



_BLK = 2048


def _dense_body(params_ref, g_ref, pt_ref, rt_ref, ut_ref):
    g = g_ref[...].astype(jnp.float32)
    for b in range(B):
        def p(k):
            return params_ref[b, k]
        gx = g[3 * b:3 * b + 1, :]
        gy = g[3 * b + 1:3 * b + 2, :]
        gz = g[3 * b + 2:3 * b + 3, :]
        xr = p(0) * gx + p(1) * gy + p(2) * gz + p(9)
        yr = p(3) * gx + p(4) * gy + p(5) * gz + p(10)
        zr = p(6) * gx + p(7) * gy + p(8) * gz + p(11)
        px = xr / zr * p(12) + p(14)
        py = yr / zr * p(13) + p(15)
        inv = lax.rsqrt(xr * xr + yr * yr + zr * zr)
        rt_ref[pl.ds(3 * b, 1), :] = xr
        rt_ref[pl.ds(3 * b + 1, 1), :] = yr
        rt_ref[pl.ds(3 * b + 2, 1), :] = zr
        pt_ref[pl.ds(3 * b, 1), :] = px
        pt_ref[pl.ds(3 * b + 1, 1), :] = py
        pt_ref[pl.ds(3 * b + 2, 1), :] = zr
        ut_ref[pl.ds(3 * b, 1), :] = xr * inv
        ut_ref[pl.ds(3 * b + 1, 1), :] = yr * inv
        ut_ref[pl.ds(3 * b + 2, 1), :] = zr * inv


def _dense_stage(params, gt):
    grid = (NPAD // _BLK,)
    out = jax.ShapeDtypeStruct((3 * B, NPAD), jnp.float32)
    return pl.pallas_call(
        _dense_body,
        grid=grid,
        in_specs=[
            pl.BlockSpec((B, 16), lambda i: (0, 0),
                         memory_space=pltpu.SMEM),
            pl.BlockSpec((3 * B, _BLK), lambda i: (0, i)),
        ],
        out_specs=[pl.BlockSpec((3 * B, _BLK), lambda i: (0, i))] * 3,
        out_shape=[out, out, out],
    )(params, gt)



_MESH = plsc.VectorSubcoreMesh(core_axis_name="c", subcore_axis_name="s")


def _tri_body(vtab, tris3d, ntab, i0_v, i1_v, i2_v, v1_v, v2_v, v3_v,
              nout_v, sem):
    wid = lax.axis_index("s") * 2 + lax.axis_index("c")
    rpw = NB_W // GB
    gpc = CH_B // GB
    p1, p2 = _perm_vectors()
    for k, idx_v in enumerate((i0_v, i1_v, i2_v)):
        pltpu.sync_copy(tris3d.at[k, pl.ds(wid * rpw, rpw)], idx_v)

    def chunk(c, _):
        copies = []
        for k, (idx_v, dst) in enumerate(
                ((i0_v, v1_v), (i1_v, v2_v), (i2_v, v3_v))):
            for j in range(gpc):
                copies.append(pltpu.make_async_copy(
                    vtab.at[idx_v.at[c * gpc + j]],
                    dst.at[pl.ds(j * GB, GB)], sem))
        for cp in copies:
            cp.start()
        for cp in copies:
            cp.wait()

        def row(r, _):
            v1 = v1_v[r]
            e1 = v2_v[r] - v1
            e2 = v3_v[r] - v1
            n = (_perm(e1, p1) * _perm(e2, p2)
                 - _perm(e1, p2) * _perm(e2, p1))
            nn = n * n
            s = nn + _perm(nn, p1) + _perm(nn, p2)
            r_ = _rsqrt_fast(jnp.maximum(s, jnp.float32(1e-30)))
            nout_v[r] = n * r_
            return 0
        lax.fori_loop(0, CH_B, row, 0, unroll=4)
        pltpu.sync_copy(nout_v,
                        ntab.at[pl.ds(wid * NB_W + c * CH_B, CH_B)])
        return 0
    lax.fori_loop(0, NB_W // CH_B, chunk, 0)


@functools.partial(
    pl.kernel, mesh=_MESH,
    compiler_params=pltpu.CompilerParams(use_tc_tiling_on_sc=False, needs_layout_passes=False),
    out_type=jax.ShapeDtypeStruct((TPAD, 16), jnp.float32),
    scratch_types=[
        pltpu.VMEM((NB_W // GB, GB), jnp.int32),
        pltpu.VMEM((NB_W // GB, GB), jnp.int32),
        pltpu.VMEM((NB_W // GB, GB), jnp.int32),
        pltpu.VMEM((CH_B, 16), jnp.float32),
        pltpu.VMEM((CH_B, 16), jnp.float32),
        pltpu.VMEM((CH_B, 16), jnp.float32),
        pltpu.VMEM((CH_B, 16), jnp.float32),
        pltpu.SemaphoreType.DMA,
    ],
)
def _tri_kernel(vtab, tris3d, ntab, *rest):
    _tri_body(vtab, tris3d, ntab, *rest)



def _vis_body(ntab, gtab, vt3d, vis, vt_v, m_v, g_v, s_v, o_v, sem):
    wid = lax.axis_index("s") * 2 + lax.axis_index("c")
    rpw = NC_W // GB
    gpc = CH_C // GB
    p1, p2 = _perm_vectors()
    iota = lax.iota(jnp.int32, 16)
    pltpu.sync_copy(vt3d.at[pl.ds(wid * rpw, rpw)], vt_v)

    def chunk(c, _):
        base = wid * NC_W + c * CH_C
        copies = [pltpu.make_async_copy(
            ntab.at[vt_v.at[c * gpc + j]],
            m_v.at[pl.ds(j * GB, GB)], sem) for j in range(gpc)]
        for cp in copies:
            cp.start()
        pltpu.sync_copy(gtab.at[pl.ds(base, CH_C)], g_v)
        for cp in copies:
            cp.wait()

        def row(r, _):
            d = m_v[r] * g_v[r]
            s = d + _perm(d, p1) + _perm(d, p2)
            v = jnp.float32(0.0) - s
            s_v[r] = jnp.where(v < jnp.float32(0.01), jnp.float32(-1.0), v)
            return 0
        lax.fori_loop(0, CH_C, row, 0, unroll=4)

        def ext(j, _):
            rows = j * 16 + iota
            for b in range(B):
                col = plsc.load_gather(
                    s_v, [rows, jnp.full((16,), 4 * b, jnp.int32)])
                o_v[b, pl.ds(j * 16, 16)] = col
            return 0
        lax.fori_loop(0, CH_C // 16, ext, 0, unroll=2)
        for b in range(B):
            pltpu.sync_copy(o_v.at[b], vis.at[b, pl.ds(base, CH_C)])
        return 0
    lax.fori_loop(0, NC_W // CH_C, chunk, 0)


@functools.partial(
    pl.kernel, mesh=_MESH,
    compiler_params=pltpu.CompilerParams(use_tc_tiling_on_sc=False, needs_layout_passes=False),
    out_type=jax.ShapeDtypeStruct((B, NPAD), jnp.float32),
    scratch_types=[
        pltpu.VMEM((NC_W // GB, GB), jnp.int32),
        pltpu.VMEM((CH_C, 16), jnp.float32),
        pltpu.VMEM((CH_C, 16), jnp.float32),
        pltpu.VMEM((CH_C, 16), jnp.float32),
        pltpu.VMEM((B, CH_C), jnp.float32),
        pltpu.SemaphoreType.DMA,
    ],
)
def _vis_kernel(ntab, gtab, vt3d, vis, *rest):
    _vis_body(ntab, gtab, vt3d, vis, *rest)



def _rot_mats(euler):
    x, y, z = euler[:, 0], euler[:, 1], euler[:, 2]
    cx, sx = jnp.cos(x), jnp.sin(x)
    cy, sy = jnp.cos(y), jnp.sin(y)
    cz, sz = jnp.cos(z), jnp.sin(z)
    zo = jnp.zeros_like(x)
    on = jnp.ones_like(x)
    rx = jnp.stack([on, zo, zo, zo, cx, -sx, zo, sx, cx], -1).reshape(-1, 3, 3)
    ry = jnp.stack([cy, zo, sy, zo, on, zo, -sy, zo, cy], -1).reshape(-1, 3, 3)
    rz = jnp.stack([cz, -sz, zo, sz, cz, zo, zo, zo, on], -1).reshape(-1, 3, 3)
    return rz @ ry @ rx


def kernel(geometry, euler, trans, cam, tris, vert_tris):
    r = _rot_mats(euler)
    ru = lax.bitcast_convert_type(r.reshape(B, 9), jnp.int32)
    ru = (ru + 0x7FFF + (lax.shift_right_logical(ru, 16) & 1)) & jnp.int32(
        0xFFFF0000 - (1 << 32))
    r9 = lax.bitcast_convert_type(ru, jnp.float32)
    params = jnp.concatenate(
        [r9, trans,
         cam[:, 0:1], cam[:, 1:2], cam[:, 2:3], cam[:, 3:4]], axis=1)

    gt = jnp.swapaxes(geometry, 1, 2).reshape(3 * B, N)
    gt = jnp.pad(gt, ((0, 0), (0, NPAD - N))).astype(jnp.bfloat16)
    pt, rt, ut = _dense_stage(params, gt)

    def pack16(a):
        a = a.reshape(B, 3, NPAD).transpose(2, 0, 1)
        return jnp.pad(a, ((0, 0), (0, 0), (0, 1))).reshape(NPAD, 16)
    vtab = pack16(rt)
    gtab = pack16(ut)

    tris_p = jnp.pad(tris, ((0, TPAD - T), (0, 0)))
    tris3d = jnp.swapaxes(tris_p, 0, 1).reshape(3, TPAD // GB, GB)
    ntab = _tri_kernel(vtab, tris3d)

    vt3d = jnp.pad(vert_tris, (0, NPAD - N)).reshape(NPAD // GB, GB)
    vis = _vis_kernel(ntab, gtab, vt3d)

    proj_geo = pt[:, :N].reshape(B, 3, N).transpose(0, 2, 1)
    rot_tri_normal = ntab[:T].reshape(T, B, 4)[:, :, :3].transpose(1, 0, 2)
    is_visible = vis[:, :N]
    return (proj_geo, rot_tri_normal, is_visible)

# --- scband reference (transcript-rebuilt; emitter-appended) ---
"""Pipeline reference for scband-render-land-32091995635815 (READ-ONLY COPY).

The authoritative reference and input builder live on the scoring server;
editing this copy changes nothing except your own understanding.
"""

import jax, jax.numpy as jnp
import numpy as np

B, N, T = 4, 100000, 200000

def euler_to_rot(euler):
    x, y, z = euler[:, 0], euler[:, 1], euler[:, 2]
    cx_, sx_ = jnp.cos(x), jnp.sin(x)
    cy_, sy_ = jnp.cos(y), jnp.sin(y)
    cz_, sz_ = jnp.cos(z), jnp.sin(z)
    zeros = jnp.zeros_like(x); ones = jnp.ones_like(x)
    Rx = jnp.stack([ones, zeros, zeros, zeros, cx_, -sx_, zeros, sx_, cx_], -1).reshape(-1, 3, 3)
    Ry = jnp.stack([cy_, zeros, sy_, zeros, ones, zeros, -sy_, zeros, cy_], -1).reshape(-1, 3, 3)
    Rz = jnp.stack([cz_, -sz_, zeros, sz_, cz_, zeros, zeros, zeros, ones], -1).reshape(-1, 3, 3)
    return Rz @ Ry @ Rx

def setup_inputs(seed: int = 0) -> dict:
    key = jax.random.key(seed)
    ks = jax.random.split(key, 6)
    geometry = jax.random.normal(ks[0], (B, N, 3), dtype=jnp.float32)
    euler = jax.random.normal(ks[1], (B, 3), dtype=jnp.float32) * 0.1
    trans = jax.random.normal(ks[2], (B, 3), dtype=jnp.float32) * 0.1 + jnp.array([0.0, 0.0, 10.0], dtype=jnp.float32)
    cam = jax.random.uniform(ks[3], (B, 4), dtype=jnp.float32) * 100.0 + jnp.array([1000.0, 1000.0, 256.0, 256.0], dtype=jnp.float32)
    tris = jax.random.randint(ks[4], (T, 3), 0, N, dtype=jnp.int32)
    vert_tris = jax.random.randint(ks[5], (N,), 0, T, dtype=jnp.int32)
    return {"geometry": geometry, "euler": euler, "trans": trans, "cam": cam, "tris": tris, "vert_tris": vert_tris}

def reference(geometry, euler, trans, cam, tris, vert_tris):
    # euler_trans_geo: rigid transform of vertices
    R = euler_to_rot(euler)
    rott_geo = jnp.einsum('bij,bnj->bni', R, geometry) + trans[:, None, :]
    # proj_geo: pinhole projection (fx, fy, cx, cy)
    fx, fy, ux, uy = cam[:, 0], cam[:, 1], cam[:, 2], cam[:, 3]
    z = rott_geo[..., 2]
    proj_geo = jnp.stack([
        rott_geo[..., 0] / z * fx[:, None] + ux[:, None],
        rott_geo[..., 1] / z * fy[:, None] + uy[:, None],
        z,
    ], axis=-1)
    # compute_tri_normal: gather triangle vertices, cross product, normalize
    vert_1 = jnp.take(rott_geo, tris[:, 0], axis=1)
    vert_2 = jnp.take(rott_geo, tris[:, 1], axis=1)
    vert_3 = jnp.take(rott_geo, tris[:, 2], axis=1)
    nnorm = jnp.cross(vert_2 - vert_1, vert_3 - vert_1)
    rot_tri_normal = nnorm / jnp.maximum(jnp.linalg.norm(nnorm, axis=-1, keepdims=True), 1e-12)
    # per-vertex normal via gather over triangles, visibility via dot with view dir
    rot_vert_normal = jnp.take(rot_tri_normal, vert_tris, axis=1)
    view_dir = rott_geo / jnp.maximum(jnp.linalg.norm(rott_geo, axis=-1, keepdims=True), 1e-12)
    is_visible = -jnp.sum(rot_vert_normal * view_dir, axis=-1)
    is_visible = jnp.where(is_visible < 0.01, -1.0, is_visible)
    return (proj_geo, rot_tri_normal, is_visible)

if __name__ == "__main__":
    import jax
    _d = setup_inputs()
    print(jax.jit(kernel)(*tuple(_d.values())))

</pallas_src>

<mosaic_0001>
#map = affine_map<(d0, d1) -> (0, 0)>
module attributes {stable_mosaic.version = 14 : i64} {
  func.func @_vis_kernel(%arg0: i32, %arg1: i32, %arg2: memref<204800x16xf32, #tpu.memory_space<hbm>>, %arg3: memref<102400x16xf32, #tpu.memory_space<hbm>>, %arg4: memref<800x128xi32, #tpu.memory_space<hbm>>, %arg5: memref<4x102400xf32, #tpu.memory_space<hbm>>, %arg6: memref<25x128xi32, #tpu.memory_space<vmem>>, %arg7: memref<640x16xf32, #tpu.memory_space<vmem>>, %arg8: memref<640x16xf32, #tpu.memory_space<vmem>>, %arg9: memref<640x16xf32, #tpu.memory_space<vmem>>, %arg10: memref<4x640xf32, #tpu.memory_space<vmem>>, %arg11: memref<!tpu.dma_semaphore, #tpu.memory_space<semaphore_mem>>) attributes {dimension_semantics = [#tpu.dimension_semantics<core_parallel>, #tpu.dimension_semantics<subcore_parallel>], iteration_bounds = array<i64: 2, 16>, scalar_prefetch = 0 : i64, scratch_operands = 6 : i64, tpu.core_type = #tpu.core_type<sc_vector_subcore>, window_params = [{transform_indices = #map}, {transform_indices = #map}, {transform_indices = #map}, {transform_indices = #map}]} {
    %mul3A = arith.constant 2 : i32
    %mul3A_0 = arith.muli %arg1, %mul3A : i32
    %add3A = arith.addi %mul3A_0, %arg0 : i32
    %iota3A = tpu.iota {dimensions = array<i32: 0>} : vector<16xi32>
    %and3A = arith.constant -4 : i32
    %and3A_1 = vector.broadcast %and3A : i32 to vector<16xi32>
    %and3A_2 = arith.andi %iota3A, %and3A_1 : vector<16xi32>
    %and3A_3 = arith.constant 3 : i32
    %and3A_4 = vector.broadcast %and3A_3 : i32 to vector<16xi32>
    %and3A_5 = arith.andi %iota3A, %and3A_4 : vector<16xi32>
    %eq3A = arith.constant 3 : i32
    %eq3A_6 = vector.broadcast %eq3A : i32 to vector<16xi32>
    %eq3A_7 = arith.cmpi eq, %and3A_5, %eq3A_6 : vector<16xi32>
    %add3A_8 = arith.constant 1 : i32
    %add3A_9 = vector.broadcast %add3A_8 : i32 to vector<16xi32>
    %add3A_10 = arith.addi %and3A_5, %add3A_9 : vector<16xi32>
    %rem3A = arith.constant 3 : i32
    %rem3A_11 = vector.broadcast %rem3A : i32 to vector<16xi32>
    %rem3A_12 = arith.remsi %add3A_10, %rem3A_11 : vector<16xi32>
    %jit3A = arith.constant 3 : i32
    %broadcast_in_dim3A = vector.broadcast %jit3A : i32 to vector<16xi32>
    %select_n3A = arith.select %eq3A_7, %broadcast_in_dim3A, %rem3A_12 : vector<16xi1>, vector<16xi32>
    %add3A_13 = arith.addi %and3A_2, %select_n3A : vector<16xi32>
    %eq3A_14 = arith.constant 3 : i32
    %eq3A_15 = vector.broadcast %eq3A_14 : i32 to vector<16xi32>
    %eq3A_16 = arith.cmpi eq, %and3A_5, %eq3A_15 : vector<16xi32>
    %add3A_17 = arith.constant 2 : i32
    %add3A_18 = vector.broadcast %add3A_17 : i32 to vector<16xi32>
    %add3A_19 = arith.addi %and3A_5, %add3A_18 : vector<16xi32>
    %rem3A_20 = arith.constant 3 : i32
    %rem3A_21 = vector.broadcast %rem3A_20 : i32 to vector<16xi32>
    %rem3A_22 = arith.remsi %add3A_19, %rem3A_21 : vector<16xi32>
    %jit3A_23 = arith.constant 3 : i32
    %broadcast_in_dim3A_24 = vector.broadcast %jit3A_23 : i32 to vector<16xi32>
    %select_n3A_25 = arith.select %eq3A_16, %broadcast_in_dim3A_24, %rem3A_22 : vector<16xi1>, vector<16xi32>
    %add3A_26 = arith.addi %and3A_2, %select_n3A_25 : vector<16xi32>
    %iota3A_27 = tpu.iota {dimensions = array<i32: 0>} : vector<16xi32>
    %mul3A_28 = arith.constant 25 : i32
    %mul3A_29 = arith.muli %add3A, %mul3A_28 : i32
    "tpu.region"() ({
      %run_scoped3A = tpu.sem_alloc : memref<!tpu.dma_semaphore, #tpu.memory_space<semaphore_mem>>
      %dma_start3A = arith.constant 0 : i32
      %dma_start3A_36 = tpu.memref_slice %arg4[%mul3A_29, %dma_start3A] : memref<800x128xi32, #tpu.memory_space<hbm>> -> memref<25x128xi32, #tpu.memory_space<hbm>>
      %dma_start3A_37 = arith.constant 0 : i32
      %dma_start3A_38 = tpu.memref_slice %arg4[%mul3A_29, %dma_start3A_37] : memref<800x128xi32, #tpu.memory_space<hbm>> -> memref<25x128xi32, #tpu.memory_space<hbm>>
      tpu.enqueue_dma source(%dma_start3A_38 : memref<25x128xi32, #tpu.memory_space<hbm>>) target(%arg6 : memref<25x128xi32, #tpu.memory_space<vmem>>) target_semaphore(%run_scoped3A : memref<!tpu.dma_semaphore, #tpu.memory_space<semaphore_mem>>)
      %dma_wait3A = arith.constant 0 : i32
      %dma_wait3A_39 = tpu.memref_slice %arg4[%mul3A_29, %dma_wait3A] : memref<800x128xi32, #tpu.memory_space<hbm>> -> memref<25x128xi32, #tpu.memory_space<hbm>>
      %dma_wait3A_40 = arith.constant 0 : i32
      %dma_wait3A_41 = tpu.memref_slice %arg4[%mul3A_29, %dma_wait3A_40] : memref<800x128xi32, #tpu.memory_space<hbm>> -> memref<25x128xi32, #tpu.memory_space<hbm>>
      tpu.wait_dma2 semaphore(%run_scoped3A : memref<!tpu.dma_semaphore, #tpu.memory_space<semaphore_mem>>) src(%dma_wait3A_41 : memref<25x128xi32, #tpu.memory_space<hbm>>) dst(%arg6 : memref<25x128xi32, #tpu.memory_space<vmem>>)
      tpu.yield
    }) : () -> ()
    %scan3A = arith.constant 0 : i32
    %scan3A_30 = arith.constant 0 : i32
    %scan3A_31 = arith.constant 5 : i32
    %scan3A_32 = arith.addi %scan3A_30, %scan3A_31 : i32
    %scan3A_33 = arith.constant 1 : i32
    %scan3A_34 = scf.for %scan3A_36 = %scan3A_30 to %scan3A_32 step %scan3A_33 iter_args(%scan3A_37 = %scan3A) -> (i32)  : i32 {
      %mul3A_38 = arith.constant 3200 : i32
      %mul3A_39 = arith.muli %add3A, %mul3A_38 : i32
      %mul3A_40 = arith.constant 640 : i32
      %mul3A_41 = arith.muli %scan3A_36, %mul3A_40 : i32
      %add3A_42 = arith.addi %mul3A_39, %mul3A_41 : i32
      %mul3A_43 = arith.constant 5 : i32
      %mul3A_44 = arith.muli %scan3A_36, %mul3A_43 : i32
      %add3A_45 = arith.constant 0 : i32
      %add3A_46 = arith.addi %mul3A_44, %add3A_45 : i32
      %mul3A_47 = arith.constant 5 : i32
      %mul3A_48 = arith.muli %scan3A_36, %mul3A_47 : i32
      %add3A_49 = arith.constant 1 : i32
      %add3A_50 = arith.addi %mul3A_48, %add3A_49 : i32
      %mul3A_51 = arith.constant 5 : i32
      %mul3A_52 = arith.muli %scan3A_36, %mul3A_51 : i32
      %add3A_53 = arith.constant 2 : i32
      %add3A_54 = arith.addi %mul3A_52, %add3A_53 : i32
      %mul3A_55 = arith.constant 5 : i32
      %mul3A_56 = arith.muli %scan3A_36, %mul3A_55 : i32
      %add3A_57 = arith.constant 3 : i32
      %add3A_58 = arith.addi %mul3A_56, %add3A_57 : i32
      %mul3A_59 = arith.constant 5 : i32
      %mul3A_60 = arith.muli %scan3A_36, %mul3A_59 : i32
      %add3A_61 = arith.constant 4 : i32
      %add3A_62 = arith.addi %mul3A_60, %add3A_61 : i32
      %dma_start3A = arith.constant 0 : i32
      %dma_start3A_63 = arith.constant 0 : i32
      %dma_start3A_64 = tpu.memref_slice %arg7[%dma_start3A, %dma_start3A_63] : memref<640x16xf32, #tpu.memory_space<vmem>> -> memref<128x16xf32, #tpu.memory_space<vmem>>
      %dma_start3A_65 = arith.constant 0 : i32
      %dma_start3A_66 = tpu.memref_slice %arg6[%add3A_46, %dma_start3A_65] : memref<25x128xi32, #tpu.memory_space<vmem>> -> memref<1x128xi32, #tpu.memory_space<vmem>>
      %dma_start3A_67 = tpu.memref_squeeze %dma_start3A_66 : memref<1x128xi32, #tpu.memory_space<vmem>> -> memref<128xi32, #tpu.memory_space<vmem>>
      %dma_start3A_68 = arith.constant 0 : i32
      %dma_start3A_69 = arith.constant 0 : i32
      %dma_start3A_70 = tpu.memref_slice %arg2[%dma_start3A_68, %dma_start3A_69] : memref<204800x16xf32, #tpu.memory_space<hbm>> -> memref<204800x16xf32, #tpu.memory_space<hbm>>
      tpu.enqueue_indirect_dma source(%dma_start3A_70 : memref<204800x16xf32, #tpu.memory_space<hbm>>) target(%dma_start3A_64 : memref<128x16xf32, #tpu.memory_space<vmem>>) offsets(%dma_start3A_67 : memref<128xi32, #tpu.memory_space<vmem>>) semaphore(%arg11 : memref<!tpu.dma_semaphore, #tpu.memory_space<semaphore_mem>>)
      %dma_start3A_71 = arith.constant 128 : i32
      %dma_start3A_72 = arith.constant 0 : i32
      %dma_start3A_73 = tpu.memref_slice %arg7[%dma_start3A_71, %dma_start3A_72] : memref<640x16xf32, #tpu.memory_space<vmem>> -> memref<128x16xf32, #tpu.memory_space<vmem>>
      %dma_start3A_74 = arith.constant 0 : i32
      %dma_start3A_75 = tpu.memref_slice %arg6[%add3A_50, %dma_start3A_74] : memref<25x128xi32, #tpu.memory_space<vmem>> -> memref<1x128xi32, #tpu.memory_space<vmem>>
      %dma_start3A_76 = tpu.memref_squeeze %dma_start3A_75 : memref<1x128xi32, #tpu.memory_space<vmem>> -> memref<128xi32, #tpu.memory_space<vmem>>
      %dma_start3A_77 = arith.constant 0 : i32
      %dma_start3A_78 = arith.constant 0 : i32
      %dma_start3A_79 = tpu.memref_slice %arg2[%dma_start3A_77, %dma_start3A_78] : memref<204800x16xf32, #tpu.memory_space<hbm>> -> memref<204800x16xf32, #tpu.memory_space<hbm>>
      tpu.enqueue_indirect_dma source(%dma_start3A_79 : memref<204800x16xf32, #tpu.memory_space<hbm>>) target(%dma_start3A_73 : memref<128x16xf32, #tpu.memory_space<vmem>>) offsets(%dma_start3A_76 : memref<128xi32, #tpu.memory_space<vmem>>) semaphore(%arg11 : memref<!tpu.dma_semaphore, #tpu.memory_space<semaphore_mem>>)
      %dma_start3A_80 = arith.constant 256 : i32
      %dma_start3A_81 = arith.constant 0 : i32
      %dma_start3A_82 = tpu.memref_slice %arg7[%dma_start3A_80, %dma_start3A_81] : memref<640x16xf32, #tpu.memory_space<vmem>> -> memref<128x16xf32, #tpu.memory_space<vmem>>
      %dma_start3A_83 = arith.constant 0 : i32
      %dma_start3A_84 = tpu.memref_slice %arg6[%add3A_54, %dma_start3A_83] : memref<25x128xi32, #tpu.memory_space<vmem>> -> memref<1x128xi32, #tpu.memory_space<vmem>>
      %dma_start3A_85 = tpu.memref_squeeze %dma_start3A_84 : memref<1x128xi32, #tpu.memory_space<vmem>> -> memref<128xi32, #tpu.memory_space<vmem>>
      %dma_start3A_86 = arith.constant 0 : i32
      %dma_start3A_87 = arith.constant 0 : i32
      %dma_start3A_88 = tpu.memref_slice %arg2[%dma_start3A_86, %dma_start3A_87] : memref<204800x16xf32, #tpu.memory_space<hbm>> -> memref<204800x16xf32, #tpu.memory_space<hbm>>
      tpu.enqueue_indirect_dma source(%dma_start3A_88 : memref<204800x16xf32, #tpu.memory_space<hbm>>) target(%dma_start3A_82 : memref<128x16xf32, #tpu.memory_space<vmem>>) offsets(%dma_start3A_85 : memref<128xi32, #tpu.memory_space<vmem>>) semaphore(%arg11 : memref<!tpu.dma_semaphore, #tpu.memory_space<semaphore_mem>>)
      %dma_start3A_89 = arith.constant 384 : i32
      %dma_start3A_90 = arith.constant 0 : i32
      %dma_start3A_91 = tpu.memref_slice %arg7[%dma_start3A_89, %dma_start3A_90] : memref<640x16xf32, #tpu.memory_space<vmem>> -> memref<128x16xf32, #tpu.memory_space<vmem>>
      %dma_start3A_92 = arith.constant 0 : i32
      %dma_start3A_93 = tpu.memref_slice %arg6[%add3A_58, %dma_start3A_92] : memref<25x128xi32, #tpu.memory_space<vmem>> -> memref<1x128xi32, #tpu.memory_space<vmem>>
      %dma_start3A_94 = tpu.memref_squeeze %dma_start3A_93 : memref<1x128xi32, #tpu.memory_space<vmem>> -> memref<128xi32, #tpu.memory_space<vmem>>
      %dma_start3A_95 = arith.constant 0 : i32
      %dma_start3A_96 = arith.constant 0 : i32
      %dma_start3A_97 = tpu.memref_slice %arg2[%dma_start3A_95, %dma_start3A_96] : memref<204800x16xf32, #tpu.memory_space<hbm>> -> memref<204800x16xf32, #tpu.memory_space<hbm>>
      tpu.enqueue_indirect_dma source(%dma_start3A_97 : memref<204800x16xf32, #tpu.memory_space<hbm>>) target(%dma_start3A_91 : memref<128x16xf32, #tpu.memory_space<vmem>>) offsets(%dma_start3A_94 : memref<128xi32, #tpu.memory_space<vmem>>) semaphore(%arg11 : memref<!tpu.dma_semaphore, #tpu.memory_space<semaphore_mem>>)
      %dma_start3A_98 = arith.constant 512 : i32
      %dma_start3A_99 = arith.constant 0 : i32
      %dma_start3A_100 = tpu.memref_slice %arg7[%dma_start3A_98, %dma_start3A_99] : memref<640x16xf32, #tpu.memory_space<vmem>> -> memref<128x16xf32, #tpu.memory_space<vmem>>
      %dma_start3A_101 = arith.constant 0 : i32
      %dma_start3A_102 = tpu.memref_slice %arg6[%add3A_62, %dma_start3A_101] : memref<25x128xi32, #tpu.memory_space<vmem>> -> memref<1x128xi32, #tpu.memory_space<vmem>>
      %dma_start3A_103 = tpu.memref_squeeze %dma_start3A_102 : memref<1x128xi32, #tpu.memory_space<vmem>> -> memref<128xi32, #tpu.memory_space<vmem>>
      %dma_start3A_104 = arith.constant 0 : i32
      %dma_start3A_105 = arith.constant 0 : i32
      %dma_start3A_106 = tpu.memref_slice %arg2[%dma_start3A_104, %dma_start3A_105] : memref<204800x16xf32, #tpu.memory_space<hbm>> -> memref<204800x16xf32, #tpu.memory_space<hbm>>
      tpu.enqueue_indirect_dma source(%dma_start3A_106 : memref<204800x16xf32, #tpu.memory_space<hbm>>) target(%dma_start3A_100 : memref<128x16xf32, #tpu.memory_space<vmem>>) offsets(%dma_start3A_103 : memref<128xi32, #tpu.memory_space<vmem>>) semaphore(%arg11 : memref<!tpu.dma_semaphore, #tpu.memory_space<semaphore_mem>>)
      "tpu.region"() ({
        %run_scoped3A_173 = tpu.sem_alloc : memref<!tpu.dma_semaphore, #tpu.memory_space<semaphore_mem>>
        %dma_start3A_174 = arith.constant 0 : i32
        %dma_start3A_175 = tpu.memref_slice %arg3[%add3A_42, %dma_start3A_174] : memref<102400x16xf32, #tpu.memory_space<hbm>> -> memref<640x16xf32, #tpu.memory_space<hbm>>
        %dma_start3A_176 = arith.constant 0 : i32
        %dma_start3A_177 = tpu.memref_slice %arg3[%add3A_42, %dma_start3A_176] : memref<102400x16xf32, #tpu.memory_space<hbm>> -> memref<640x16xf32, #tpu.memory_space<hbm>>
        tpu.enqueue_dma source(%dma_start3A_177 : memref<640x16xf32, #tpu.memory_space<hbm>>) target(%arg8 : memref<640x16xf32, #tpu.memory_space<vmem>>) target_semaphore(%run_scoped3A_173 : memref<!tpu.dma_semaphore, #tpu.memory_space<semaphore_mem>>)
        %dma_wait3A_178 = arith.constant 0 : i32
        %dma_wait3A_179 = tpu.memref_slice %arg3[%add3A_42, %dma_wait3A_178] : memref<102400x16xf32, #tpu.memory_space<hbm>> -> memref<640x16xf32, #tpu.memory_space<hbm>>
        %dma_wait3A_180 = arith.constant 0 : i32
        %dma_wait3A_181 = tpu.memref_slice %arg3[%add3A_42, %dma_wait3A_180] : memref<102400x16xf32, #tpu.memory_space<hbm>> -> memref<640x16xf32, #tpu.memory_space<hbm>>
        tpu.wait_dma2 semaphore(%run_scoped3A_173 : memref<!tpu.dma_semaphore, #tpu.memory_space<semaphore_mem>>) src(%dma_wait3A_181 : memref<640x16xf32, #tpu.memory_space<hbm>>) dst(%arg8 : memref<640x16xf32, #tpu.memory_space<vmem>>)
        tpu.yield
      }) : () -> ()
      %dma_wait3A = arith.constant 0 : i32
      %dma_wait3A_107 = arith.constant 0 : i32
      %dma_wait3A_108 = tpu.memref_slice %arg7[%dma_wait3A, %dma_wait3A_107] : memref<640x16xf32, #tpu.memory_space<vmem>> -> memref<128x16xf32, #tpu.memory_space<vmem>>
      %dma_wait3A_109 = arith.constant 0 : i32
      %dma_wait3A_110 = tpu.memref_slice %arg6[%add3A_46, %dma_wait3A_109] : memref<25x128xi32, #tpu.memory_space<vmem>> -> memref<1x128xi32, #tpu.memory_space<vmem>>
      %dma_wait3A_111 = tpu.memref_squeeze %dma_wait3A_110 : memref<1x128xi32, #tpu.memory_space<vmem>> -> memref<128xi32, #tpu.memory_space<vmem>>
      %dma_wait3A_112 = arith.constant 0 : i32
      %dma_wait3A_113 = arith.constant 0 : i32
      %dma_wait3A_114 = tpu.memref_slice %arg2[%dma_wait3A_112, %dma_wait3A_113] : memref<204800x16xf32, #tpu.memory_space<hbm>> -> memref<204800x16xf32, #tpu.memory_space<hbm>>
      tpu.wait_indirect_dma semaphore(%arg11 : memref<!tpu.dma_semaphore, #tpu.memory_space<semaphore_mem>>) src(%dma_wait3A_114 : memref<204800x16xf32, #tpu.memory_space<hbm>>) dst(%dma_wait3A_108 : memref<128x16xf32, #tpu.memory_space<vmem>>)
      %dma_wait3A_115 = arith.constant 128 : i32
      %dma_wait3A_116 = arith.constant 0 : i32
      %dma_wait3A_117 = tpu.memref_slice %arg7[%dma_wait3A_115, %dma_wait3A_116] : memref<640x16xf32, #tpu.memory_space<vmem>> -> memref<128x16xf32, #tpu.memory_space<vmem>>
      %dma_wait3A_118 = arith.constant 0 : i32
      %dma_wait3A_119 = tpu.memref_slice %arg6[%add3A_50, %dma_wait3A_118] : memref<25x128xi32, #tpu.memory_space<vmem>> -> memref<1x128xi32, #tpu.memory_space<vmem>>
      %dma_wait3A_120 = tpu.memref_squeeze %dma_wait3A_119 : memref<1x128xi32, #tpu.memory_space<vmem>> -> memref<128xi32, #tpu.memory_space<vmem>>
      %dma_wait3A_121 = arith.constant 0 : i32
      %dma_wait3A_122 = arith.constant 0 : i32
      %dma_wait3A_123 = tpu.memref_slice %arg2[%dma_wait3A_121, %dma_wait3A_122] : memref<204800x16xf32, #tpu.memory_space<hbm>> -> memref<204800x16xf32, #tpu.memory_space<hbm>>
      tpu.wait_indirect_dma semaphore(%arg11 : memref<!tpu.dma_semaphore, #tpu.memory_space<semaphore_mem>>) src(%dma_wait3A_123 : memref<204800x16xf32, #tpu.memory_space<hbm>>) dst(%dma_wait3A_117 : memref<128x16xf32, #tpu.memory_space<vmem>>)
      %dma_wait3A_124 = arith.constant 256 : i32
      %dma_wait3A_125 = arith.constant 0 : i32
      %dma_wait3A_126 = tpu.memref_slice %arg7[%dma_wait3A_124, %dma_wait3A_125] : memref<640x16xf32, #tpu.memory_space<vmem>> -> memref<128x16xf32, #tpu.memory_space<vmem>>
      %dma_wait3A_127 = arith.constant 0 : i32
      %dma_wait3A_128 = tpu.memref_slice %arg6[%add3A_54, %dma_wait3A_127] : memref<25x128xi32, #tpu.memory_space<vmem>> -> memref<1x128xi32, #tpu.memory_space<vmem>>
      %dma_wait3A_129 = tpu.memref_squeeze %dma_wait3A_128 : memref<1x128xi32, #tpu.memory_space<vmem>> -> memref<128xi32, #tpu.memory_space<vmem>>
      %dma_wait3A_130 = arith.constant 0 : i32
      %dma_wait3A_131 = arith.constant 0 : i32
      %dma_wait3A_132 = tpu.memref_slice %arg2[%dma_wait3A_130, %dma_wait3A_131] : memref<204800x16xf32, #tpu.memory_space<hbm>> -> memref<204800x16xf32, #tpu.memory_space<hbm>>
      tpu.wait_indirect_dma semaphore(%arg11 : memref<!tpu.dma_semaphore, #tpu.memory_space<semaphore_mem>>) src(%dma_wait3A_132 : memref<204800x16xf32, #tpu.memory_space<hbm>>) dst(%dma_wait3A_126 : memref<128x16xf32, #tpu.memory_space<vmem>>)
      %dma_wait3A_133 = arith.constant 384 : i32
      %dma_wait3A_134 = arith.constant 0 : i32
      %dma_wait3A_135 = tpu.memref_slice %arg7[%dma_wait3A_133, %dma_wait3A_134] : memref<640x16xf32, #tpu.memory_space<vmem>> -> memref<128x16xf32, #tpu.memory_space<vmem>>
      %dma_wait3A_136 = arith.constant 0 : i32
      %dma_wait3A_137 = tpu.memref_slice %arg6[%add3A_58, %dma_wait3A_136] : memref<25x128xi32, #tpu.memory_space<vmem>> -> memref<1x128xi32, #tpu.memory_space<vmem>>
      %dma_wait3A_138 = tpu.memref_squeeze %dma_wait3A_137 : memref<1x128xi32, #tpu.memory_space<vmem>> -> memref<128xi32, #tpu.memory_space<vmem>>
      %dma_wait3A_139 = arith.constant 0 : i32
      %dma_wait3A_140 = arith.constant 0 : i32
      %dma_wait3A_141 = tpu.memref_slice %arg2[%dma_wait3A_139, %dma_wait3A_140] : memref<204800x16xf32, #tpu.memory_space<hbm>> -> memref<204800x16xf32, #tpu.memory_space<hbm>>
      tpu.wait_indirect_dma semaphore(%arg11 : memref<!tpu.dma_semaphore, #tpu.memory_space<semaphore_mem>>) src(%dma_wait3A_141 : memref<204800x16xf32, #tpu.memory_space<hbm>>) dst(%dma_wait3A_135 : memref<128x16xf32, #tpu.memory_space<vmem>>)
      %dma_wait3A_142 = arith.constant 512 : i32
      %dma_wait3A_143 = arith.constant 0 : i32
      %dma_wait3A_144 = tpu.memref_slice %arg7[%dma_wait3A_142, %dma_wait3A_143] : memref<640x16xf32, #tpu.memory_space<vmem>> -> memref<128x16xf32, #tpu.memory_space<vmem>>
      %dma_wait3A_145 = arith.constant 0 : i32
      %dma_wait3A_146 = tpu.memref_slice %arg6[%add3A_62, %dma_wait3A_145] : memref<25x128xi32, #tpu.memory_space<vmem>> -> memref<1x128xi32, #tpu.memory_space<vmem>>
      %dma_wait3A_147 = tpu.memref_squeeze %dma_wait3A_146 : memref<1x128xi32, #tpu.memory_space<vmem>> -> memref<128xi32, #tpu.memory_space<vmem>>
      %dma_wait3A_148 = arith.constant 0 : i32
      %dma_wait3A_149 = arith.constant 0 : i32
      %dma_wait3A_150 = tpu.memref_slice %arg2[%dma_wait3A_148, %dma_wait3A_149] : memref<204800x16xf32, #tpu.memory_space<hbm>> -> memref<204800x16xf32, #tpu.memory_space<hbm>>
      tpu.wait_indirect_dma semaphore(%arg11 : memref<!tpu.dma_semaphore, #tpu.memory_space<semaphore_mem>>) src(%dma_wait3A_150 : memref<204800x16xf32, #tpu.memory_space<hbm>>) dst(%dma_wait3A_144 : memref<128x16xf32, #tpu.memory_space<vmem>>)
      %scan3A_151 = arith.constant 0 : i32
      %scan3A_152 = arith.constant 0 : i32
      %scan3A_153 = arith.constant 640 : i32
      %scan3A_154 = arith.addi %scan3A_152, %scan3A_153 : i32
      %scan3A_155 = arith.constant 4 : i32
      %scan3A_156 = scf.for %scan3A_173 = %scan3A_152 to %scan3A_154 step %scan3A_155 iter_args(%scan3A_174 = %scan3A_151) -> (i32)  : i32 {
        %get3A = arith.index_cast %scan3A_173 : i32 to index
        %get3A_175 = arith.constant 0 : index
        %get3A_176 = tpu.vector_load %arg7[%get3A, %get3A_175] {strides = array<i32>} : memref<640x16xf32, #tpu.memory_space<vmem>>, vector<16xf32>,
        %get3A_177 = arith.index_cast %scan3A_173 : i32 to index
        %get3A_178 = arith.constant 0 : index
        %get3A_179 = tpu.vector_load %arg8[%get3A_177, %get3A_178] {strides = array<i32>} : memref<640x16xf32, #tpu.memory_space<vmem>>, vector<16xf32>,
        %mul3A_180 = arith.mulf %get3A_176, %get3A_179 : vector<16xf32>
        %broadcast_in_dim3A_181 = vector.shape_cast %add3A_13 : vector<16xi32> to vector<16x1xi32>
        %gather3A = vector.shape_cast %broadcast_in_dim3A_181 : vector<16x1xi32> to vector<16xi32>
        %gather3A_182 = tpu.dynamic_gather %mul3A_180[%gather3A] in [0] : vector<16xf32>, vector<16xi32> -> vector<16xf32>
        %add3A_183 = arith.addf %mul3A_180, %gather3A_182 : vector<16xf32>
        %broadcast_in_dim3A_184 = vector.shape_cast %add3A_26 : vector<16xi32> to vector<16x1xi32>
        %gather3A_185 = vector.shape_cast %broadcast_in_dim3A_184 : vector<16x1xi32> to vector<16xi32>
        %gather3A_186 = tpu.dynamic_gather %mul3A_180[%gather3A_185] in [0] : vector<16xf32>, vector<16xi32> -> vector<16xf32>
        %add3A_187 = arith.addf %add3A_183, %gather3A_186 : vector<16xf32>
        %sub3A = arith.constant 0.000000e+00 : f32
        %sub3A_188 = vector.broadcast %sub3A : f32 to vector<16xf32>
        %sub3A_189 = arith.subf %sub3A_188, %add3A_187 : vector<16xf32>
        %lt3A = arith.constant 0.00999999977 : f32
        %lt3A_190 = vector.broadcast %lt3A : f32 to vector<16xf32>
        %lt3A_191 = arith.cmpf olt, %sub3A_189, %lt3A_190 : vector<16xf32>
        %jit3A_192 = arith.constant -1.000000e+00 : f32
        %broadcast_in_dim3A_193 = vector.broadcast %jit3A_192 : f32 to vector<16xf32>
        %select_n3A_194 = arith.select %lt3A_191, %broadcast_in_dim3A_193, %sub3A_189 : vector<16xi1>, vector<16xf32>
        %swap3A = arith.index_cast %scan3A_173 : i32 to index
        %swap3A_195 = arith.constant 0 : index
        %swap3A_196 = tpu.vector_load %arg9[%swap3A, %swap3A_195] {strides = array<i32>} : memref<640x16xf32, #tpu.memory_space<vmem>>, vector<16xf32>,
        tpu.vector_store %arg9[%swap3A, %swap3A_195], %select_n3A_194 {strides = array<i32>} : memref<640x16xf32, #tpu.memory_space<vmem>>, vector<16xf32>,
        %scan3A_197 = arith.constant 0 : i32
        %scan3A_198 = arith.constant 1 : i32
        %scan3A_199 = arith.addi %scan3A_173, %scan3A_198 : i32
        %get3A_200 = arith.index_cast %scan3A_199 : i32 to index
        %get3A_201 = arith.constant 0 : index
        %get3A_202 = tpu.vector_load %arg7[%get3A_200, %get3A_201] {strides = array<i32>} : memref<640x16xf32, #tpu.memory_space<vmem>>, vector<16xf32>,
        %get3A_203 = arith.index_cast %scan3A_199 : i32 to index
        %get3A_204 = arith.constant 0 : index
        %get3A_205 = tpu.vector_load %arg8[%get3A_203, %get3A_204] {strides = array<i32>} : memref<640x16xf32, #tpu.memory_space<vmem>>, vector<16xf32>,
        %mul3A_206 = arith.mulf %get3A_202, %get3A_205 : vector<16xf32>
        %broadcast_in_dim3A_207 = vector.shape_cast %add3A_13 : vector<16xi32> to vector<16x1xi32>
        %gather3A_208 = vector.shape_cast %broadcast_in_dim3A_207 : vector<16x1xi32> to vector<16xi32>
        %gather3A_209 = tpu.dynamic_gather %mul3A_206[%gather3A_208] in [0] : vector<16xf32>, vector<16xi32> -> vector<16xf32>
        %add3A_210 = arith.addf %mul3A_206, %gather3A_209 : vector<16xf32>
        %broadcast_in_dim3A_211 = vector.shape_cast %add3A_26 : vector<16xi32> to vector<16x1xi32>
        %gather3A_212 = vector.shape_cast %broadcast_in_dim3A_211 : vector<16x1xi32> to vector<16xi32>
        %gather3A_213 = tpu.dynamic_gather %mul3A_206[%gather3A_212] in [0] : vector<16xf32>, vector<16xi32> -> vector<16xf32>
        %add3A_214 = arith.addf %add3A_210, %gather3A_213 : vector<16xf32>
        %sub3A_215 = arith.constant 0.000000e+00 : f32
        %sub3A_216 = vector.broadcast %sub3A_215 : f32 to vector<16xf32>
        %sub3A_217 = arith.subf %sub3A_216, %add3A_214 : vector<16xf32>
        %lt3A_218 = arith.constant 0.00999999977 : f32
        %lt3A_219 = vector.broadcast %lt3A_218 : f32 to vector<16xf32>
        %lt3A_220 = arith.cmpf olt, %sub3A_217, %lt3A_219 : vector<16xf32>
        %jit3A_221 = arith.constant -1.000000e+00 : f32
        %broadcast_in_dim3A_222 = vector.broadcast %jit3A_221 : f32 to vector<16xf32>
        %select_n3A_223 = arith.select %lt3A_220, %broadcast_in_dim3A_222, %sub3A_217 : vector<16xi1>, vector<16xf32>
        %swap3A_224 = arith.index_cast %scan3A_199 : i32 to index
        %swap3A_225 = arith.constant 0 : index
        %swap3A_226 = tpu.vector_load %arg9[%swap3A_224, %swap3A_225] {strides = array<i32>} : memref<640x16xf32, #tpu.memory_space<vmem>>, vector<16xf32>,
        tpu.vector_store %arg9[%swap3A_224, %swap3A_225], %select_n3A_223 {strides = array<i32>} : memref<640x16xf32, #tpu.memory_space<vmem>>, vector<16xf32>,
        %scan3A_227 = arith.constant 0 : i32
        %scan3A_228 = arith.constant 2 : i32
        %scan3A_229 = arith.addi %scan3A_173, %scan3A_228 : i32
        %get3A_230 = arith.index_cast %scan3A_229 : i32 to index
        %get3A_231 = arith.constant 0 : index
        %get3A_232 = tpu.vector_load %arg7[%get3A_230, %get3A_231] {strides = array<i32>} : memref<640x16xf32, #tpu.memory_space<vmem>>, vector<16xf32>,
        %get3A_233 = arith.index_cast %scan3A_229 : i32 to index
        %get3A_234 = arith.constant 0 : index
        %get3A_235 = tpu.vector_load %arg8[%get3A_233, %get3A_234] {strides = array<i32>} : memref<640x16xf32, #tpu.memory_space<vmem>>, vector<16xf32>,
        %mul3A_236 = arith.mulf %get3A_232, %get3A_235 : vector<16xf32>
        %broadcast_in_dim3A_237 = vector.shape_cast %add3A_13 : vector<16xi32> to vector<16x1xi32>
        %gather3A_238 = vector.shape_cast %broadcast_in_dim3A_237 : vector<16x1xi32> to vector<16xi32>
        %gather3A_239 = tpu.dynamic_gather %mul3A_236[%gather3A_238] in [0] : vector<16xf32>, vector<16xi32> -> vector<16xf32>
        %add3A_240 = arith.addf %mul3A_236, %gather3A_239 : vector<16xf32>
        %broadcast_in_dim3A_241 = vector.shape_cast %add3A_26 : vector<16xi32> to vector<16x1xi32>
        %gather3A_242 = vector.shape_cast %broadcast_in_dim3A_241 : vector<16x1xi32> to vector<16xi32>
        %gather3A_243 = tpu.dynamic_gather %mul3A_236[%gather3A_242] in [0] : vector<16xf32>, vector<16xi32> -> vector<16xf32>
        %add3A_244 = arith.addf %add3A_240, %gather3A_243 : vector<16xf32>
        %sub3A_245 = arith.constant 0.000000e+00 : f32
        %sub3A_246 = vector.broadcast %sub3A_245 : f32 to vector<16xf32>
        %sub3A_247 = arith.subf %sub3A_246, %add3A_244 : vector<16xf32>
        %lt3A_248 = arith.constant 0.00999999977 : f32
        %lt3A_249 = vector.broadcast %lt3A_248 : f32 to vector<16xf32>
        %lt3A_250 = arith.cmpf olt, %sub3A_247, %lt3A_249 : vector<16xf32>
        %jit3A_251 = arith.constant -1.000000e+00 : f32
        %broadcast_in_dim3A_252 = vector.broadcast %jit3A_251 : f32 to vector<16xf32>
        %select_n3A_253 = arith.select %lt3A_250, %broadcast_in_dim3A_252, %sub3A_247 : vector<16xi1>, vector<16xf32>
        %swap3A_254 = arith.index_cast %scan3A_229 : i32 to index
        %swap3A_255 = arith.constant 0 : index
        %swap3A_256 = tpu.vector_load %arg9[%swap3A_254, %swap3A_255] {strides = array<i32>} : memref<640x16xf32, #tpu.memory_space<vmem>>, vector<16xf32>,
        tpu.vector_store %arg9[%swap3A_254, %swap3A_255], %select_n3A_253 {strides = array<i32>} : memref<640x16xf32, #tpu.memory_space<vmem>>, vector<16xf32>,
        %scan3A_257 = arith.constant 0 : i32
        %scan3A_258 = arith.constant 3 : i32
        %scan3A_259 = arith.addi %scan3A_173, %scan3A_258 : i32
        %get3A_260 = arith.index_cast %scan3A_259 : i32 to index
        %get3A_261 = arith.constant 0 : index
        %get3A_262 = tpu.vector_load %arg7[%get3A_260, %get3A_261] {strides = array<i32>} : memref<640x16xf32, #tpu.memory_space<vmem>>, vector<16xf32>,
        %get3A_263 = arith.index_cast %scan3A_259 : i32 to index
        %get3A_264 = arith.constant 0 : index
        %get3A_265 = tpu.vector_load %arg8[%get3A_263, %get3A_264] {strides = array<i32>} : memref<640x16xf32, #tpu.memory_space<vmem>>, vector<16xf32>,
        %mul3A_266 = arith.mulf %get3A_262, %get3A_265 : vector<16xf32>
        %broadcast_in_dim3A_267 = vector.shape_cast %add3A_13 : vector<16xi32> to vector<16x1xi32>
        %gather3A_268 = vector.shape_cast %broadcast_in_dim3A_267 : vector<16x1xi32> to vector<16xi32>
        %gather3A_269 = tpu.dynamic_gather %mul3A_266[%gather3A_268] in [0] : vector<16xf32>, vector<16xi32> -> vector<16xf32>
        %add3A_270 = arith.addf %mul3A_266, %gather3A_269 : vector<16xf32>
        %broadcast_in_dim3A_271 = vector.shape_cast %add3A_26 : vector<16xi32> to vector<16x1xi32>
        %gather3A_272 = vector.shape_cast %broadcast_in_dim3A_271 : vector<16x1xi32> to vector<16xi32>
        %gather3A_273 = tpu.dynamic_gather %mul3A_266[%gather3A_272] in [0] : vector<16xf32>, vector<16xi32> -> vector<16xf32>
        %add3A_274 = arith.addf %add3A_270, %gather3A_273 : vector<16xf32>
        %sub3A_275 = arith.constant 0.000000e+00 : f32
        %sub3A_276 = vector.broadcast %sub3A_275 : f32 to vector<16xf32>
        %sub3A_277 = arith.subf %sub3A_276, %add3A_274 : vector<16xf32>
        %lt3A_278 = arith.constant 0.00999999977 : f32
        %lt3A_279 = vector.broadcast %lt3A_278 : f32 to vector<16xf32>
        %lt3A_280 = arith.cmpf olt, %sub3A_277, %lt3A_279 : vector<16xf32>
        %jit3A_281 = arith.constant -1.000000e+00 : f32
        %broadcast_in_dim3A_282 = vector.broadcast %jit3A_281 : f32 to vector<16xf32>
        %select_n3A_283 = arith.select %lt3A_280, %broadcast_in_dim3A_282, %sub3A_277 : vector<16xi1>, vector<16xf32>
        %swap3A_284 = arith.index_cast %scan3A_259 : i32 to index
        %swap3A_285 = arith.constant 0 : index
        %swap3A_286 = tpu.vector_load %arg9[%swap3A_284, %swap3A_285] {strides = array<i32>} : memref<640x16xf32, #tpu.memory_space<vmem>>, vector<16xf32>,
        tpu.vector_store %arg9[%swap3A_284, %swap3A_285], %select_n3A_283 {strides = array<i32>} : memref<640x16xf32, #tpu.memory_space<vmem>>, vector<16xf32>,
        %scan3A_287 = arith.constant 0 : i32
        scf.yield %scan3A_287 : i32
      }
      %scan3A_157 = arith.constant 640 : i32
      %scan3A_158 = arith.constant 0 : i32
      %scan3A_159 = arith.constant 0 : i32
      %scan3A_160 = arith.constant 40 : i32
      %scan3A_161 = arith.addi %scan3A_159, %scan3A_160 : i32
      %scan3A_162 = arith.constant 2 : i32
      %scan3A_163 = scf.for %scan3A_173 = %scan3A_159 to %scan3A_161 step %scan3A_162 iter_args(%scan3A_174 = %scan3A_158) -> (i32)  : i32 {
        %mul3A_175 = arith.constant 16 : i32
        %mul3A_176 = arith.muli %scan3A_173, %mul3A_175 : i32
        %add3A_177 = vector.broadcast %mul3A_176 : i32 to vector<16xi32>
        %add3A_178 = arith.addi %add3A_177, %iota3A_27 : vector<16xi32>
        %broadcast_in_dim3A_179 = arith.constant 0 : i32
        %broadcast_in_dim3A_180 = vector.broadcast %broadcast_in_dim3A_179 : i32 to vector<16xi32>
        %gather3A = tpu.vector_load_idx %arg9[%add3A_178, %broadcast_in_dim3A_180] : memref<640x16xf32, #tpu.memory_space<vmem>>[vector<16xi32>, vector<16xi32>], vector<16xf32>,
        %mul3A_181 = arith.constant 16 : i32
        %mul3A_182 = arith.muli %scan3A_173, %mul3A_181 : i32
        %swap3A = arith.constant 0 : i32
        %swap3A_183 = arith.index_cast %swap3A : i32 to index
        %swap3A_184 = arith.index_cast %mul3A_182 : i32 to index
        %swap3A_185 = tpu.vector_load %arg10[%swap3A_183, %swap3A_184] {strides = array<i32>} : memref<4x640xf32, #tpu.memory_space<vmem>>, vector<16xf32>,
        tpu.vector_store %arg10[%swap3A_183, %swap3A_184], %gather3A {strides = array<i32>} : memref<4x640xf32, #tpu.memory_space<vmem>>, vector<16xf32>,
        %broadcast_in_dim3A_186 = arith.constant 4 : i32
        %broadcast_in_dim3A_187 = vector.broadcast %broadcast_in_dim3A_186 : i32 to vector<16xi32>
        %gather3A_188 = tpu.vector_load_idx %arg9[%add3A_178, %broadcast_in_dim3A_187] : memref<640x16xf32, #tpu.memory_space<vmem>>[vector<16xi32>, vector<16xi32>], vector<16xf32>,
        %mul3A_189 = arith.constant 16 : i32
        %mul3A_190 = arith.muli %scan3A_173, %mul3A_189 : i32
        %swap3A_191 = arith.constant 1 : i32
        %swap3A_192 = arith.index_cast %swap3A_191 : i32 to index
        %swap3A_193 = arith.index_cast %mul3A_190 : i32 to index
        %swap3A_194 = tpu.vector_load %arg10[%swap3A_192, %swap3A_193] {strides = array<i32>} : memref<4x640xf32, #tpu.memory_space<vmem>>, vector<16xf32>,
        tpu.vector_store %arg10[%swap3A_192, %swap3A_193], %gather3A_188 {strides = array<i32>} : memref<4x640xf32, #tpu.memory_space<vmem>>, vector<16xf32>,
        %broadcast_in_dim3A_195 = arith.constant 8 : i32
        %broadcast_in_dim3A_196 = vector.broadcast %broadcast_in_dim3A_195 : i32 to vector<16xi32>
        %gather3A_197 = tpu.vector_load_idx %arg9[%add3A_178, %broadcast_in_dim3A_196] : memref<640x16xf32, #tpu.memory_space<vmem>>[vector<16xi32>, vector<16xi32>], vector<16xf32>,
        %mul3A_198 = arith.constant 16 : i32
        %mul3A_199 = arith.muli %scan3A_173, %mul3A_198 : i32
        %swap3A_200 = arith.constant 2 : i32
        %swap3A_201 = arith.index_cast %swap3A_200 : i32 to index
        %swap3A_202 = arith.index_cast %mul3A_199 : i32 to index
        %swap3A_203 = tpu.vector_load %arg10[%swap3A_201, %swap3A_202] {strides = array<i32>} : memref<4x640xf32, #tpu.memory_space<vmem>>, vector<16xf32>,
        tpu.vector_store %arg10[%swap3A_201, %swap3A_202], %gather3A_197 {strides = array<i32>} : memref<4x640xf32, #tpu.memory_space<vmem>>, vector<16xf32>,
        %broadcast_in_dim3A_204 = arith.constant 12 : i32
        %broadcast_in_dim3A_205 = vector.broadcast %broadcast_in_dim3A_204 : i32 to vector<16xi32>
        %gather3A_206 = tpu.vector_load_idx %arg9[%add3A_178, %broadcast_in_dim3A_205] : memref<640x16xf32, #tpu.memory_space<vmem>>[vector<16xi32>, vector<16xi32>], vector<16xf32>,
        %mul3A_207 = arith.constant 16 : i32
        %mul3A_208 = arith.muli %scan3A_173, %mul3A_207 : i32
        %swap3A_209 = arith.constant 3 : i32
        %swap3A_210 = arith.index_cast %swap3A_209 : i32 to index
        %swap3A_211 = arith.index_cast %mul3A_208 : i32 to index
        %swap3A_212 = tpu.vector_load %arg10[%swap3A_210, %swap3A_211] {strides = array<i32>} : memref<4x640xf32, #tpu.memory_space<vmem>>, vector<16xf32>,
        tpu.vector_store %arg10[%swap3A_210, %swap3A_211], %gather3A_206 {strides = array<i32>} : memref<4x640xf32, #tpu.memory_space<vmem>>, vector<16xf32>,
        %scan3A_213 = arith.constant 0 : i32
        %scan3A_214 = arith.constant 1 : i32
        %scan3A_215 = arith.addi %scan3A_173, %scan3A_214 : i32
        %mul3A_216 = arith.constant 16 : i32
        %mul3A_217 = arith.muli %scan3A_215, %mul3A_216 : i32
        %add3A_218 = vector.broadcast %mul3A_217 : i32 to vector<16xi32>
        %add3A_219 = arith.addi %add3A_218, %iota3A_27 : vector<16xi32>
        %broadcast_in_dim3A_220 = arith.constant 0 : i32
        %broadcast_in_dim3A_221 = vector.broadcast %broadcast_in_dim3A_220 : i32 to vector<16xi32>
        %gather3A_222 = tpu.vector_load_idx %arg9[%add3A_219, %broadcast_in_dim3A_221] : memref<640x16xf32, #tpu.memory_space<vmem>>[vector<16xi32>, vector<16xi32>], vector<16xf32>,
        %mul3A_223 = arith.constant 16 : i32
        %mul3A_224 = arith.muli %scan3A_215, %mul3A_223 : i32
        %swap3A_225 = arith.constant 0 : i32
        %swap3A_226 = arith.index_cast %swap3A_225 : i32 to index
        %swap3A_227 = arith.index_cast %mul3A_224 : i32 to index
        %swap3A_228 = tpu.vector_load %arg10[%swap3A_226, %swap3A_227] {strides = array<i32>} : memref<4x640xf32, #tpu.memory_space<vmem>>, vector<16xf32>,
        tpu.vector_store %arg10[%swap3A_226, %swap3A_227], %gather3A_222 {strides = array<i32>} : memref<4x640xf32, #tpu.memory_space<vmem>>, vector<16xf32>,
        %broadcast_in_dim3A_229 = arith.constant 4 : i32
        %broadcast_in_dim3A_230 = vector.broadcast %broadcast_in_dim3A_229 : i32 to vector<16xi32>
        %gather3A_231 = tpu.vector_load_idx %arg9[%add3A_219, %broadcast_in_dim3A_230] : memref<640x16xf32, #tpu.memory_space<vmem>>[vector<16xi32>, vector<16xi32>], vector<16xf32>,
        %mul3A_232 = arith.constant 16 : i32
        %mul3A_233 = arith.muli %scan3A_215, %mul3A_232 : i32
        %swap3A_234 = arith.constant 1 : i32
        %swap3A_235 = arith.index_cast %swap3A_234 : i32 to index
        %swap3A_236 = arith.index_cast %mul3A_233 : i32 to index
        %swap3A_237 = tpu.vector_load %arg10[%swap3A_235, %swap3A_236] {strides = array<i32>} : memref<4x640xf32, #tpu.memory_space<vmem>>, vector<16xf32>,
        tpu.vector_store %arg10[%swap3A_235, %swap3A_236], %gather3A_231 {strides = array<i32>} : memref<4x640xf32, #tpu.memory_space<vmem>>, vector<16xf32>,
        %broadcast_in_dim3A_238 = arith.constant 8 : i32
        %broadcast_in_dim3A_239 = vector.broadcast %broadcast_in_dim3A_238 : i32 to vector<16xi32>
        %gather3A_240 = tpu.vector_load_idx %arg9[%add3A_219, %broadcast_in_dim3A_239] : memref<640x16xf32, #tpu.memory_space<vmem>>[vector<16xi32>, vector<16xi32>], vector<16xf32>,
        %mul3A_241 = arith.constant 16 : i32
        %mul3A_242 = arith.muli %scan3A_215, %mul3A_241 : i32
        %swap3A_243 = arith.constant 2 : i32
        %swap3A_244 = arith.index_cast %swap3A_243 : i32 to index
        %swap3A_245 = arith.index_cast %mul3A_242 : i32 to index
        %swap3A_246 = tpu.vector_load %arg10[%swap3A_244, %swap3A_245] {strides = array<i32>} : memref<4x640xf32, #tpu.memory_space<vmem>>, vector<16xf32>,
        tpu.vector_store %arg10[%swap3A_244, %swap3A_245], %gather3A_240 {strides = array<i32>} : memref<4x640xf32, #tpu.memory_space<vmem>>, vector<16xf32>,
        %broadcast_in_dim3A_247 = arith.constant 12 : i32
        %broadcast_in_dim3A_248 = vector.broadcast %broadcast_in_dim3A_247 : i32 to vector<16xi32>
        %gather3A_249 = tpu.vector_load_idx %arg9[%add3A_219, %broadcast_in_dim3A_248] : memref<640x16xf32, #tpu.memory_space<vmem>>[vector<16xi32>, vector<16xi32>], vector<16xf32>,
        %mul3A_250 = arith.constant 16 : i32
        %mul3A_251 = arith.muli %scan3A_215, %mul3A_250 : i32
        %swap3A_252 = arith.constant 3 : i32
        %swap3A_253 = arith.index_cast %swap3A_252 : i32 to index
        %swap3A_254 = arith.index_cast %mul3A_251 : i32 to index
        %swap3A_255 = tpu.vector_load %arg10[%swap3A_253, %swap3A_254] {strides = array<i32>} : memref<4x640xf32, #tpu.memory_space<vmem>>, vector<16xf32>,
        tpu.vector_store %arg10[%swap3A_253, %swap3A_254], %gather3A_249 {strides = array<i32>} : memref<4x640xf32, #tpu.memory_space<vmem>>, vector<16xf32>,
        %scan3A_256 = arith.constant 0 : i32
        scf.yield %scan3A_256 : i32
      }
      %scan3A_164 = arith.constant 40 : i32
      %run_scoped3A = arith.constant 0 : i32
      %run_scoped3A_165 = arith.constant 0 : i32
      "tpu.region"() ({
        %run_scoped3A_173 = tpu.sem_alloc : memref<!tpu.dma_semaphore, #tpu.memory_space<semaphore_mem>>
        %dma_start3A_174 = arith.constant 0 : i32
        %dma_start3A_175 = tpu.memref_slice %arg10[%run_scoped3A, %dma_start3A_174] : memref<4x640xf32, #tpu.memory_space<vmem>> -> memref<1x640xf32, #tpu.memory_space<vmem>>
        %dma_start3A_176 = tpu.memref_squeeze %dma_start3A_175 : memref<1x640xf32, #tpu.memory_space<vmem>> -> memref<640xf32, #tpu.memory_space<vmem>>
        %dma_start3A_177 = tpu.memref_slice %arg5[%run_scoped3A_165, %add3A_42] : memref<4x102400xf32, #tpu.memory_space<hbm>> -> memref<1x640xf32, #tpu.memory_space<hbm>>
        %dma_start3A_178 = tpu.memref_squeeze %dma_start3A_177 : memref<1x640xf32, #tpu.memory_space<hbm>> -> memref<640xf32, #tpu.memory_space<hbm>>
        %dma_start3A_179 = tpu.memref_slice %arg5[%run_scoped3A_165, %add3A_42] : memref<4x102400xf32, #tpu.memory_space<hbm>> -> memref<1x640xf32, #tpu.memory_space<hbm>>
        %dma_start3A_180 = tpu.memref_squeeze %dma_start3A_179 : memref<1x640xf32, #tpu.memory_space<hbm>> -> memref<640xf32, #tpu.memory_space<hbm>>
        %dma_start3A_181 = arith.constant 0 : i32
        %dma_start3A_182 = tpu.memref_slice %arg10[%run_scoped3A, %dma_start3A_181] : memref<4x640xf32, #tpu.memory_space<vmem>> -> memref<1x640xf32, #tpu.memory_space<vmem>>
        %dma_start3A_183 = tpu.memref_squeeze %dma_start3A_182 : memref<1x640xf32, #tpu.memory_space<vmem>> -> memref<640xf32, #tpu.memory_space<vmem>>
        tpu.enqueue_dma source(%dma_start3A_183 : memref<640xf32, #tpu.memory_space<vmem>>) target(%dma_start3A_180 : memref<640xf32, #tpu.memory_space<hbm>>) target_semaphore(%run_scoped3A_173 : memref<!tpu.dma_semaphore, #tpu.memory_space<semaphore_mem>>)
        %dma_wait3A_184 = arith.constant 0 : i32
        %dma_wait3A_185 = tpu.memref_slice %arg10[%run_scoped3A, %dma_wait3A_184] : memref<4x640xf32, #tpu.memory_space<vmem>> -> memref<1x640xf32, #tpu.memory_space<vmem>>
        %dma_wait3A_186 = tpu.memref_squeeze %dma_wait3A_185 : memref<1x640xf32, #tpu.memory_space<vmem>> -> memref<640xf32, #tpu.memory_space<vmem>>
        %dma_wait3A_187 = tpu.memref_slice %arg5[%run_scoped3A_165, %add3A_42] : memref<4x102400xf32, #tpu.memory_space<hbm>> -> memref<1x640xf32, #tpu.memory_space<hbm>>
        %dma_wait3A_188 = tpu.memref_squeeze %dma_wait3A_187 : memref<1x640xf32, #tpu.memory_space<hbm>> -> memref<640xf32, #tpu.memory_space<hbm>>
        %dma_wait3A_189 = tpu.memref_slice %arg5[%run_scoped3A_165, %add3A_42] : memref<4x102400xf32, #tpu.memory_space<hbm>> -> memref<1x640xf32, #tpu.memory_space<hbm>>
        %dma_wait3A_190 = tpu.memref_squeeze %dma_wait3A_189 : memref<1x640xf32, #tpu.memory_space<hbm>> -> memref<640xf32, #tpu.memory_space<hbm>>
        %dma_wait3A_191 = arith.constant 0 : i32
        %dma_wait3A_192 = tpu.memref_slice %arg10[%run_scoped3A, %dma_wait3A_191] : memref<4x640xf32, #tpu.memory_space<vmem>> -> memref<1x640xf32, #tpu.memory_space<vmem>>
        %dma_wait3A_193 = tpu.memref_squeeze %dma_wait3A_192 : memref<1x640xf32, #tpu.memory_space<vmem>> -> memref<640xf32, #tpu.memory_space<vmem>>
        tpu.wait_dma2 semaphore(%run_scoped3A_173 : memref<!tpu.dma_semaphore, #tpu.memory_space<semaphore_mem>>) src(%dma_wait3A_193 : memref<640xf32, #tpu.memory_space<vmem>>) dst(%dma_wait3A_190 : memref<640xf32, #tpu.memory_space<hbm>>)
        tpu.yield
      }) : () -> ()
      %run_scoped3A_166 = arith.constant 1 : i32
      %run_scoped3A_167 = arith.constant 1 : i32
      "tpu.region"() ({
        %run_scoped3A_173 = tpu.sem_alloc : memref<!tpu.dma_semaphore, #tpu.memory_space<semaphore_mem>>
        %dma_start3A_174 = arith.constant 0 : i32
        %dma_start3A_175 = tpu.memref_slice %arg10[%run_scoped3A_166, %dma_start3A_174] : memref<4x640xf32, #tpu.memory_space<vmem>> -> memref<1x640xf32, #tpu.memory_space<vmem>>
        %dma_start3A_176 = tpu.memref_squeeze %dma_start3A_175 : memref<1x640xf32, #tpu.memory_space<vmem>> -> memref<640xf32, #tpu.memory_space<vmem>>
        %dma_start3A_177 = tpu.memref_slice %arg5[%run_scoped3A_167, %add3A_42] : memref<4x102400xf32, #tpu.memory_space<hbm>> -> memref<1x640xf32, #tpu.memory_space<hbm>>
        %dma_start3A_178 = tpu.memref_squeeze %dma_start3A_177 : memref<1x640xf32, #tpu.memory_space<hbm>> -> memref<640xf32, #tpu.memory_space<hbm>>
        %dma_start3A_179 = tpu.memref_slice %arg5[%run_scoped3A_167, %add3A_42] : memref<4x102400xf32, #tpu.memory_space<hbm>> -> memref<1x640xf32, #tpu.memory_space<hbm>>
        %dma_start3A_180 = tpu.memref_squeeze %dma_start3A_179 : memref<1x640xf32, #tpu.memory_space<hbm>> -> memref<640xf32, #tpu.memory_space<hbm>>
        %dma_start3A_181 = arith.constant 0 : i32
        %dma_start3A_182 = tpu.memref_slice %arg10[%run_scoped3A_166, %dma_start3A_181] : memref<4x640xf32, #tpu.memory_space<vmem>> -> memref<1x640xf32, #tpu.memory_space<vmem>>
        %dma_start3A_183 = tpu.memref_squeeze %dma_start3A_182 : memref<1x640xf32, #tpu.memory_space<vmem>> -> memref<640xf32, #tpu.memory_space<vmem>>
        tpu.enqueue_dma source(%dma_start3A_183 : memref<640xf32, #tpu.memory_space<vmem>>) target(%dma_start3A_180 : memref<640xf32, #tpu.memory_space<hbm>>) target_semaphore(%run_scoped3A_173 : memref<!tpu.dma_semaphore, #tpu.memory_space<semaphore_mem>>)
        %dma_wait3A_184 = arith.constant 0 : i32
        %dma_wait3A_185 = tpu.memref_slice %arg10[%run_scoped3A_166, %dma_wait3A_184] : memref<4x640xf32, #tpu.memory_space<vmem>> -> memref<1x640xf32, #tpu.memory_space<vmem>>
        %dma_wait3A_186 = tpu.memref_squeeze %dma_wait3A_185 : memref<1x640xf32, #tpu.memory_space<vmem>> -> memref<640xf32, #tpu.memory_space<vmem>>
        %dma_wait3A_187 = tpu.memref_slice %arg5[%run_scoped3A_167, %add3A_42] : memref<4x102400xf32, #tpu.memory_space<hbm>> -> memref<1x640xf32, #tpu.memory_space<hbm>>
        %dma_wait3A_188 = tpu.memref_squeeze %dma_wait3A_187 : memref<1x640xf32, #tpu.memory_space<hbm>> -> memref<640xf32, #tpu.memory_space<hbm>>
        %dma_wait3A_189 = tpu.memref_slice %arg5[%run_scoped3A_167, %add3A_42] : memref<4x102400xf32, #tpu.memory_space<hbm>> -> memref<1x640xf32, #tpu.memory_space<hbm>>
        %dma_wait3A_190 = tpu.memref_squeeze %dma_wait3A_189 : memref<1x640xf32, #tpu.memory_space<hbm>> -> memref<640xf32, #tpu.memory_space<hbm>>
        %dma_wait3A_191 = arith.constant 0 : i32
        %dma_wait3A_192 = tpu.memref_slice %arg10[%run_scoped3A_166, %dma_wait3A_191] : memref<4x640xf32, #tpu.memory_space<vmem>> -> memref<1x640xf32, #tpu.memory_space<vmem>>
        %dma_wait3A_193 = tpu.memref_squeeze %dma_wait3A_192 : memref<1x640xf32, #tpu.memory_space<vmem>> -> memref<640xf32, #tpu.memory_space<vmem>>
        tpu.wait_dma2 semaphore(%run_scoped3A_173 : memref<!tpu.dma_semaphore, #tpu.memory_space<semaphore_mem>>) src(%dma_wait3A_193 : memref<640xf32, #tpu.memory_space<vmem>>) dst(%dma_wait3A_190 : memref<640xf32, #tpu.memory_space<hbm>>)
        tpu.yield
      }) : () -> ()
      %run_scoped3A_168 = arith.constant 2 : i32
      %run_scoped3A_169 = arith.constant 2 : i32
      "tpu.region"() ({
        %run_scoped3A_173 = tpu.sem_alloc : memref<!tpu.dma_semaphore, #tpu.memory_space<semaphore_mem>>
        %dma_start3A_174 = arith.constant 0 : i32
        %dma_start3A_175 = tpu.memref_slice %arg10[%run_scoped3A_168, %dma_start3A_174] : memref<4x640xf32, #tpu.memory_space<vmem>> -> memref<1x640xf32, #tpu.memory_space<vmem>>
        %dma_start3A_176 = tpu.memref_squeeze %dma_start3A_175 : memref<1x640xf32, #tpu.memory_space<vmem>> -> memref<640xf32, #tpu.memory_space<vmem>>
        %dma_start3A_177 = tpu.memref_slice %arg5[%run_scoped3A_169, %add3A_42] : memref<4x102400xf32, #tpu.memory_space<hbm>> -> memref<1x640xf32, #tpu.memory_space<hbm>>
        %dma_start3A_178 = tpu.memref_squeeze %dma_start3A_177 : memref<1x640xf32, #tpu.memory_space<hbm>> -> memref<640xf32, #tpu.memory_space<hbm>>
        %dma_start3A_179 = tpu.memref_slice %arg5[%run_scoped3A_169, %add3A_42] : memref<4x102400xf32, #tpu.memory_space<hbm>> -> memref<1x640xf32, #tpu.memory_space<hbm>>
        %dma_start3A_180 = tpu.memref_squeeze %dma_start3A_179 : memref<1x640xf32, #tpu.memory_space<hbm>> -> memref<640xf32, #tpu.memory_space<hbm>>
        %dma_start3A_181 = arith.constant 0 : i32
        %dma_start3A_182 = tpu.memref_slice %arg10[%run_scoped3A_168, %dma_start3A_181] : memref<4x640xf32, #tpu.memory_space<vmem>> -> memref<1x640xf32, #tpu.memory_space<vmem>>
        %dma_start3A_183 = tpu.memref_squeeze %dma_start3A_182 : memref<1x640xf32, #tpu.memory_space<vmem>> -> memref<640xf32, #tpu.memory_space<vmem>>
        tpu.enqueue_dma source(%dma_start3A_183 : memref<640xf32, #tpu.memory_space<vmem>>) target(%dma_start3A_180 : memref<640xf32, #tpu.memory_space<hbm>>) target_semaphore(%run_scoped3A_173 : memref<!tpu.dma_semaphore, #tpu.memory_space<semaphore_mem>>)
        %dma_wait3A_184 = arith.constant 0 : i32
        %dma_wait3A_185 = tpu.memref_slice %arg10[%run_scoped3A_168, %dma_wait3A_184] : memref<4x640xf32, #tpu.memory_space<vmem>> -> memref<1x640xf32, #tpu.memory_space<vmem>>
        %dma_wait3A_186 = tpu.memref_squeeze %dma_wait3A_185 : memref<1x640xf32, #tpu.memory_space<vmem>> -> memref<640xf32, #tpu.memory_space<vmem>>
        %dma_wait3A_187 = tpu.memref_slice %arg5[%run_scoped3A_169, %add3A_42] : memref<4x102400xf32, #tpu.memory_space<hbm>> -> memref<1x640xf32, #tpu.memory_space<hbm>>
        %dma_wait3A_188 = tpu.memref_squeeze %dma_wait3A_187 : memref<1x640xf32, #tpu.memory_space<hbm>> -> memref<640xf32, #tpu.memory_space<hbm>>
        %dma_wait3A_189 = tpu.memref_slice %arg5[%run_scoped3A_169, %add3A_42] : memref<4x102400xf32, #tpu.memory_space<hbm>> -> memref<1x640xf32, #tpu.memory_space<hbm>>
        %dma_wait3A_190 = tpu.memref_squeeze %dma_wait3A_189 : memref<1x640xf32, #tpu.memory_space<hbm>> -> memref<640xf32, #tpu.memory_space<hbm>>
        %dma_wait3A_191 = arith.constant 0 : i32
        %dma_wait3A_192 = tpu.memref_slice %arg10[%run_scoped3A_168, %dma_wait3A_191] : memref<4x640xf32, #tpu.memory_space<vmem>> -> memref<1x640xf32, #tpu.memory_space<vmem>>
        %dma_wait3A_193 = tpu.memref_squeeze %dma_wait3A_192 : memref<1x640xf32, #tpu.memory_space<vmem>> -> memref<640xf32, #tpu.memory_space<vmem>>
        tpu.wait_dma2 semaphore(%run_scoped3A_173 : memref<!tpu.dma_semaphore, #tpu.memory_space<semaphore_mem>>) src(%dma_wait3A_193 : memref<640xf32, #tpu.memory_space<vmem>>) dst(%dma_wait3A_190 : memref<640xf32, #tpu.memory_space<hbm>>)
        tpu.yield
      }) : () -> ()
      %run_scoped3A_170 = arith.constant 3 : i32
      %run_scoped3A_171 = arith.constant 3 : i32
      "tpu.region"() ({
        %run_scoped3A_173 = tpu.sem_alloc : memref<!tpu.dma_semaphore, #tpu.memory_space<semaphore_mem>>
        %dma_start3A_174 = arith.constant 0 : i32
        %dma_start3A_175 = tpu.memref_slice %arg10[%run_scoped3A_170, %dma_start3A_174] : memref<4x640xf32, #tpu.memory_space<vmem>> -> memref<1x640xf32, #tpu.memory_space<vmem>>
        %dma_start3A_176 = tpu.memref_squeeze %dma_start3A_175 : memref<1x640xf32, #tpu.memory_space<vmem>> -> memref<640xf32, #tpu.memory_space<vmem>>
        %dma_start3A_177 = tpu.memref_slice %arg5[%run_scoped3A_171, %add3A_42] : memref<4x102400xf32, #tpu.memory_space<hbm>> -> memref<1x640xf32, #tpu.memory_space<hbm>>
        %dma_start3A_178 = tpu.memref_squeeze %dma_start3A_177 : memref<1x640xf32, #tpu.memory_space<hbm>> -> memref<640xf32, #tpu.memory_space<hbm>>
        %dma_start3A_179 = tpu.memref_slice %arg5[%run_scoped3A_171, %add3A_42] : memref<4x102400xf32, #tpu.memory_space<hbm>> -> memref<1x640xf32, #tpu.memory_space<hbm>>
        %dma_start3A_180 = tpu.memref_squeeze %dma_start3A_179 : memref<1x640xf32, #tpu.memory_space<hbm>> -> memref<640xf32, #tpu.memory_space<hbm>>
        %dma_start3A_181 = arith.constant 0 : i32
        %dma_start3A_182 = tpu.memref_slice %arg10[%run_scoped3A_170, %dma_start3A_181] : memref<4x640xf32, #tpu.memory_space<vmem>> -> memref<1x640xf32, #tpu.memory_space<vmem>>
        %dma_start3A_183 = tpu.memref_squeeze %dma_start3A_182 : memref<1x640xf32, #tpu.memory_space<vmem>> -> memref<640xf32, #tpu.memory_space<vmem>>
        tpu.enqueue_dma source(%dma_start3A_183 : memref<640xf32, #tpu.memory_space<vmem>>) target(%dma_start3A_180 : memref<640xf32, #tpu.memory_space<hbm>>) target_semaphore(%run_scoped3A_173 : memref<!tpu.dma_semaphore, #tpu.memory_space<semaphore_mem>>)
        %dma_wait3A_184 = arith.constant 0 : i32
        %dma_wait3A_185 = tpu.memref_slice %arg10[%run_scoped3A_170, %dma_wait3A_184] : memref<4x640xf32, #tpu.memory_space<vmem>> -> memref<1x640xf32, #tpu.memory_space<vmem>>
        %dma_wait3A_186 = tpu.memref_squeeze %dma_wait3A_185 : memref<1x640xf32, #tpu.memory_space<vmem>> -> memref<640xf32, #tpu.memory_space<vmem>>
        %dma_wait3A_187 = tpu.memref_slice %arg5[%run_scoped3A_171, %add3A_42] : memref<4x102400xf32, #tpu.memory_space<hbm>> -> memref<1x640xf32, #tpu.memory_space<hbm>>
        %dma_wait3A_188 = tpu.memref_squeeze %dma_wait3A_187 : memref<1x640xf32, #tpu.memory_space<hbm>> -> memref<640xf32, #tpu.memory_space<hbm>>
        %dma_wait3A_189 = tpu.memref_slice %arg5[%run_scoped3A_171, %add3A_42] : memref<4x102400xf32, #tpu.memory_space<hbm>> -> memref<1x640xf32, #tpu.memory_space<hbm>>
        %dma_wait3A_190 = tpu.memref_squeeze %dma_wait3A_189 : memref<1x640xf32, #tpu.memory_space<hbm>> -> memref<640xf32, #tpu.memory_space<hbm>>
        %dma_wait3A_191 = arith.constant 0 : i32
        %dma_wait3A_192 = tpu.memref_slice %arg10[%run_scoped3A_170, %dma_wait3A_191] : memref<4x640xf32, #tpu.memory_space<vmem>> -> memref<1x640xf32, #tpu.memory_space<vmem>>
        %dma_wait3A_193 = tpu.memref_squeeze %dma_wait3A_192 : memref<1x640xf32, #tpu.memory_space<vmem>> -> memref<640xf32, #tpu.memory_space<vmem>>
        tpu.wait_dma2 semaphore(%run_scoped3A_173 : memref<!tpu.dma_semaphore, #tpu.memory_space<semaphore_mem>>) src(%dma_wait3A_193 : memref<640xf32, #tpu.memory_space<vmem>>) dst(%dma_wait3A_190 : memref<640xf32, #tpu.memory_space<hbm>>)
        tpu.yield
      }) : () -> ()
      %scan3A_172 = arith.constant 0 : i32
      scf.yield %scan3A_172 : i32
    }
    %scan3A_35 = arith.constant 5 : i32
    return
  }
}

#map = affine_map<(d0, d1) -> (0, 0)>
#map1 = affine_map<(d0, d1) -> (0, 0, 0)>
module attributes {stable_mosaic.version = 14 : i64} {
  func.func @_tri_kernel(%arg0: i32, %arg1: i32, %arg2: memref<102400x16xf32, #tpu.memory_space<hbm>>, %arg3: memref<3x1600x128xi32, #tpu.memory_space<hbm>>, %arg4: memref<204800x16xf32, #tpu.memory_space<hbm>>, %arg5: memref<50x128xi32, #tpu.memory_space<vmem>>, %arg6: memref<50x128xi32, #tpu.memory_space<vmem>>, %arg7: memref<50x128xi32, #tpu.memory_space<vmem>>, %arg8: memref<640x16xf32, #tpu.memory_space<vmem>>, %arg9: memref<640x16xf32, #tpu.memory_space<vmem>>, %arg10: memref<640x16xf32, #tpu.memory_space<vmem>>, %arg11: memref<640x16xf32, #tpu.memory_space<vmem>>, %arg12: memref<!tpu.dma_semaphore, #tpu.memory_space<semaphore_mem>>) attributes {dimension_semantics = [#tpu.dimension_semantics<core_parallel>, #tpu.dimension_semantics<subcore_parallel>], iteration_bounds = array<i64: 2, 16>, scalar_prefetch = 0 : i64, scratch_operands = 8 : i64, tpu.core_type = #tpu.core_type<sc_vector_subcore>, window_params = [{transform_indices = #map}, {transform_indices = #map1}, {transform_indices = #map}]} {
    %mul3A = arith.constant 2 : i32
    %mul3A_0 = arith.muli %arg1, %mul3A : i32
    %add3A = arith.addi %mul3A_0, %arg0 : i32
    %iota3A = tpu.iota {dimensions = array<i32: 0>} : vector<16xi32>
    %and3A = arith.constant -4 : i32
    %and3A_1 = vector.broadcast %and3A : i32 to vector<16xi32>
    %and3A_2 = arith.andi %iota3A, %and3A_1 : vector<16xi32>
    %and3A_3 = arith.constant 3 : i32
    %and3A_4 = vector.broadcast %and3A_3 : i32 to vector<16xi32>
    %and3A_5 = arith.andi %iota3A, %and3A_4 : vector<16xi32>
    %eq3A = arith.constant 3 : i32
    %eq3A_6 = vector.broadcast %eq3A : i32 to vector<16xi32>
    %eq3A_7 = arith.cmpi eq, %and3A_5, %eq3A_6 : vector<16xi32>
    %add3A_8 = arith.constant 1 : i32
    %add3A_9 = vector.broadcast %add3A_8 : i32 to vector<16xi32>
    %add3A_10 = arith.addi %and3A_5, %add3A_9 : vector<16xi32>
    %rem3A = arith.constant 3 : i32
    %rem3A_11 = vector.broadcast %rem3A : i32 to vector<16xi32>
    %rem3A_12 = arith.remsi %add3A_10, %rem3A_11 : vector<16xi32>
    %jit3A = arith.constant 3 : i32
    %broadcast_in_dim3A = vector.broadcast %jit3A : i32 to vector<16xi32>
    %select_n3A = arith.select %eq3A_7, %broadcast_in_dim3A, %rem3A_12 : vector<16xi1>, vector<16xi32>
    %add3A_13 = arith.addi %and3A_2, %select_n3A : vector<16xi32>
    %eq3A_14 = arith.constant 3 : i32
    %eq3A_15 = vector.broadcast %eq3A_14 : i32 to vector<16xi32>
    %eq3A_16 = arith.cmpi eq, %and3A_5, %eq3A_15 : vector<16xi32>
    %add3A_17 = arith.constant 2 : i32
    %add3A_18 = vector.broadcast %add3A_17 : i32 to vector<16xi32>
    %add3A_19 = arith.addi %and3A_5, %add3A_18 : vector<16xi32>
    %rem3A_20 = arith.constant 3 : i32
    %rem3A_21 = vector.broadcast %rem3A_20 : i32 to vector<16xi32>
    %rem3A_22 = arith.remsi %add3A_19, %rem3A_21 : vector<16xi32>
    %jit3A_23 = arith.constant 3 : i32
    %broadcast_in_dim3A_24 = vector.broadcast %jit3A_23 : i32 to vector<16xi32>
    %select_n3A_25 = arith.select %eq3A_16, %broadcast_in_dim3A_24, %rem3A_22 : vector<16xi1>, vector<16xi32>
    %add3A_26 = arith.addi %and3A_2, %select_n3A_25 : vector<16xi32>
    %mul3A_27 = arith.constant 50 : i32
    %mul3A_28 = arith.muli %add3A, %mul3A_27 : i32
    %run_scoped3A = arith.constant 0 : i32
    "tpu.region"() ({
      %run_scoped3A_41 = tpu.sem_alloc : memref<!tpu.dma_semaphore, #tpu.memory_space<semaphore_mem>>
      %dma_start3A = arith.constant 0 : i32
      %dma_start3A_42 = tpu.memref_slice %arg3[%run_scoped3A, %mul3A_28, %dma_start3A] : memref<3x1600x128xi32, #tpu.memory_space<hbm>> -> memref<1x50x128xi32, #tpu.memory_space<hbm>>
      %dma_start3A_43 = tpu.memref_squeeze %dma_start3A_42 : memref<1x50x128xi32, #tpu.memory_space<hbm>> -> memref<50x128xi32, #tpu.memory_space<hbm>>
      %dma_start3A_44 = arith.constant 0 : i32
      %dma_start3A_45 = tpu.memref_slice %arg3[%run_scoped3A, %mul3A_28, %dma_start3A_44] : memref<3x1600x128xi32, #tpu.memory_space<hbm>> -> memref<1x50x128xi32, #tpu.memory_space<hbm>>
      %dma_start3A_46 = tpu.memref_squeeze %dma_start3A_45 : memref<1x50x128xi32, #tpu.memory_space<hbm>> -> memref<50x128xi32, #tpu.memory_space<hbm>>
      tpu.enqueue_dma source(%dma_start3A_46 : memref<50x128xi32, #tpu.memory_space<hbm>>) target(%arg5 : memref<50x128xi32, #tpu.memory_space<vmem>>) target_semaphore(%run_scoped3A_41 : memref<!tpu.dma_semaphore, #tpu.memory_space<semaphore_mem>>)
      %dma_wait3A = arith.constant 0 : i32
      %dma_wait3A_47 = tpu.memref_slice %arg3[%run_scoped3A, %mul3A_28, %dma_wait3A] : memref<3x1600x128xi32, #tpu.memory_space<hbm>> -> memref<1x50x128xi32, #tpu.memory_space<hbm>>
      %dma_wait3A_48 = tpu.memref_squeeze %dma_wait3A_47 : memref<1x50x128xi32, #tpu.memory_space<hbm>> -> memref<50x128xi32, #tpu.memory_space<hbm>>
      %dma_wait3A_49 = arith.constant 0 : i32
      %dma_wait3A_50 = tpu.memref_slice %arg3[%run_scoped3A, %mul3A_28, %dma_wait3A_49] : memref<3x1600x128xi32, #tpu.memory_space<hbm>> -> memref<1x50x128xi32, #tpu.memory_space<hbm>>
      %dma_wait3A_51 = tpu.memref_squeeze %dma_wait3A_50 : memref<1x50x128xi32, #tpu.memory_space<hbm>> -> memref<50x128xi32, #tpu.memory_space<hbm>>
      tpu.wait_dma2 semaphore(%run_scoped3A_41 : memref<!tpu.dma_semaphore, #tpu.memory_space<semaphore_mem>>) src(%dma_wait3A_51 : memref<50x128xi32, #tpu.memory_space<hbm>>) dst(%arg5 : memref<50x128xi32, #tpu.memory_space<vmem>>)
      tpu.yield
    }) : () -> ()
    %mul3A_29 = arith.constant 50 : i32
    %mul3A_30 = arith.muli %add3A, %mul3A_29 : i32
    %run_scoped3A_31 = arith.constant 1 : i32
    "tpu.region"() ({
      %run_scoped3A_41 = tpu.sem_alloc : memref<!tpu.dma_semaphore, #tpu.memory_space<semaphore_mem>>
      %dma_start3A = arith.constant 0 : i32
      %dma_start3A_42 = tpu.memref_slice %arg3[%run_scoped3A_31, %mul3A_30, %dma_start3A] : memref<3x1600x128xi32, #tpu.memory_space<hbm>> -> memref<1x50x128xi32, #tpu.memory_space<hbm>>
      %dma_start3A_43 = tpu.memref_squeeze %dma_start3A_42 : memref<1x50x128xi32, #tpu.memory_space<hbm>> -> memref<50x128xi32, #tpu.memory_space<hbm>>
      %dma_start3A_44 = arith.constant 0 : i32
      %dma_start3A_45 = tpu.memref_slice %arg3[%run_scoped3A_31, %mul3A_30, %dma_start3A_44] : memref<3x1600x128xi32, #tpu.memory_space<hbm>> -> memref<1x50x128xi32, #tpu.memory_space<hbm>>
      %dma_start3A_46 = tpu.memref_squeeze %dma_start3A_45 : memref<1x50x128xi32, #tpu.memory_space<hbm>> -> memref<50x128xi32, #tpu.memory_space<hbm>>
      tpu.enqueue_dma source(%dma_start3A_46 : memref<50x128xi32, #tpu.memory_space<hbm>>) target(%arg6 : memref<50x128xi32, #tpu.memory_space<vmem>>) target_semaphore(%run_scoped3A_41 : memref<!tpu.dma_semaphore, #tpu.memory_space<semaphore_mem>>)
      %dma_wait3A = arith.constant 0 : i32
      %dma_wait3A_47 = tpu.memref_slice %arg3[%run_scoped3A_31, %mul3A_30, %dma_wait3A] : memref<3x1600x128xi32, #tpu.memory_space<hbm>> -> memref<1x50x128xi32, #tpu.memory_space<hbm>>
      %dma_wait3A_48 = tpu.memref_squeeze %dma_wait3A_47 : memref<1x50x128xi32, #tpu.memory_space<hbm>> -> memref<50x128xi32, #tpu.memory_space<hbm>>
      %dma_wait3A_49 = arith.constant 0 : i32
      %dma_wait3A_50 = tpu.memref_slice %arg3[%run_scoped3A_31, %mul3A_30, %dma_wait3A_49] : memref<3x1600x128xi32, #tpu.memory_space<hbm>> -> memref<1x50x128xi32, #tpu.memory_space<hbm>>
      %dma_wait3A_51 = tpu.memref_squeeze %dma_wait3A_50 : memref<1x50x128xi32, #tpu.memory_space<hbm>> -> memref<50x128xi32, #tpu.memory_space<hbm>>
      tpu.wait_dma2 semaphore(%run_scoped3A_41 : memref<!tpu.dma_semaphore, #tpu.memory_space<semaphore_mem>>) src(%dma_wait3A_51 : memref<50x128xi32, #tpu.memory_space<hbm>>) dst(%arg6 : memref<50x128xi32, #tpu.memory_space<vmem>>)
      tpu.yield
    }) : () -> ()
    %mul3A_32 = arith.constant 50 : i32
    %mul3A_33 = arith.muli %add3A, %mul3A_32 : i32
    %run_scoped3A_34 = arith.constant 2 : i32
    "tpu.region"() ({
      %run_scoped3A_41 = tpu.sem_alloc : memref<!tpu.dma_semaphore, #tpu.memory_space<semaphore_mem>>
      %dma_start3A = arith.constant 0 : i32
      %dma_start3A_42 = tpu.memref_slice %arg3[%run_scoped3A_34, %mul3A_33, %dma_start3A] : memref<3x1600x128xi32, #tpu.memory_space<hbm>> -> memref<1x50x128xi32, #tpu.memory_space<hbm>>
      %dma_start3A_43 = tpu.memref_squeeze %dma_start3A_42 : memref<1x50x128xi32, #tpu.memory_space<hbm>> -> memref<50x128xi32, #tpu.memory_space<hbm>>
      %dma_start3A_44 = arith.constant 0 : i32
      %dma_start3A_45 = tpu.memref_slice %arg3[%run_scoped3A_34, %mul3A_33, %dma_start3A_44] : memref<3x1600x128xi32, #tpu.memory_space<hbm>> -> memref<1x50x128xi32, #tpu.memory_space<hbm>>
      %dma_start3A_46 = tpu.memref_squeeze %dma_start3A_45 : memref<1x50x128xi32, #tpu.memory_space<hbm>> -> memref<50x128xi32, #tpu.memory_space<hbm>>
      tpu.enqueue_dma source(%dma_start3A_46 : memref<50x128xi32, #tpu.memory_space<hbm>>) target(%arg7 : memref<50x128xi32, #tpu.memory_space<vmem>>) target_semaphore(%run_scoped3A_41 : memref<!tpu.dma_semaphore, #tpu.memory_space<semaphore_mem>>)
      %dma_wait3A = arith.constant 0 : i32
      %dma_wait3A_47 = tpu.memref_slice %arg3[%run_scoped3A_34, %mul3A_33, %dma_wait3A] : memref<3x1600x128xi32, #tpu.memory_space<hbm>> -> memref<1x50x128xi32, #tpu.memory_space<hbm>>
      %dma_wait3A_48 = tpu.memref_squeeze %dma_wait3A_47 : memref<1x50x128xi32, #tpu.memory_space<hbm>> -> memref<50x128xi32, #tpu.memory_space<hbm>>
      %dma_wait3A_49 = arith.constant 0 : i32
      %dma_wait3A_50 = tpu.memref_slice %arg3[%run_scoped3A_34, %mul3A_33, %dma_wait3A_49] : memref<3x1600x128xi32, #tpu.memory_space<hbm>> -> memref<1x50x128xi32, #tpu.memory_space<hbm>>
      %dma_wait3A_51 = tpu.memref_squeeze %dma_wait3A_50 : memref<1x50x128xi32, #tpu.memory_space<hbm>> -> memref<50x128xi32, #tpu.memory_space<hbm>>
      tpu.wait_dma2 semaphore(%run_scoped3A_41 : memref<!tpu.dma_semaphore, #tpu.memory_space<semaphore_mem>>) src(%dma_wait3A_51 : memref<50x128xi32, #tpu.memory_space<hbm>>) dst(%arg7 : memref<50x128xi32, #tpu.memory_space<vmem>>)
      tpu.yield
    }) : () -> ()
    %scan3A = arith.constant 0 : i32
    %scan3A_35 = arith.constant 0 : i32
    %scan3A_36 = arith.constant 10 : i32
    %scan3A_37 = arith.addi %scan3A_35, %scan3A_36 : i32
    %scan3A_38 = arith.constant 1 : i32
    %scan3A_39 = scf.for %scan3A_41 = %scan3A_35 to %scan3A_37 step %scan3A_38 iter_args(%scan3A_42 = %scan3A) -> (i32)  : i32 {
      %mul3A_43 = arith.constant 5 : i32
      %mul3A_44 = arith.muli %scan3A_41, %mul3A_43 : i32
      %add3A_45 = arith.constant 0 : i32
      %add3A_46 = arith.addi %mul3A_44, %add3A_45 : i32
      %mul3A_47 = arith.constant 5 : i32
      %mul3A_48 = arith.muli %scan3A_41, %mul3A_47 : i32
      %add3A_49 = arith.constant 1 : i32
      %add3A_50 = arith.addi %mul3A_48, %add3A_49 : i32
      %mul3A_51 = arith.constant 5 : i32
      %mul3A_52 = arith.muli %scan3A_41, %mul3A_51 : i32
      %add3A_53 = arith.constant 2 : i32
      %add3A_54 = arith.addi %mul3A_52, %add3A_53 : i32
      %mul3A_55 = arith.constant 5 : i32
      %mul3A_56 = arith.muli %scan3A_41, %mul3A_55 : i32
      %add3A_57 = arith.constant 3 : i32
      %add3A_58 = arith.addi %mul3A_56, %add3A_57 : i32
      %mul3A_59 = arith.constant 5 : i32
      %mul3A_60 = arith.muli %scan3A_41, %mul3A_59 : i32
      %add3A_61 = arith.constant 4 : i32
      %add3A_62 = arith.addi %mul3A_60, %add3A_61 : i32
      %mul3A_63 = arith.constant 5 : i32
      %mul3A_64 = arith.muli %scan3A_41, %mul3A_63 : i32
      %add3A_65 = arith.constant 0 : i32
      %add3A_66 = arith.addi %mul3A_64, %add3A_65 : i32
      %mul3A_67 = arith.constant 5 : i32
      %mul3A_68 = arith.muli %scan3A_41, %mul3A_67 : i32
      %add3A_69 = arith.constant 1 : i32
      %add3A_70 = arith.addi %mul3A_68, %add3A_69 : i32
      %mul3A_71 = arith.constant 5 : i32
      %mul3A_72 = arith.muli %scan3A_41, %mul3A_71 : i32
      %add3A_73 = arith.constant 2 : i32
      %add3A_74 = arith.addi %mul3A_72, %add3A_73 : i32
      %mul3A_75 = arith.constant 5 : i32
      %mul3A_76 = arith.muli %scan3A_41, %mul3A_75 : i32
      %add3A_77 = arith.constant 3 : i32
      %add3A_78 = arith.addi %mul3A_76, %add3A_77 : i32
      %mul3A_79 = arith.constant 5 : i32
      %mul3A_80 = arith.muli %scan3A_41, %mul3A_79 : i32
      %add3A_81 = arith.constant 4 : i32
      %add3A_82 = arith.addi %mul3A_80, %add3A_81 : i32
      %mul3A_83 = arith.constant 5 : i32
      %mul3A_84 = arith.muli %scan3A_41, %mul3A_83 : i32
      %add3A_85 = arith.constant 0 : i32
      %add3A_86 = arith.addi %mul3A_84, %add3A_85 : i32
      %mul3A_87 = arith.constant 5 : i32
      %mul3A_88 = arith.muli %scan3A_41, %mul3A_87 : i32
      %add3A_89 = arith.constant 1 : i32
      %add3A_90 = arith.addi %mul3A_88, %add3A_89 : i32
      %mul3A_91 = arith.constant 5 : i32
      %mul3A_92 = arith.muli %scan3A_41, %mul3A_91 : i32
      %add3A_93 = arith.constant 2 : i32
      %add3A_94 = arith.addi %mul3A_92, %add3A_93 : i32
      %mul3A_95 = arith.constant 5 : i32
      %mul3A_96 = arith.muli %scan3A_41, %mul3A_95 : i32
      %add3A_97 = arith.constant 3 : i32
      %add3A_98 = arith.addi %mul3A_96, %add3A_97 : i32
      %mul3A_99 = arith.constant 5 : i32
      %mul3A_100 = arith.muli %scan3A_41, %mul3A_99 : i32
      %add3A_101 = arith.constant 4 : i32
      %add3A_102 = arith.addi %mul3A_100, %add3A_101 : i32
      %dma_start3A = arith.constant 0 : i32
      %dma_start3A_103 = arith.constant 0 : i32
      %dma_start3A_104 = tpu.memref_slice %arg8[%dma_start3A, %dma_start3A_103] : memref<640x16xf32, #tpu.memory_space<vmem>> -> memref<128x16xf32, #tpu.memory_space<vmem>>
      %dma_start3A_105 = arith.constant 0 : i32
      %dma_start3A_106 = tpu.memref_slice %arg5[%add3A_46, %dma_start3A_105] : memref<50x128xi32, #tpu.memory_space<vmem>> -> memref<1x128xi32, #tpu.memory_space<vmem>>
      %dma_start3A_107 = tpu.memref_squeeze %dma_start3A_106 : memref<1x128xi32, #tpu.memory_space<vmem>> -> memref<128xi32, #tpu.memory_space<vmem>>
      %dma_start3A_108 = arith.constant 0 : i32
      %dma_start3A_109 = arith.constant 0 : i32
      %dma_start3A_110 = tpu.memref_slice %arg2[%dma_start3A_108, %dma_start3A_109] : memref<102400x16xf32, #tpu.memory_space<hbm>> -> memref<102400x16xf32, #tpu.memory_space<hbm>>
      tpu.enqueue_indirect_dma source(%dma_start3A_110 : memref<102400x16xf32, #tpu.memory_space<hbm>>) target(%dma_start3A_104 : memref<128x16xf32, #tpu.memory_space<vmem>>) offsets(%dma_start3A_107 : memref<128xi32, #tpu.memory_space<vmem>>) semaphore(%arg12 : memref<!tpu.dma_semaphore, #tpu.memory_space<semaphore_mem>>)
      %dma_start3A_111 = arith.constant 128 : i32
      %dma_start3A_112 = arith.constant 0 : i32
      %dma_start3A_113 = tpu.memref_slice %arg8[%dma_start3A_111, %dma_start3A_112] : memref<640x16xf32, #tpu.memory_space<vmem>> -> memref<128x16xf32, #tpu.memory_space<vmem>>
      %dma_start3A_114 = arith.constant 0 : i32
      %dma_start3A_115 = tpu.memref_slice %arg5[%add3A_50, %dma_start3A_114] : memref<50x128xi32, #tpu.memory_space<vmem>> -> memref<1x128xi32, #tpu.memory_space<vmem>>
      %dma_start3A_116 = tpu.memref_squeeze %dma_start3A_115 : memref<1x128xi32, #tpu.memory_space<vmem>> -> memref<128xi32, #tpu.memory_space<vmem>>
      %dma_start3A_117 = arith.constant 0 : i32
      %dma_start3A_118 = arith.constant 0 : i32
      %dma_start3A_119 = tpu.memref_slice %arg2[%dma_start3A_117, %dma_start3A_118] : memref<102400x16xf32, #tpu.memory_space<hbm>> -> memref<102400x16xf32, #tpu.memory_space<hbm>>
      tpu.enqueue_indirect_dma source(%dma_start3A_119 : memref<102400x16xf32, #tpu.memory_space<hbm>>) target(%dma_start3A_113 : memref<128x16xf32, #tpu.memory_space<vmem>>) offsets(%dma_start3A_116 : memref<128xi32, #tpu.memory_space<vmem>>) semaphore(%arg12 : memref<!tpu.dma_semaphore, #tpu.memory_space<semaphore_mem>>)
      %dma_start3A_120 = arith.constant 256 : i32
      %dma_start3A_121 = arith.constant 0 : i32
      %dma_start3A_122 = tpu.memref_slice %arg8[%dma_start3A_120, %dma_start3A_121] : memref<640x16xf32, #tpu.memory_space<vmem>> -> memref<128x16xf32, #tpu.memory_space<vmem>>
      %dma_start3A_123 = arith.constant 0 : i32
      %dma_start3A_124 = tpu.memref_slice %arg5[%add3A_54, %dma_start3A_123] : memref<50x128xi32, #tpu.memory_space<vmem>> -> memref<1x128xi32, #tpu.memory_space<vmem>>
      %dma_start3A_125 = tpu.memref_squeeze %dma_start3A_124 : memref<1x128xi32, #tpu.memory_space<vmem>> -> memref<128xi32, #tpu.memory_space<vmem>>
      %dma_start3A_126 = arith.constant 0 : i32
      %dma_start3A_127 = arith.constant 0 : i32
      %dma_start3A_128 = tpu.memref_slice %arg2[%dma_start3A_126, %dma_start3A_127] : memref<102400x16xf32, #tpu.memory_space<hbm>> -> memref<102400x16xf32, #tpu.memory_space<hbm>>
      tpu.enqueue_indirect_dma source(%dma_start3A_128 : memref<102400x16xf32, #tpu.memory_space<hbm>>) target(%dma_start3A_122 : memref<128x16xf32, #tpu.memory_space<vmem>>) offsets(%dma_start3A_125 : memref<128xi32, #tpu.memory_space<vmem>>) semaphore(%arg12 : memref<!tpu.dma_semaphore, #tpu.memory_space<semaphore_mem>>)
      %dma_start3A_129 = arith.constant 384 : i32
      %dma_start3A_130 = arith.constant 0 : i32
      %dma_start3A_131 = tpu.memref_slice %arg8[%dma_start3A_129, %dma_start3A_130] : memref<640x16xf32, #tpu.memory_space<vmem>> -> memref<128x16xf32, #tpu.memory_space<vmem>>
      %dma_start3A_132 = arith.constant 0 : i32
      %dma_start3A_133 = tpu.memref_slice %arg5[%add3A_58, %dma_start3A_132] : memref<50x128xi32, #tpu.memory_space<vmem>> -> memref<1x128xi32, #tpu.memory_space<vmem>>
      %dma_start3A_134 = tpu.memref_squeeze %dma_start3A_133 : memref<1x128xi32, #tpu.memory_space<vmem>> -> memref<128xi32, #tpu.memory_space<vmem>>
      %dma_start3A_135 = arith.constant 0 : i32
      %dma_start3A_136 = arith.constant 0 : i32
      %dma_start3A_137 = tpu.memref_slice %arg2[%dma_start3A_135, %dma_start3A_136] : memref<102400x16xf32, #tpu.memory_space<hbm>> -> memref<102400x16xf32, #tpu.memory_space<hbm>>
      tpu.enqueue_indirect_dma source(%dma_start3A_137 : memref<102400x16xf32, #tpu.memory_space<hbm>>) target(%dma_start3A_131 : memref<128x16xf32, #tpu.memory_space<vmem>>) offsets(%dma_start3A_134 : memref<128xi32, #tpu.memory_space<vmem>>) semaphore(%arg12 : memref<!tpu.dma_semaphore, #tpu.memory_space<semaphore_mem>>)
      %dma_start3A_138 = arith.constant 512 : i32
      %dma_start3A_139 = arith.constant 0 : i32
      %dma_start3A_140 = tpu.memref_slice %arg8[%dma_start3A_138, %dma_start3A_139] : memref<640x16xf32, #tpu.memory_space<vmem>> -> memref<128x16xf32, #tpu.memory_space<vmem>>
      %dma_start3A_141 = arith.constant 0 : i32
      %dma_start3A_142 = tpu.memref_slice %arg5[%add3A_62, %dma_start3A_141] : memref<50x128xi32, #tpu.memory_space<vmem>> -> memref<1x128xi32, #tpu.memory_space<vmem>>
      %dma_start3A_143 = tpu.memref_squeeze %dma_start3A_142 : memref<1x128xi32, #tpu.memory_space<vmem>> -> memref<128xi32, #tpu.memory_space<vmem>>
      %dma_start3A_144 = arith.constant 0 : i32
      %dma_start3A_145 = arith.constant 0 : i32
      %dma_start3A_146 = tpu.memref_slice %arg2[%dma_start3A_144, %dma_start3A_145] : memref<102400x16xf32, #tpu.memory_space<hbm>> -> memref<102400x16xf32, #tpu.memory_space<hbm>>
      tpu.enqueue_indirect_dma source(%dma_start3A_146 : memref<102400x16xf32, #tpu.memory_space<hbm>>) target(%dma_start3A_140 : memref<128x16xf32, #tpu.memory_space<vmem>>) offsets(%dma_start3A_143 : memref<128xi32, #tpu.memory_space<vmem>>) semaphore(%arg12 : memref<!tpu.dma_semaphore, #tpu.memory_space<semaphore_mem>>)
      %dma_start3A_147 = arith.constant 0 : i32
      %dma_start3A_148 = arith.constant 0 : i32
      %dma_start3A_149 = tpu.memref_slice %arg9[%dma_start3A_147, %dma_start3A_148] : memref<640x16xf32, #tpu.memory_space<vmem>> -> memref<128x16xf32, #tpu.memory_space<vmem>>
      %dma_start3A_150 = arith.constant 0 : i32
      %dma_start3A_151 = tpu.memref_slice %arg6[%add3A_66, %dma_start3A_150] : memref<50x128xi32, #tpu.memory_space<vmem>> -> memref<1x128xi32, #tpu.memory_space<vmem>>
      %dma_start3A_152 = tpu.memref_squeeze %dma_start3A_151 : memref<1x128xi32, #tpu.memory_space<vmem>> -> memref<128xi32, #tpu.memory_space<vmem>>
      %dma_start3A_153 = arith.constant 0 : i32
      %dma_start3A_154 = arith.constant 0 : i32
      %dma_start3A_155 = tpu.memref_slice %arg2[%dma_start3A_153, %dma_start3A_154] : memref<102400x16xf32, #tpu.memory_space<hbm>> -> memref<102400x16xf32, #tpu.memory_space<hbm>>
      tpu.enqueue_indirect_dma source(%dma_start3A_155 : memref<102400x16xf32, #tpu.memory_space<hbm>>) target(%dma_start3A_149 : memref<128x16xf32, #tpu.memory_space<vmem>>) offsets(%dma_start3A_152 : memref<128xi32, #tpu.memory_space<vmem>>) semaphore(%arg12 : memref<!tpu.dma_semaphore, #tpu.memory_space<semaphore_mem>>)
      %dma_start3A_156 = arith.constant 128 : i32
      %dma_start3A_157 = arith.constant 0 : i32
      %dma_start3A_158 = tpu.memref_slice %arg9[%dma_start3A_156, %dma_start3A_157] : memref<640x16xf32, #tpu.memory_space<vmem>> -> memref<128x16xf32, #tpu.memory_space<vmem>>
      %dma_start3A_159 = arith.constant 0 : i32
      %dma_start3A_160 = tpu.memref_slice %arg6[%add3A_70, %dma_start3A_159] : memref<50x128xi32, #tpu.memory_space<vmem>> -> memref<1x128xi32, #tpu.memory_space<vmem>>
      %dma_start3A_161 = tpu.memref_squeeze %dma_start3A_160 : memref<1x128xi32, #tpu.memory_space<vmem>> -> memref<128xi32, #tpu.memory_space<vmem>>
      %dma_start3A_162 = arith.constant 0 : i32
      %dma_start3A_163 = arith.constant 0 : i32
      %dma_start3A_164 = tpu.memref_slice %arg2[%dma_start3A_162, %dma_start3A_163] : memref<102400x16xf32, #tpu.memory_space<hbm>> -> memref<102400x16xf32, #tpu.memory_space<hbm>>
      tpu.enqueue_indirect_dma source(%dma_start3A_164 : memref<102400x16xf32, #tpu.memory_space<hbm>>) target(%dma_start3A_158 : memref<128x16xf32, #tpu.memory_space<vmem>>) offsets(%dma_start3A_161 : memref<128xi32, #tpu.memory_space<vmem>>) semaphore(%arg12 : memref<!tpu.dma_semaphore, #tpu.memory_space<semaphore_mem>>)
      %dma_start3A_165 = arith.constant 256 : i32
      %dma_start3A_166 = arith.constant 0 : i32
      %dma_start3A_167 = tpu.memref_slice %arg9[%dma_start3A_165, %dma_start3A_166] : memref<640x16xf32, #tpu.memory_space<vmem>> -> memref<128x16xf32, #tpu.memory_space<vmem>>
      %dma_start3A_168 = arith.constant 0 : i32
      %dma_start3A_169 = tpu.memref_slice %arg6[%add3A_74, %dma_start3A_168] : memref<50x128xi32, #tpu.memory_space<vmem>> -> memref<1x128xi32, #tpu.memory_space<vmem>>
      %dma_start3A_170 = tpu.memref_squeeze %dma_start3A_169 : memref<1x128xi32, #tpu.memory_space<vmem>> -> memref<128xi32, #tpu.memory_space<vmem>>
      %dma_start3A_171 = arith.constant 0 : i32
      %dma_start3A_172 = arith.constant 0 : i32
      %dma_start3A_173 = tpu.memref_slice %arg2[%dma_start3A_171, %dma_start3A_172] : memref<102400x16xf32, #tpu.memory_space<hbm>> -> memref<102400x16xf32, #tpu.memory_space<hbm>>
      tpu.enqueue_indirect_dma source(%dma_start3A_173 : memref<102400x16xf32, #tpu.memory_space<hbm>>) target(%dma_start3A_167 : memref<128x16xf32, #tpu.memory_space<vmem>>) offsets(%dma_start3A_170 : memref<128xi32, #tpu.memory_space<vmem>>) semaphore(%arg12 : memref<!tpu.dma_semaphore, #tpu.memory_space<semaphore_mem>>)
      %dma_start3A_174 = arith.constant 384 : i32
      %dma_start3A_175 = arith.constant 0 : i32
      %dma_start3A_176 = tpu.memref_slice %arg9[%dma_start3A_174, %dma_start3A_175] : memref<640x16xf32, #tpu.memory_space<vmem>> -> memref<128x16xf32, #tpu.memory_space<vmem>>
      %dma_start3A_177 = arith.constant 0 : i32
      %dma_start3A_178 = tpu.memref_slice %arg6[%add3A_78, %dma_start3A_177] : memref<50x128xi32, #tpu.memory_space<vmem>> -> memref<1x128xi32, #tpu.memory_space<vmem>>
      %dma_start3A_179 = tpu.memref_squeeze %dma_start3A_178 : memref<1x128xi32, #tpu.memory_space<vmem>> -> memref<128xi32, #tpu.memory_space<vmem>>
      %dma_start3A_180 = arith.constant 0 : i32
      %dma_start3A_181 = arith.constant 0 : i32
      %dma_start3A_182 = tpu.memref_slice %arg2[%dma_start3A_180, %dma_start3A_181] : memref<102400x16xf32, #tpu.memory_space<hbm>> -> memref<102400x16xf32, #tpu.memory_space<hbm>>
      tpu.enqueue_indirect_dma source(%dma_start3A_182 : memref<102400x16xf32, #tpu.memory_space<hbm>>) target(%dma_start3A_176 : memref<128x16xf32, #tpu.memory_space<vmem>>) offsets(%dma_start3A_179 : memref<128xi32, #tpu.memory_space<vmem>>) semaphore(%arg12 : memref<!tpu.dma_semaphore, #tpu.memory_space<semaphore_mem>>)
      %dma_start3A_183 = arith.constant 512 : i32
      %dma_start3A_184 = arith.constant 0 : i32
      %dma_start3A_185 = tpu.memref_slice %arg9[%dma_start3A_183, %dma_start3A_184] : memref<640x16xf32, #tpu.memory_space<vmem>> -> memref<128x16xf32, #tpu.memory_space<vmem>>
      %dma_start3A_186 = arith.constant 0 : i32
      %dma_start3A_187 = tpu.memref_slice %arg6[%add3A_82, %dma_start3A_186] : memref<50x128xi32, #tpu.memory_space<vmem>> -> memref<1x128xi32, #tpu.memory_space<vmem>>
      %dma_start3A_188 = tpu.memref_squeeze %dma_start3A_187 : memref<1x128xi32, #tpu.memory_space<vmem>> -> memref<128xi32, #tpu.memory_space<vmem>>
      %dma_start3A_189 = arith.constant 0 : i32
      %dma_start3A_190 = arith.constant 0 : i32
      %dma_start3A_191 = tpu.memref_slice %arg2[%dma_start3A_189, %dma_start3A_190] : memref<102400x16xf32, #tpu.memory_space<hbm>> -> memref<102400x16xf32, #tpu.memory_space<hbm>>
      tpu.enqueue_indirect_dma source(%dma_start3A_191 : memref<102400x16xf32, #tpu.memory_space<hbm>>) target(%dma_start3A_185 : memref<128x16xf32, #tpu.memory_space<vmem>>) offsets(%dma_start3A_188 : memref<128xi32, #tpu.memory_space<vmem>>) semaphore(%arg12 : memref<!tpu.dma_semaphore, #tpu.memory_space<semaphore_mem>>)
      %dma_start3A_192 = arith.constant 0 : i32
      %dma_start3A_193 = arith.constant 0 : i32
      %dma_start3A_194 = tpu.memref_slice %arg10[%dma_start3A_192, %dma_start3A_193] : memref<640x16xf32, #tpu.memory_space<vmem>> -> memref<128x16xf32, #tpu.memory_space<vmem>>
      %dma_start3A_195 = arith.constant 0 : i32
      %dma_start3A_196 = tpu.memref_slice %arg7[%add3A_86, %dma_start3A_195] : memref<50x128xi32, #tpu.memory_space<vmem>> -> memref<1x128xi32, #tpu.memory_space<vmem>>
      %dma_start3A_197 = tpu.memref_squeeze %dma_start3A_196 : memref<1x128xi32, #tpu.memory_space<vmem>> -> memref<128xi32, #tpu.memory_space<vmem>>
      %dma_start3A_198 = arith.constant 0 : i32
      %dma_start3A_199 = arith.constant 0 : i32
      %dma_start3A_200 = tpu.memref_slice %arg2[%dma_start3A_198, %dma_start3A_199] : memref<102400x16xf32, #tpu.memory_space<hbm>> -> memref<102400x16xf32, #tpu.memory_space<hbm>>
      tpu.enqueue_indirect_dma source(%dma_start3A_200 : memref<102400x16xf32, #tpu.memory_space<hbm>>) target(%dma_start3A_194 : memref<128x16xf32, #tpu.memory_space<vmem>>) offsets(%dma_start3A_197 : memref<128xi32, #tpu.memory_space<vmem>>) semaphore(%arg12 : memref<!tpu.dma_semaphore, #tpu.memory_space<semaphore_mem>>)
      %dma_start3A_201 = arith.constant 128 : i32
      %dma_start3A_202 = arith.constant 0 : i32
      %dma_start3A_203 = tpu.memref_slice %arg10[%dma_start3A_201, %dma_start3A_202] : memref<640x16xf32, #tpu.memory_space<vmem>> -> memref<128x16xf32, #tpu.memory_space<vmem>>
      %dma_start3A_204 = arith.constant 0 : i32
      %dma_start3A_205 = tpu.memref_slice %arg7[%add3A_90, %dma_start3A_204] : memref<50x128xi32, #tpu.memory_space<vmem>> -> memref<1x128xi32, #tpu.memory_space<vmem>>
      %dma_start3A_206 = tpu.memref_squeeze %dma_start3A_205 : memref<1x128xi32, #tpu.memory_space<vmem>> -> memref<128xi32, #tpu.memory_space<vmem>>
      %dma_start3A_207 = arith.constant 0 : i32
      %dma_start3A_208 = arith.constant 0 : i32
      %dma_start3A_209 = tpu.memref_slice %arg2[%dma_start3A_207, %dma_start3A_208] : memref<102400x16xf32, #tpu.memory_space<hbm>> -> memref<102400x16xf32, #tpu.memory_space<hbm>>
      tpu.enqueue_indirect_dma source(%dma_start3A_209 : memref<102400x16xf32, #tpu.memory_space<hbm>>) target(%dma_start3A_203 : memref<128x16xf32, #tpu.memory_space<vmem>>) offsets(%dma_start3A_206 : memref<128xi32, #tpu.memory_space<vmem>>) semaphore(%arg12 : memref<!tpu.dma_semaphore, #tpu.memory_space<semaphore_mem>>)
      %dma_start3A_210 = arith.constant 256 : i32
      %dma_start3A_211 = arith.constant 0 : i32
      %dma_start3A_212 = tpu.memref_slice %arg10[%dma_start3A_210, %dma_start3A_211] : memref<640x16xf32, #tpu.memory_space<vmem>> -> memref<128x16xf32, #tpu.memory_space<vmem>>
      %dma_start3A_213 = arith.constant 0 : i32
      %dma_start3A_214 = tpu.memref_slice %arg7[%add3A_94, %dma_start3A_213] : memref<50x128xi32, #tpu.memory_space<vmem>> -> memref<1x128xi32, #tpu.memory_space<vmem>>
      %dma_start3A_215 = tpu.memref_squeeze %dma_start3A_214 : memref<1x128xi32, #tpu.memory_space<vmem>> -> memref<128xi32, #tpu.memory_space<vmem>>
      %dma_start3A_216 = arith.constant 0 : i32
      %dma_start3A_217 = arith.constant 0 : i32
      %dma_start3A_218 = tpu.memref_slice %arg2[%dma_start3A_216, %dma_start3A_217] : memref<102400x16xf32, #tpu.memory_space<hbm>> -> memref<102400x16xf32, #tpu.memory_space<hbm>>
      tpu.enqueue_indirect_dma source(%dma_start3A_218 : memref<102400x16xf32, #tpu.memory_space<hbm>>) target(%dma_start3A_212 : memref<128x16xf32, #tpu.memory_space<vmem>>) offsets(%dma_start3A_215 : memref<128xi32, #tpu.memory_space<vmem>>) semaphore(%arg12 : memref<!tpu.dma_semaphore, #tpu.memory_space<semaphore_mem>>)
      %dma_start3A_219 = arith.constant 384 : i32
      %dma_start3A_220 = arith.constant 0 : i32
      %dma_start3A_221 = tpu.memref_slice %arg10[%dma_start3A_219, %dma_start3A_220] : memref<640x16xf32, #tpu.memory_space<vmem>> -> memref<128x16xf32, #tpu.memory_space<vmem>>
      %dma_start3A_222 = arith.constant 0 : i32
      %dma_start3A_223 = tpu.memref_slice %arg7[%add3A_98, %dma_start3A_222] : memref<50x128xi32, #tpu.memory_space<vmem>> -> memref<1x128xi32, #tpu.memory_space<vmem>>
      %dma_start3A_224 = tpu.memref_squeeze %dma_start3A_223 : memref<1x128xi32, #tpu.memory_space<vmem>> -> memref<128xi32, #tpu.memory_space<vmem>>
      %dma_start3A_225 = arith.constant 0 : i32
      %dma_start3A_226 = arith.constant 0 : i32
      %dma_start3A_227 = tpu.memref_slice %arg2[%dma_start3A_225, %dma_start3A_226] : memref<102400x16xf32, #tpu.memory_space<hbm>> -> memref<102400x16xf32, #tpu.memory_space<hbm>>
      tpu.enqueue_indirect_dma source(%dma_start3A_227 : memref<102400x16xf32, #tpu.memory_space<hbm>>) target(%dma_start3A_221 : memref<128x16xf32, #tpu.memory_space<vmem>>) offsets(%dma_start3A_224 : memref<128xi32, #tpu.memory_space<vmem>>) semaphore(%arg12 : memref<!tpu.dma_semaphore, #tpu.memory_space<semaphore_mem>>)
      %dma_start3A_228 = arith.constant 512 : i32
      %dma_start3A_229 = arith.constant 0 : i32
      %dma_start3A_230 = tpu.memref_slice %arg10[%dma_start3A_228, %dma_start3A_229] : memref<640x16xf32, #tpu.memory_space<vmem>> -> memref<128x16xf32, #tpu.memory_space<vmem>>
      %dma_start3A_231 = arith.constant 0 : i32
      %dma_start3A_232 = tpu.memref_slice %arg7[%add3A_102, %dma_start3A_231] : memref<50x128xi32, #tpu.memory_space<vmem>> -> memref<1x128xi32, #tpu.memory_space<vmem>>
      %dma_start3A_233 = tpu.memref_squeeze %dma_start3A_232 : memref<1x128xi32, #tpu.memory_space<vmem>> -> memref<128xi32, #tpu.memory_space<vmem>>
      %dma_start3A_234 = arith.constant 0 : i32
      %dma_start3A_235 = arith.constant 0 : i32
      %dma_start3A_236 = tpu.memref_slice %arg2[%dma_start3A_234, %dma_start3A_235] : memref<102400x16xf32, #tpu.memory_space<hbm>> -> memref<102400x16xf32, #tpu.memory_space<hbm>>
      tpu.enqueue_indirect_dma source(%dma_start3A_236 : memref<102400x16xf32, #tpu.memory_space<hbm>>) target(%dma_start3A_230 : memref<128x16xf32, #tpu.memory_space<vmem>>) offsets(%dma_start3A_233 : memref<128xi32, #tpu.memory_space<vmem>>) semaphore(%arg12 : memref<!tpu.dma_semaphore, #tpu.memory_space<semaphore_mem>>)
      %dma_wait3A = arith.constant 0 : i32
      %dma_wait3A_237 = arith.constant 0 : i32
      %dma_wait3A_238 = tpu.memref_slice %arg8[%dma_wait3A, %dma_wait3A_237] : memref<640x16xf32, #tpu.memory_space<vmem>> -> memref<128x16xf32, #tpu.memory_space<vmem>>
      %dma_wait3A_239 = arith.constant 0 : i32
      %dma_wait3A_240 = tpu.memref_slice %arg5[%add3A_46, %dma_wait3A_239] : memref<50x128xi32, #tpu.memory_space<vmem>> -> memref<1x128xi32, #tpu.memory_space<vmem>>
      %dma_wait3A_241 = tpu.memref_squeeze %dma_wait3A_240 : memref<1x128xi32, #tpu.memory_space<vmem>> -> memref<128xi32, #tpu.memory_space<vmem>>
      %dma_wait3A_242 = arith.constant 0 : i32
      %dma_wait3A_243 = arith.constant 0 : i32
      %dma_wait3A_244 = tpu.memref_slice %arg2[%dma_wait3A_242, %dma_wait3A_243] : memref<102400x16xf32, #tpu.memory_space<hbm>> -> memref<102400x16xf32, #tpu.memory_space<hbm>>
      tpu.wait_indirect_dma semaphore(%arg12 : memref<!tpu.dma_semaphore, #tpu.memory_space<semaphore_mem>>) src(%dma_wait3A_244 : memref<102400x16xf32, #tpu.memory_space<hbm>>) dst(%dma_wait3A_238 : memref<128x16xf32, #tpu.memory_space<vmem>>)
      %dma_wait3A_245 = arith.constant 128 : i32
      %dma_wait3A_246 = arith.constant 0 : i32
      %dma_wait3A_247 = tpu.memref_slice %arg8[%dma_wait3A_245, %dma_wait3A_246] : memref<640x16xf32, #tpu.memory_space<vmem>> -> memref<128x16xf32, #tpu.memory_space<vmem>>
      %dma_wait3A_248 = arith.constant 0 : i32
      %dma_wait3A_249 = tpu.memref_slice %arg5[%add3A_50, %dma_wait3A_248] : memref<50x128xi32, #tpu.memory_space<vmem>> -> memref<1x128xi32, #tpu.memory_space<vmem>>
      %dma_wait3A_250 = tpu.memref_squeeze %dma_wait3A_249 : memref<1x128xi32, #tpu.memory_space<vmem>> -> memref<128xi32, #tpu.memory_space<vmem>>
      %dma_wait3A_251 = arith.constant 0 : i32
      %dma_wait3A_252 = arith.constant 0 : i32
      %dma_wait3A_253 = tpu.memref_slice %arg2[%dma_wait3A_251, %dma_wait3A_252] : memref<102400x16xf32, #tpu.memory_space<hbm>> -> memref<102400x16xf32, #tpu.memory_space<hbm>>
      tpu.wait_indirect_dma semaphore(%arg12 : memref<!tpu.dma_semaphore, #tpu.memory_space<semaphore_mem>>) src(%dma_wait3A_253 : memref<102400x16xf32, #tpu.memory_space<hbm>>) dst(%dma_wait3A_247 : memref<128x16xf32, #tpu.memory_space<vmem>>)
      %dma_wait3A_254 = arith.constant 256 : i32
      %dma_wait3A_255 = arith.constant 0 : i32
      %dma_wait3A_256 = tpu.memref_slice %arg8[%dma_wait3A_254, %dma_wait3A_255] : memref<640x16xf32, #tpu.memory_space<vmem>> -> memref<128x16xf32, #tpu.memory_space<vmem>>
      %dma_wait3A_257 = arith.constant 0 : i32
      %dma_wait3A_258 = tpu.memref_slice %arg5[%add3A_54, %dma_wait3A_257] : memref<50x128xi32, #tpu.memory_space<vmem>> -> memref<1x128xi32, #tpu.memory_space<vmem>>
      %dma_wait3A_259 = tpu.memref_squeeze %dma_wait3A_258 : memref<1x128xi32, #tpu.memory_space<vmem>> -> memref<128xi32, #tpu.memory_space<vmem>>
      %dma_wait3A_260 = arith.constant 0 : i32
      %dma_wait3A_261 = arith.constant 0 : i32
      %dma_wait3A_262 = tpu.memref_slice %arg2[%dma_wait3A_260, %dma_wait3A_261] : memref<102400x16xf32, #tpu.memory_space<hbm>> -> memref<102400x16xf32, #tpu.memory_space<hbm>>
      tpu.wait_indirect_dma semaphore(%arg12 : memref<!tpu.dma_semaphore, #tpu.memory_space<semaphore_mem>>) src(%dma_wait3A_262 : memref<102400x16xf32, #tpu.memory_space<hbm>>) dst(%dma_wait3A_256 : memref<128x16xf32, #tpu.memory_space<vmem>>)
      %dma_wait3A_263 = arith.constant 384 : i32
      %dma_wait3A_264 = arith.constant 0 : i32
      %dma_wait3A_265 = tpu.memref_slice %arg8[%dma_wait3A_263, %dma_wait3A_264] : memref<640x16xf32, #tpu.memory_space<vmem>> -> memref<128x16xf32, #tpu.memory_space<vmem>>
      %dma_wait3A_266 = arith.constant 0 : i32
      %dma_wait3A_267 = tpu.memref_slice %arg5[%add3A_58, %dma_wait3A_266] : memref<50x128xi32, #tpu.memory_space<vmem>> -> memref<1x128xi32, #tpu.memory_space<vmem>>
      %dma_wait3A_268 = tpu.memref_squeeze %dma_wait3A_267 : memref<1x128xi32, #tpu.memory_space<vmem>> -> memref<128xi32, #tpu.memory_space<vmem>>
      %dma_wait3A_269 = arith.constant 0 : i32
      %dma_wait3A_270 = arith.constant 0 : i32
      %dma_wait3A_271 = tpu.memref_slice %arg2[%dma_wait3A_269, %dma_wait3A_270] : memref<102400x16xf32, #tpu.memory_space<hbm>> -> memref<102400x16xf32, #tpu.memory_space<hbm>>
      tpu.wait_indirect_dma semaphore(%arg12 : memref<!tpu.dma_semaphore, #tpu.memory_space<semaphore_mem>>) src(%dma_wait3A_271 : memref<102400x16xf32, #tpu.memory_space<hbm>>) dst(%dma_wait3A_265 : memref<128x16xf32, #tpu.memory_space<vmem>>)
      %dma_wait3A_272 = arith.constant 512 : i32
      %dma_wait3A_273 = arith.constant 0 : i32
      %dma_wait3A_274 = tpu.memref_slice %arg8[%dma_wait3A_272, %dma_wait3A_273] : memref<640x16xf32, #tpu.memory_space<vmem>> -> memref<128x16xf32, #tpu.memory_space<vmem>>
      %dma_wait3A_275 = arith.constant 0 : i32
      %dma_wait3A_276 = tpu.memref_slice %arg5[%add3A_62, %dma_wait3A_275] : memref<50x128xi32, #tpu.memory_space<vmem>> -> memref<1x128xi32, #tpu.memory_space<vmem>>
      %dma_wait3A_277 = tpu.memref_squeeze %dma_wait3A_276 : memref<1x128xi32, #tpu.memory_space<vmem>> -> memref<128xi32, #tpu.memory_space<vmem>>
      %dma_wait3A_278 = arith.constant 0 : i32
      %dma_wait3A_279 = arith.constant 0 : i32
      %dma_wait3A_280 = tpu.memref_slice %arg2[%dma_wait3A_278, %dma_wait3A_279] : memref<102400x16xf32, #tpu.memory_space<hbm>> -> memref<102400x16xf32, #tpu.memory_space<hbm>>
      tpu.wait_indirect_dma semaphore(%arg12 : memref<!tpu.dma_semaphore, #tpu.memory_space<semaphore_mem>>) src(%dma_wait3A_280 : memref<102400x16xf32, #tpu.memory_space<hbm>>) dst(%dma_wait3A_274 : memref<128x16xf32, #tpu.memory_space<vmem>>)
      %dma_wait3A_281 = arith.constant 0 : i32
      %dma_wait3A_282 = arith.constant 0 : i32
      %dma_wait3A_283 = tpu.memref_slice %arg9[%dma_wait3A_281, %dma_wait3A_282] : memref<640x16xf32, #tpu.memory_space<vmem>> -> memref<128x16xf32, #tpu.memory_space<vmem>>
      %dma_wait3A_284 = arith.constant 0 : i32
      %dma_wait3A_285 = tpu.memref_slice %arg6[%add3A_66, %dma_wait3A_284] : memref<50x128xi32, #tpu.memory_space<vmem>> -> memref<1x128xi32, #tpu.memory_space<vmem>>
      %dma_wait3A_286 = tpu.memref_squeeze %dma_wait3A_285 : memref<1x128xi32, #tpu.memory_space<vmem>> -> memref<128xi32, #tpu.memory_space<vmem>>
      %dma_wait3A_287 = arith.constant 0 : i32
      %dma_wait3A_288 = arith.constant 0 : i32
      %dma_wait3A_289 = tpu.memref_slice %arg2[%dma_wait3A_287, %dma_wait3A_288] : memref<102400x16xf32, #tpu.memory_space<hbm>> -> memref<102400x16xf32, #tpu.memory_space<hbm>>
      tpu.wait_indirect_dma semaphore(%arg12 : memref<!tpu.dma_semaphore, #tpu.memory_space<semaphore_mem>>) src(%dma_wait3A_289 : memref<102400x16xf32, #tpu.memory_space<hbm>>) dst(%dma_wait3A_283 : memref<128x16xf32, #tpu.memory_space<vmem>>)
      %dma_wait3A_290 = arith.constant 128 : i32
      %dma_wait3A_291 = arith.constant 0 : i32
      %dma_wait3A_292 = tpu.memref_slice %arg9[%dma_wait3A_290, %dma_wait3A_291] : memref<640x16xf32, #tpu.memory_space<vmem>> -> memref<128x16xf32, #tpu.memory_space<vmem>>
      %dma_wait3A_293 = arith.constant 0 : i32
      %dma_wait3A_294 = tpu.memref_slice %arg6[%add3A_70, %dma_wait3A_293] : memref<50x128xi32, #tpu.memory_space<vmem>> -> memref<1x128xi32, #tpu.memory_space<vmem>>
      %dma_wait3A_295 = tpu.memref_squeeze %dma_wait3A_294 : memref<1x128xi32, #tpu.memory_space<vmem>> -> memref<128xi32, #tpu.memory_space<vmem>>
      %dma_wait3A_296 = arith.constant 0 : i32
      %dma_wait3A_297 = arith.constant 0 : i32
      %dma_wait3A_298 = tpu.memref_slice %arg2[%dma_wait3A_296, %dma_wait3A_297] : memref<102400x16xf32, #tpu.memory_space<hbm>> -> memref<102400x16xf32, #tpu.memory_space<hbm>>
      tpu.wait_indirect_dma semaphore(%arg12 : memref<!tpu.dma_semaphore, #tpu.memory_space<semaphore_mem>>) src(%dma_wait3A_298 : memref<102400x16xf32, #tpu.memory_space<hbm>>) dst(%dma_wait3A_292 : memref<128x16xf32, #tpu.memory_space<vmem>>)
      %dma_wait3A_299 = arith.constant 256 : i32
      %dma_wait3A_300 = arith.constant 0 : i32
      %dma_wait3A_301 = tpu.memref_slice %arg9[%dma_wait3A_299, %dma_wait3A_300] : memref<640x16xf32, #tpu.memory_space<vmem>> -> memref<128x16xf32, #tpu.memory_space<vmem>>
      %dma_wait3A_302 = arith.constant 0 : i32
      %dma_wait3A_303 = tpu.memref_slice %arg6[%add3A_74, %dma_wait3A_302] : memref<50x128xi32, #tpu.memory_space<vmem>> -> memref<1x128xi32, #tpu.memory_space<vmem>>
      %dma_wait3A_304 = tpu.memref_squeeze %dma_wait3A_303 : memref<1x128xi32, #tpu.memory_space<vmem>> -> memref<128xi32, #tpu.memory_space<vmem>>
      %dma_wait3A_305 = arith.constant 0 : i32
      %dma_wait3A_306 = arith.constant 0 : i32
      %dma_wait3A_307 = tpu.memref_slice %arg2[%dma_wait3A_305, %dma_wait3A_306] : memref<102400x16xf32, #tpu.memory_space<hbm>> -> memref<102400x16xf32, #tpu.memory_space<hbm>>
      tpu.wait_indirect_dma semaphore(%arg12 : memref<!tpu.dma_semaphore, #tpu.memory_space<semaphore_mem>>) src(%dma_wait3A_307 : memref<102400x16xf32, #tpu.memory_space<hbm>>) dst(%dma_wait3A_301 : memref<128x16xf32, #tpu.memory_space<vmem>>)
      %dma_wait3A_308 = arith.constant 384 : i32
      %dma_wait3A_309 = arith.constant 0 : i32
      %dma_wait3A_310 = tpu.memref_slice %arg9[%dma_wait3A_308, %dma_wait3A_309] : memref<640x16xf32, #tpu.memory_space<vmem>> -> memref<128x16xf32, #tpu.memory_space<vmem>>
      %dma_wait3A_311 = arith.constant 0 : i32
      %dma_wait3A_312 = tpu.memref_slice %arg6[%add3A_78, %dma_wait3A_311] : memref<50x128xi32, #tpu.memory_space<vmem>> -> memref<1x128xi32, #tpu.memory_space<vmem>>
      %dma_wait3A_313 = tpu.memref_squeeze %dma_wait3A_312 : memref<1x128xi32, #tpu.memory_space<vmem>> -> memref<128xi32, #tpu.memory_space<vmem>>
      %dma_wait3A_314 = arith.constant 0 : i32
      %dma_wait3A_315 = arith.constant 0 : i32
      %dma_wait3A_316 = tpu.memref_slice %arg2[%dma_wait3A_314, %dma_wait3A_315] : memref<102400x16xf32, #tpu.memory_space<hbm>> -> memref<102400x16xf32, #tpu.memory_space<hbm>>
      tpu.wait_indirect_dma semaphore(%arg12 : memref<!tpu.dma_semaphore, #tpu.memory_space<semaphore_mem>>) src(%dma_wait3A_316 : memref<102400x16xf32, #tpu.memory_space<hbm>>) dst(%dma_wait3A_310 : memref<128x16xf32, #tpu.memory_space<vmem>>)
      %dma_wait3A_317 = arith.constant 512 : i32
      %dma_wait3A_318 = arith.constant 0 : i32
      %dma_wait3A_319 = tpu.memref_slice %arg9[%dma_wait3A_317, %dma_wait3A_318] : memref<640x16xf32, #tpu.memory_space<vmem>> -> memref<128x16xf32, #tpu.memory_space<vmem>>
      %dma_wait3A_320 = arith.constant 0 : i32
      %dma_wait3A_321 = tpu.memref_slice %arg6[%add3A_82, %dma_wait3A_320] : memref<50x128xi32, #tpu.memory_space<vmem>> -> memref<1x128xi32, #tpu.memory_space<vmem>>
      %dma_wait3A_322 = tpu.memref_squeeze %dma_wait3A_321 : memref<1x128xi32, #tpu.memory_space<vmem>> -> memref<128xi32, #tpu.memory_space<vmem>>
      %dma_wait3A_323 = arith.constant 0 : i32
      %dma_wait3A_324 = arith.constant 0 : i32
      %dma_wait3A_325 = tpu.memref_slice %arg2[%dma_wait3A_323, %dma_wait3A_324] : memref<102400x16xf32, #tpu.memory_space<hbm>> -> memref<102400x16xf32, #tpu.memory_space<hbm>>
      tpu.wait_indirect_dma semaphore(%arg12 : memref<!tpu.dma_semaphore, #tpu.memory_space<semaphore_mem>>) src(%dma_wait3A_325 : memref<102400x16xf32, #tpu.memory_space<hbm>>) dst(%dma_wait3A_319 : memref<128x16xf32, #tpu.memory_space<vmem>>)
      %dma_wait3A_326 = arith.constant 0 : i32
      %dma_wait3A_327 = arith.constant 0 : i32
      %dma_wait3A_328 = tpu.memref_slice %arg10[%dma_wait3A_326, %dma_wait3A_327] : memref<640x16xf32, #tpu.memory_space<vmem>> -> memref<128x16xf32, #tpu.memory_space<vmem>>
      %dma_wait3A_329 = arith.constant 0 : i32
      %dma_wait3A_330 = tpu.memref_slice %arg7[%add3A_86, %dma_wait3A_329] : memref<50x128xi32, #tpu.memory_space<vmem>> -> memref<1x128xi32, #tpu.memory_space<vmem>>
      %dma_wait3A_331 = tpu.memref_squeeze %dma_wait3A_330 : memref<1x128xi32, #tpu.memory_space<vmem>> -> memref<128xi32, #tpu.memory_space<vmem>>
      %dma_wait3A_332 = arith.constant 0 : i32
      %dma_wait3A_333 = arith.constant 0 : i32
      %dma_wait3A_334 = tpu.memref_slice %arg2[%dma_wait3A_332, %dma_wait3A_333] : memref<102400x16xf32, #tpu.memory_space<hbm>> -> memref<102400x16xf32, #tpu.memory_space<hbm>>
      tpu.wait_indirect_dma semaphore(%arg12 : memref<!tpu.dma_semaphore, #tpu.memory_space<semaphore_mem>>) src(%dma_wait3A_334 : memref<102400x16xf32, #tpu.memory_space<hbm>>) dst(%dma_wait3A_328 : memref<128x16xf32, #tpu.memory_space<vmem>>)
      %dma_wait3A_335 = arith.constant 128 : i32
      %dma_wait3A_336 = arith.constant 0 : i32
      %dma_wait3A_337 = tpu.memref_slice %arg10[%dma_wait3A_335, %dma_wait3A_336] : memref<640x16xf32, #tpu.memory_space<vmem>> -> memref<128x16xf32, #tpu.memory_space<vmem>>
      %dma_wait3A_338 = arith.constant 0 : i32
      %dma_wait3A_339 = tpu.memref_slice %arg7[%add3A_90, %dma_wait3A_338] : memref<50x128xi32, #tpu.memory_space<vmem>> -> memref<1x128xi32, #tpu.memory_space<vmem>>
      %dma_wait3A_340 = tpu.memref_squeeze %dma_wait3A_339 : memref<1x128xi32, #tpu.memory_space<vmem>> -> memref<128xi32, #tpu.memory_space<vmem>>
      %dma_wait3A_341 = arith.constant 0 : i32
      %dma_wait3A_342 = arith.constant 0 : i32
      %dma_wait3A_343 = tpu.memref_slice %arg2[%dma_wait3A_341, %dma_wait3A_342] : memref<102400x16xf32, #tpu.memory_space<hbm>> -> memref<102400x16xf32, #tpu.memory_space<hbm>>
      tpu.wait_indirect_dma semaphore(%arg12 : memref<!tpu.dma_semaphore, #tpu.memory_space<semaphore_mem>>) src(%dma_wait3A_343 : memref<102400x16xf32, #tpu.memory_space<hbm>>) dst(%dma_wait3A_337 : memref<128x16xf32, #tpu.memory_space<vmem>>)
      %dma_wait3A_344 = arith.constant 256 : i32
      %dma_wait3A_345 = arith.constant 0 : i32
      %dma_wait3A_346 = tpu.memref_slice %arg10[%dma_wait3A_344, %dma_wait3A_345] : memref<640x16xf32, #tpu.memory_space<vmem>> -> memref<128x16xf32, #tpu.memory_space<vmem>>
      %dma_wait3A_347 = arith.constant 0 : i32
      %dma_wait3A_348 = tpu.memref_slice %arg7[%add3A_94, %dma_wait3A_347] : memref<50x128xi32, #tpu.memory_space<vmem>> -> memref<1x128xi32, #tpu.memory_space<vmem>>
      %dma_wait3A_349 = tpu.memref_squeeze %dma_wait3A_348 : memref<1x128xi32, #tpu.memory_space<vmem>> -> memref<128xi32, #tpu.memory_space<vmem>>
      %dma_wait3A_350 = arith.constant 0 : i32
      %dma_wait3A_351 = arith.constant 0 : i32
      %dma_wait3A_352 = tpu.memref_slice %arg2[%dma_wait3A_350, %dma_wait3A_351] : memref<102400x16xf32, #tpu.memory_space<hbm>> -> memref<102400x16xf32, #tpu.memory_space<hbm>>
      tpu.wait_indirect_dma semaphore(%arg12 : memref<!tpu.dma_semaphore, #tpu.memory_space<semaphore_mem>>) src(%dma_wait3A_352 : memref<102400x16xf32, #tpu.memory_space<hbm>>) dst(%dma_wait3A_346 : memref<128x16xf32, #tpu.memory_space<vmem>>)
      %dma_wait3A_353 = arith.constant 384 : i32
      %dma_wait3A_354 = arith.constant 0 : i32
      %dma_wait3A_355 = tpu.memref_slice %arg10[%dma_wait3A_353, %dma_wait3A_354] : memref<640x16xf32, #tpu.memory_space<vmem>> -> memref<128x16xf32, #tpu.memory_space<vmem>>
      %dma_wait3A_356 = arith.constant 0 : i32
      %dma_wait3A_357 = tpu.memref_slice %arg7[%add3A_98, %dma_wait3A_356] : memref<50x128xi32, #tpu.memory_space<vmem>> -> memref<1x128xi32, #tpu.memory_space<vmem>>
      %dma_wait3A_358 = tpu.memref_squeeze %dma_wait3A_357 : memref<1x128xi32, #tpu.memory_space<vmem>> -> memref<128xi32, #tpu.memory_space<vmem>>
      %dma_wait3A_359 = arith.constant 0 : i32
      %dma_wait3A_360 = arith.constant 0 : i32
      %dma_wait3A_361 = tpu.memref_slice %arg2[%dma_wait3A_359, %dma_wait3A_360] : memref<102400x16xf32, #tpu.memory_space<hbm>> -> memref<102400x16xf32, #tpu.memory_space<hbm>>
      tpu.wait_indirect_dma semaphore(%arg12 : memref<!tpu.dma_semaphore, #tpu.memory_space<semaphore_mem>>) src(%dma_wait3A_361 : memref<102400x16xf32, #tpu.memory_space<hbm>>) dst(%dma_wait3A_355 : memref<128x16xf32, #tpu.memory_space<vmem>>)
      %dma_wait3A_362 = arith.constant 512 : i32
      %dma_wait3A_363 = arith.constant 0 : i32
      %dma_wait3A_364 = tpu.memref_slice %arg10[%dma_wait3A_362, %dma_wait3A_363] : memref<640x16xf32, #tpu.memory_space<vmem>> -> memref<128x16xf32, #tpu.memory_space<vmem>>
      %dma_wait3A_365 = arith.constant 0 : i32
      %dma_wait3A_366 = tpu.memref_slice %arg7[%add3A_102, %dma_wait3A_365] : memref<50x128xi32, #tpu.memory_space<vmem>> -> memref<1x128xi32, #tpu.memory_space<vmem>>
      %dma_wait3A_367 = tpu.memref_squeeze %dma_wait3A_366 : memref<1x128xi32, #tpu.memory_space<vmem>> -> memref<128xi32, #tpu.memory_space<vmem>>
      %dma_wait3A_368 = arith.constant 0 : i32
      %dma_wait3A_369 = arith.constant 0 : i32
      %dma_wait3A_370 = tpu.memref_slice %arg2[%dma_wait3A_368, %dma_wait3A_369] : memref<102400x16xf32, #tpu.memory_space<hbm>> -> memref<102400x16xf32, #tpu.memory_space<hbm>>
      tpu.wait_indirect_dma semaphore(%arg12 : memref<!tpu.dma_semaphore, #tpu.memory_space<semaphore_mem>>) src(%dma_wait3A_370 : memref<102400x16xf32, #tpu.memory_space<hbm>>) dst(%dma_wait3A_364 : memref<128x16xf32, #tpu.memory_space<vmem>>)
      %scan3A_371 = arith.constant 0 : i32
      %scan3A_372 = arith.constant 0 : i32
      %scan3A_373 = arith.constant 640 : i32
      %scan3A_374 = arith.addi %scan3A_372, %scan3A_373 : i32
      %scan3A_375 = arith.constant 4 : i32
      %scan3A_376 = scf.for %scan3A_384 = %scan3A_372 to %scan3A_374 step %scan3A_375 iter_args(%scan3A_385 = %scan3A_371) -> (i32)  : i32 {
        %get3A = arith.index_cast %scan3A_384 : i32 to index
        %get3A_386 = arith.constant 0 : index
        %get3A_387 = tpu.vector_load %arg8[%get3A, %get3A_386] {strides = array<i32>} : memref<640x16xf32, #tpu.memory_space<vmem>>, vector<16xf32>,
        %get3A_388 = arith.index_cast %scan3A_384 : i32 to index
        %get3A_389 = arith.constant 0 : index
        %get3A_390 = tpu.vector_load %arg9[%get3A_388, %get3A_389] {strides = array<i32>} : memref<640x16xf32, #tpu.memory_space<vmem>>, vector<16xf32>,
        %sub3A = arith.subf %get3A_390, %get3A_387 : vector<16xf32>
        %get3A_391 = arith.index_cast %scan3A_384 : i32 to index
        %get3A_392 = arith.constant 0 : index
        %get3A_393 = tpu.vector_load %arg10[%get3A_391, %get3A_392] {strides = array<i32>} : memref<640x16xf32, #tpu.memory_space<vmem>>, vector<16xf32>,
        %sub3A_394 = arith.subf %get3A_393, %get3A_387 : vector<16xf32>
        %broadcast_in_dim3A_395 = vector.shape_cast %add3A_13 : vector<16xi32> to vector<16x1xi32>
        %gather3A = vector.shape_cast %broadcast_in_dim3A_395 : vector<16x1xi32> to vector<16xi32>
        %gather3A_396 = tpu.dynamic_gather %sub3A[%gather3A] in [0] : vector<16xf32>, vector<16xi32> -> vector<16xf32>
        %broadcast_in_dim3A_397 = vector.shape_cast %add3A_26 : vector<16xi32> to vector<16x1xi32>
        %gather3A_398 = vector.shape_cast %broadcast_in_dim3A_397 : vector<16x1xi32> to vector<16xi32>
        %gather3A_399 = tpu.dynamic_gather %sub3A_394[%gather3A_398] in [0] : vector<16xf32>, vector<16xi32> -> vector<16xf32>
        %mul3A_400 = arith.mulf %gather3A_396, %gather3A_399 : vector<16xf32>
        %broadcast_in_dim3A_401 = vector.shape_cast %add3A_26 : vector<16xi32> to vector<16x1xi32>
        %gather3A_402 = vector.shape_cast %broadcast_in_dim3A_401 : vector<16x1xi32> to vector<16xi32>
        %gather3A_403 = tpu.dynamic_gather %sub3A[%gather3A_402] in [0] : vector<16xf32>, vector<16xi32> -> vector<16xf32>
        %broadcast_in_dim3A_404 = vector.shape_cast %add3A_13 : vector<16xi32> to vector<16x1xi32>
        %gather3A_405 = vector.shape_cast %broadcast_in_dim3A_404 : vector<16x1xi32> to vector<16xi32>
        %gather3A_406 = tpu.dynamic_gather %sub3A_394[%gather3A_405] in [0] : vector<16xf32>, vector<16xi32> -> vector<16xf32>
        %mul3A_407 = arith.mulf %gather3A_403, %gather3A_406 : vector<16xf32>
        %sub3A_408 = arith.subf %mul3A_400, %mul3A_407 : vector<16xf32>
        %mul3A_409 = arith.mulf %sub3A_408, %sub3A_408 : vector<16xf32>
        %broadcast_in_dim3A_410 = vector.shape_cast %add3A_13 : vector<16xi32> to vector<16x1xi32>
        %gather3A_411 = vector.shape_cast %broadcast_in_dim3A_410 : vector<16x1xi32> to vector<16xi32>
        %gather3A_412 = tpu.dynamic_gather %mul3A_409[%gather3A_411] in [0] : vector<16xf32>, vector<16xi32> -> vector<16xf32>
        %add3A_413 = arith.addf %mul3A_409, %gather3A_412 : vector<16xf32>
        %broadcast_in_dim3A_414 = vector.shape_cast %add3A_26 : vector<16xi32> to vector<16x1xi32>
        %gather3A_415 = vector.shape_cast %broadcast_in_dim3A_414 : vector<16x1xi32> to vector<16xi32>
        %gather3A_416 = tpu.dynamic_gather %mul3A_409[%gather3A_415] in [0] : vector<16xf32>, vector<16xi32> -> vector<16xf32>
        %add3A_417 = arith.addf %add3A_413, %gather3A_416 : vector<16xf32>
        %max3A = arith.constant 1.000000e-30 : f32
        %max3A_418 = vector.broadcast %max3A : f32 to vector<16xf32>
        %max3A_419 = arith.maximumf %add3A_417, %max3A_418 : vector<16xf32>
        %bitcast_convert_type3A = tpu.bitcast %max3A_419 : vector<16xf32> -> vector<16xi32>
        %shift_right_logical3A = arith.constant 1 : i32
        %shift_right_logical3A_420 = vector.broadcast %shift_right_logical3A : i32 to vector<16xi32>
        %shift_right_logical3A_421 = arith.shrui %bitcast_convert_type3A, %shift_right_logical3A_420 : vector<16xi32>
        %sub3A_422 = arith.constant 1597463007 : i32
        %sub3A_423 = vector.broadcast %sub3A_422 : i32 to vector<16xi32>
        %sub3A_424 = arith.subi %sub3A_423, %shift_right_logical3A_421 : vector<16xi32>
        %bitcast_convert_type3A_425 = tpu.bitcast %sub3A_424 : vector<16xi32> -> vector<16xf32>
        %mul3A_426 = arith.constant 5.000000e-01 : f32
        %mul3A_427 = vector.broadcast %mul3A_426 : f32 to vector<16xf32>
        %mul3A_428 = arith.mulf %mul3A_427, %max3A_419 : vector<16xf32>
        %mul3A_429 = arith.mulf %mul3A_428, %bitcast_convert_type3A_425 : vector<16xf32>
        %mul3A_430 = arith.mulf %mul3A_429, %bitcast_convert_type3A_425 : vector<16xf32>
        %sub3A_431 = arith.constant 1.500000e+00 : f32
        %sub3A_432 = vector.broadcast %sub3A_431 : f32 to vector<16xf32>
        %sub3A_433 = arith.subf %sub3A_432, %mul3A_430 : vector<16xf32>
        %mul3A_434 = arith.mulf %bitcast_convert_type3A_425, %sub3A_433 : vector<16xf32>
        %mul3A_435 = arith.constant 5.000000e-01 : f32
        %mul3A_436 = vector.broadcast %mul3A_435 : f32 to vector<16xf32>
        %mul3A_437 = arith.mulf %mul3A_436, %max3A_419 : vector<16xf32>
        %mul3A_438 = arith.mulf %mul3A_437, %mul3A_434 : vector<16xf32>
        %mul3A_439 = arith.mulf %mul3A_438, %mul3A_434 : vector<16xf32>
        %sub3A_440 = arith.constant 1.500000e+00 : f32
        %sub3A_441 = vector.broadcast %sub3A_440 : f32 to vector<16xf32>
        %sub3A_442 = arith.subf %sub3A_441, %mul3A_439 : vector<16xf32>
        %mul3A_443 = arith.mulf %mul3A_434, %sub3A_442 : vector<16xf32>
        %mul3A_444 = arith.mulf %sub3A_408, %mul3A_443 : vector<16xf32>
        %swap3A = arith.index_cast %scan3A_384 : i32 to index
        %swap3A_445 = arith.constant 0 : index
        %swap3A_446 = tpu.vector_load %arg11[%swap3A, %swap3A_445] {strides = array<i32>} : memref<640x16xf32, #tpu.memory_space<vmem>>, vector<16xf32>,
        tpu.vector_store %arg11[%swap3A, %swap3A_445], %mul3A_444 {strides = array<i32>} : memref<640x16xf32, #tpu.memory_space<vmem>>, vector<16xf32>,
        %scan3A_447 = arith.constant 0 : i32
        %scan3A_448 = arith.constant 1 : i32
        %scan3A_449 = arith.addi %scan3A_384, %scan3A_448 : i32
        %get3A_450 = arith.index_cast %scan3A_449 : i32 to index
        %get3A_451 = arith.constant 0 : index
        %get3A_452 = tpu.vector_load %arg8[%get3A_450, %get3A_451] {strides = array<i32>} : memref<640x16xf32, #tpu.memory_space<vmem>>, vector<16xf32>,
        %get3A_453 = arith.index_cast %scan3A_449 : i32 to index
        %get3A_454 = arith.constant 0 : index
        %get3A_455 = tpu.vector_load %arg9[%get3A_453, %get3A_454] {strides = array<i32>} : memref<640x16xf32, #tpu.memory_space<vmem>>, vector<16xf32>,
        %sub3A_456 = arith.subf %get3A_455, %get3A_452 : vector<16xf32>
        %get3A_457 = arith.index_cast %scan3A_449 : i32 to index
        %get3A_458 = arith.constant 0 : index
        %get3A_459 = tpu.vector_load %arg10[%get3A_457, %get3A_458] {strides = array<i32>} : memref<640x16xf32, #tpu.memory_space<vmem>>, vector<16xf32>,
        %sub3A_460 = arith.subf %get3A_459, %get3A_452 : vector<16xf32>
        %broadcast_in_dim3A_461 = vector.shape_cast %add3A_13 : vector<16xi32> to vector<16x1xi32>
        %gather3A_462 = vector.shape_cast %broadcast_in_dim3A_461 : vector<16x1xi32> to vector<16xi32>
        %gather3A_463 = tpu.dynamic_gather %sub3A_456[%gather3A_462] in [0] : vector<16xf32>, vector<16xi32> -> vector<16xf32>
        %broadcast_in_dim3A_464 = vector.shape_cast %add3A_26 : vector<16xi32> to vector<16x1xi32>
        %gather3A_465 = vector.shape_cast %broadcast_in_dim3A_464 : vector<16x1xi32> to vector<16xi32>
        %gather3A_466 = tpu.dynamic_gather %sub3A_460[%gather3A_465] in [0] : vector<16xf32>, vector<16xi32> -> vector<16xf32>
        %mul3A_467 = arith.mulf %gather3A_463, %gather3A_466 : vector<16xf32>
        %broadcast_in_dim3A_468 = vector.shape_cast %add3A_26 : vector<16xi32> to vector<16x1xi32>
        %gather3A_469 = vector.shape_cast %broadcast_in_dim3A_468 : vector<16x1xi32> to vector<16xi32>
        %gather3A_470 = tpu.dynamic_gather %sub3A_456[%gather3A_469] in [0] : vector<16xf32>, vector<16xi32> -> vector<16xf32>
        %broadcast_in_dim3A_471 = vector.shape_cast %add3A_13 : vector<16xi32> to vector<16x1xi32>
        %gather3A_472 = vector.shape_cast %broadcast_in_dim3A_471 : vector<16x1xi32> to vector<16xi32>
        %gather3A_473 = tpu.dynamic_gather %sub3A_460[%gather3A_472] in [0] : vector<16xf32>, vector<16xi32> -> vector<16xf32>
        %mul3A_474 = arith.mulf %gather3A_470, %gather3A_473 : vector<16xf32>
        %sub3A_475 = arith.subf %mul3A_467, %mul3A_474 : vector<16xf32>
        %mul3A_476 = arith.mulf %sub3A_475, %sub3A_475 : vector<16xf32>
        %broadcast_in_dim3A_477 = vector.shape_cast %add3A_13 : vector<16xi32> to vector<16x1xi32>
        %gather3A_478 = vector.shape_cast %broadcast_in_dim3A_477 : vector<16x1xi32> to vector<16xi32>
        %gather3A_479 = tpu.dynamic_gather %mul3A_476[%gather3A_478] in [0] : vector<16xf32>, vector<16xi32> -> vector<16xf32>
        %add3A_480 = arith.addf %mul3A_476, %gather3A_479 : vector<16xf32>
        %broadcast_in_dim3A_481 = vector.shape_cast %add3A_26 : vector<16xi32> to vector<16x1xi32>
        %gather3A_482 = vector.shape_cast %broadcast_in_dim3A_481 : vector<16x1xi32> to vector<16xi32>
        %gather3A_483 = tpu.dynamic_gather %mul3A_476[%gather3A_482] in [0] : vector<16xf32>, vector<16xi32> -> vector<16xf32>
        %add3A_484 = arith.addf %add3A_480, %gather3A_483 : vector<16xf32>
        %max3A_485 = arith.constant 1.000000e-30 : f32
        %max3A_486 = vector.broadcast %max3A_485 : f32 to vector<16xf32>
        %max3A_487 = arith.maximumf %add3A_484, %max3A_486 : vector<16xf32>
        %bitcast_convert_type3A_488 = tpu.bitcast %max3A_487 : vector<16xf32> -> vector<16xi32>
        %shift_right_logical3A_489 = arith.constant 1 : i32
        %shift_right_logical3A_490 = vector.broadcast %shift_right_logical3A_489 : i32 to vector<16xi32>
        %shift_right_logical3A_491 = arith.shrui %bitcast_convert_type3A_488, %shift_right_logical3A_490 : vector<16xi32>
        %sub3A_492 = arith.constant 1597463007 : i32
        %sub3A_493 = vector.broadcast %sub3A_492 : i32 to vector<16xi32>
        %sub3A_494 = arith.subi %sub3A_493, %shift_right_logical3A_491 : vector<16xi32>
        %bitcast_convert_type3A_495 = tpu.bitcast %sub3A_494 : vector<16xi32> -> vector<16xf32>
        %mul3A_496 = arith.constant 5.000000e-01 : f32
        %mul3A_497 = vector.broadcast %mul3A_496 : f32 to vector<16xf32>
        %mul3A_498 = arith.mulf %mul3A_497, %max3A_487 : vector<16xf32>
        %mul3A_499 = arith.mulf %mul3A_498, %bitcast_convert_type3A_495 : vector<16xf32>
        %mul3A_500 = arith.mulf %mul3A_499, %bitcast_convert_type3A_495 : vector<16xf32>
        %sub3A_501 = arith.constant 1.500000e+00 : f32
        %sub3A_502 = vector.broadcast %sub3A_501 : f32 to vector<16xf32>
        %sub3A_503 = arith.subf %sub3A_502, %mul3A_500 : vector<16xf32>
        %mul3A_504 = arith.mulf %bitcast_convert_type3A_495, %sub3A_503 : vector<16xf32>
        %mul3A_505 = arith.constant 5.000000e-01 : f32
        %mul3A_506 = vector.broadcast %mul3A_505 : f32 to vector<16xf32>
        %mul3A_507 = arith.mulf %mul3A_506, %max3A_487 : vector<16xf32>
        %mul3A_508 = arith.mulf %mul3A_507, %mul3A_504 : vector<16xf32>
        %mul3A_509 = arith.mulf %mul3A_508, %mul3A_504 : vector<16xf32>
        %sub3A_510 = arith.constant 1.500000e+00 : f32
        %sub3A_511 = vector.broadcast %sub3A_510 : f32 to vector<16xf32>
        %sub3A_512 = arith.subf %sub3A_511, %mul3A_509 : vector<16xf32>
        %mul3A_513 = arith.mulf %mul3A_504, %sub3A_512 : vector<16xf32>
        %mul3A_514 = arith.mulf %sub3A_475, %mul3A_513 : vector<16xf32>
        %swap3A_515 = arith.index_cast %scan3A_449 : i32 to index
        %swap3A_516 = arith.constant 0 : index
        %swap3A_517 = tpu.vector_load %arg11[%swap3A_515, %swap3A_516] {strides = array<i32>} : memref<640x16xf32, #tpu.memory_space<vmem>>, vector<16xf32>,
        tpu.vector_store %arg11[%swap3A_515, %swap3A_516], %mul3A_514 {strides = array<i32>} : memref<640x16xf32, #tpu.memory_space<vmem>>, vector<16xf32>,
        %scan3A_518 = arith.constant 0 : i32
        %scan3A_519 = arith.constant 2 : i32
        %scan3A_520 = arith.addi %scan3A_384, %scan3A_519 : i32
        %get3A_521 = arith.index_cast %scan3A_520 : i32 to index
        %get3A_522 = arith.constant 0 : index
        %get3A_523 = tpu.vector_load %arg8[%get3A_521, %get3A_522] {strides = array<i32>} : memref<640x16xf32, #tpu.memory_space<vmem>>, vector<16xf32>,
        %get3A_524 = arith.index_cast %scan3A_520 : i32 to index
        %get3A_525 = arith.constant 0 : index
        %get3A_526 = tpu.vector_load %arg9[%get3A_524, %get3A_525] {strides = array<i32>} : memref<640x16xf32, #tpu.memory_space<vmem>>, vector<16xf32>,
        %sub3A_527 = arith.subf %get3A_526, %get3A_523 : vector<16xf32>
        %get3A_528 = arith.index_cast %scan3A_520 : i32 to index
        %get3A_529 = arith.constant 0 : index
        %get3A_530 = tpu.vector_load %arg10[%get3A_528, %get3A_529] {strides = array<i32>} : memref<640x16xf32, #tpu.memory_space<vmem>>, vector<16xf32>,
        %sub3A_531 = arith.subf %get3A_530, %get3A_523 : vector<16xf32>
        %broadcast_in_dim3A_532 = vector.shape_cast %add3A_13 : vector<16xi32> to vector<16x1xi32>
        %gather3A_533 = vector.shape_cast %broadcast_in_dim3A_532 : vector<16x1xi32> to vector<16xi32>
        %gather3A_534 = tpu.dynamic_gather %sub3A_527[%gather3A_533] in [0] : vector<16xf32>, vector<16xi32> -> vector<16xf32>
        %broadcast_in_dim3A_535 = vector.shape_cast %add3A_26 : vector<16xi32> to vector<16x1xi32>
        %gather3A_536 = vector.shape_cast %broadcast_in_dim3A_535 : vector<16x1xi32> to vector<16xi32>
        %gather3A_537 = tpu.dynamic_gather %sub3A_531[%gather3A_536] in [0] : vector<16xf32>, vector<16xi32> -> vector<16xf32>
        %mul3A_538 = arith.mulf %gather3A_534, %gather3A_537 : vector<16xf32>
        %broadcast_in_dim3A_539 = vector.shape_cast %add3A_26 : vector<16xi32> to vector<16x1xi32>
        %gather3A_540 = vector.shape_cast %broadcast_in_dim3A_539 : vector<16x1xi32> to vector<16xi32>
        %gather3A_541 = tpu.dynamic_gather %sub3A_527[%gather3A_540] in [0] : vector<16xf32>, vector<16xi32> -> vector<16xf32>
        %broadcast_in_dim3A_542 = vector.shape_cast %add3A_13 : vector<16xi32> to vector<16x1xi32>
        %gather3A_543 = vector.shape_cast %broadcast_in_dim3A_542 : vector<16x1xi32> to vector<16xi32>
        %gather3A_544 = tpu.dynamic_gather %sub3A_531[%gather3A_543] in [0] : vector<16xf32>, vector<16xi32> -> vector<16xf32>
        %mul3A_545 = arith.mulf %gather3A_541, %gather3A_544 : vector<16xf32>
        %sub3A_546 = arith.subf %mul3A_538, %mul3A_545 : vector<16xf32>
        %mul3A_547 = arith.mulf %sub3A_546, %sub3A_546 : vector<16xf32>
        %broadcast_in_dim3A_548 = vector.shape_cast %add3A_13 : vector<16xi32> to vector<16x1xi32>
        %gather3A_549 = vector.shape_cast %broadcast_in_dim3A_548 : vector<16x1xi32> to vector<16xi32>
        %gather3A_550 = tpu.dynamic_gather %mul3A_547[%gather3A_549] in [0] : vector<16xf32>, vector<16xi32> -> vector<16xf32>
        %add3A_551 = arith.addf %mul3A_547, %gather3A_550 : vector<16xf32>
        %broadcast_in_dim3A_552 = vector.shape_cast %add3A_26 : vector<16xi32> to vector<16x1xi32>
        %gather3A_553 = vector.shape_cast %broadcast_in_dim3A_552 : vector<16x1xi32> to vector<16xi32>
        %gather3A_554 = tpu.dynamic_gather %mul3A_547[%gather3A_553] in [0] : vector<16xf32>, vector<16xi32> -> vector<16xf32>
        %add3A_555 = arith.addf %add3A_551, %gather3A_554 : vector<16xf32>
        %max3A_556 = arith.constant 1.000000e-30 : f32
        %max3A_557 = vector.broadcast %max3A_556 : f32 to vector<16xf32>
        %max3A_558 = arith.maximumf %add3A_555, %max3A_557 : vector<16xf32>
        %bitcast_convert_type3A_559 = tpu.bitcast %max3A_558 : vector<16xf32> -> vector<16xi32>
        %shift_right_logical3A_560 = arith.constant 1 : i32
        %shift_right_logical3A_561 = vector.broadcast %shift_right_logical3A_560 : i32 to vector<16xi32>
        %shift_right_logical3A_562 = arith.shrui %bitcast_convert_type3A_559, %shift_right_logical3A_561 : vector<16xi32>
        %sub3A_563 = arith.constant 1597463007 : i32
        %sub3A_564 = vector.broadcast %sub3A_563 : i32 to vector<16xi32>
        %sub3A_565 = arith.subi %sub3A_564, %shift_right_logical3A_562 : vector<16xi32>
        %bitcast_convert_type3A_566 = tpu.bitcast %sub3A_565 : vector<16xi32> -> vector<16xf32>
        %mul3A_567 = arith.constant 5.000000e-01 : f32
        %mul3A_568 = vector.broadcast %mul3A_567 : f32 to vector<16xf32>
        %mul3A_569 = arith.mulf %mul3A_568, %max3A_558 : vector<16xf32>
        %mul3A_570 = arith.mulf %mul3A_569, %bitcast_convert_type3A_566 : vector<16xf32>
        %mul3A_571 = arith.mulf %mul3A_570, %bitcast_convert_type3A_566 : vector<16xf32>
        %sub3A_572 = arith.constant 1.500000e+00 : f32
        %sub3A_573 = vector.broadcast %sub3A_572 : f32 to vector<16xf32>
        %sub3A_574 = arith.subf %sub3A_573, %mul3A_571 : vector<16xf32>
        %mul3A_575 = arith.mulf %bitcast_convert_type3A_566, %sub3A_574 : vector<16xf32>
        %mul3A_576 = arith.constant 5.000000e-01 : f32
        %mul3A_577 = vector.broadcast %mul3A_576 : f32 to vector<16xf32>
        %mul3A_578 = arith.mulf %mul3A_577, %max3A_558 : vector<16xf32>
        %mul3A_579 = arith.mulf %mul3A_578, %mul3A_575 : vector<16xf32>
        %mul3A_580 = arith.mulf %mul3A_579, %mul3A_575 : vector<16xf32>
        %sub3A_581 = arith.constant 1.500000e+00 : f32
        %sub3A_582 = vector.broadcast %sub3A_581 : f32 to vector<16xf32>
        %sub3A_583 = arith.subf %sub3A_582, %mul3A_580 : vector<16xf32>
        %mul3A_584 = arith.mulf %mul3A_575, %sub3A_583 : vector<16xf32>
        %mul3A_585 = arith.mulf %sub3A_546, %mul3A_584 : vector<16xf32>
        %swap3A_586 = arith.index_cast %scan3A_520 : i32 to index
        %swap3A_587 = arith.constant 0 : index
        %swap3A_588 = tpu.vector_load %arg11[%swap3A_586, %swap3A_587] {strides = array<i32>} : memref<640x16xf32, #tpu.memory_space<vmem>>, vector<16xf32>,
        tpu.vector_store %arg11[%swap3A_586, %swap3A_587], %mul3A_585 {strides = array<i32>} : memref<640x16xf32, #tpu.memory_space<vmem>>, vector<16xf32>,
        %scan3A_589 = arith.constant 0 : i32
        %scan3A_590 = arith.constant 3 : i32
        %scan3A_591 = arith.addi %scan3A_384, %scan3A_590 : i32
        %get3A_592 = arith.index_cast %scan3A_591 : i32 to index
        %get3A_593 = arith.constant 0 : index
        %get3A_594 = tpu.vector_load %arg8[%get3A_592, %get3A_593] {strides = array<i32>} : memref<640x16xf32, #tpu.memory_space<vmem>>, vector<16xf32>,
        %get3A_595 = arith.index_cast %scan3A_591 : i32 to index
        %get3A_596 = arith.constant 0 : index
        %get3A_597 = tpu.vector_load %arg9[%get3A_595, %get3A_596] {strides = array<i32>} : memref<640x16xf32, #tpu.memory_space<vmem>>, vector<16xf32>,
        %sub3A_598 = arith.subf %get3A_597, %get3A_594 : vector<16xf32>
        %get3A_599 = arith.index_cast %scan3A_591 : i32 to index
        %get3A_600 = arith.constant 0 : index
        %get3A_601 = tpu.vector_load %arg10[%get3A_599, %get3A_600] {strides = array<i32>} : memref<640x16xf32, #tpu.memory_space<vmem>>, vector<16xf32>,
        %sub3A_602 = arith.subf %get3A_601, %get3A_594 : vector<16xf32>
        %broadcast_in_dim3A_603 = vector.shape_cast %add3A_13 : vector<16xi32> to vector<16x1xi32>
        %gather3A_604 = vector.shape_cast %broadcast_in_dim3A_603 : vector<16x1xi32> to vector<16xi32>
        %gather3A_605 = tpu.dynamic_gather %sub3A_598[%gather3A_604] in [0] : vector<16xf32>, vector<16xi32> -> vector<16xf32>
        %broadcast_in_dim3A_606 = vector.shape_cast %add3A_26 : vector<16xi32> to vector<16x1xi32>
        %gather3A_607 = vector.shape_cast %broadcast_in_dim3A_606 : vector<16x1xi32> to vector<16xi32>
        %gather3A_608 = tpu.dynamic_gather %sub3A_602[%gather3A_607] in [0] : vector<16xf32>, vector<16xi32> -> vector<16xf32>
        %mul3A_609 = arith.mulf %gather3A_605, %gather3A_608 : vector<16xf32>
        %broadcast_in_dim3A_610 = vector.shape_cast %add3A_26 : vector<16xi32> to vector<16x1xi32>
        %gather3A_611 = vector.shape_cast %broadcast_in_dim3A_610 : vector<16x1xi32> to vector<16xi32>
        %gather3A_612 = tpu.dynamic_gather %sub3A_598[%gather3A_611] in [0] : vector<16xf32>, vector<16xi32> -> vector<16xf32>
        %broadcast_in_dim3A_613 = vector.shape_cast %add3A_13 : vector<16xi32> to vector<16x1xi32>
        %gather3A_614 = vector.shape_cast %broadcast_in_dim3A_613 : vector<16x1xi32> to vector<16xi32>
        %gather3A_615 = tpu.dynamic_gather %sub3A_602[%gather3A_614] in [0] : vector<16xf32>, vector<16xi32> -> vector<16xf32>
        %mul3A_616 = arith.mulf %gather3A_612, %gather3A_615 : vector<16xf32>
        %sub3A_617 = arith.subf %mul3A_609, %mul3A_616 : vector<16xf32>
        %mul3A_618 = arith.mulf %sub3A_617, %sub3A_617 : vector<16xf32>
        %broadcast_in_dim3A_619 = vector.shape_cast %add3A_13 : vector<16xi32> to vector<16x1xi32>
        %gather3A_620 = vector.shape_cast %broadcast_in_dim3A_619 : vector<16x1xi32> to vector<16xi32>
        %gather3A_621 = tpu.dynamic_gather %mul3A_618[%gather3A_620] in [0] : vector<16xf32>, vector<16xi32> -> vector<16xf32>
        %add3A_622 = arith.addf %mul3A_618, %gather3A_621 : vector<16xf32>
        %broadcast_in_dim3A_623 = vector.shape_cast %add3A_26 : vector<16xi32> to vector<16x1xi32>
        %gather3A_624 = vector.shape_cast %broadcast_in_dim3A_623 : vector<16x1xi32> to vector<16xi32>
        %gather3A_625 = tpu.dynamic_gather %mul3A_618[%gather3A_624] in [0] : vector<16xf32>, vector<16xi32> -> vector<16xf32>
        %add3A_626 = arith.addf %add3A_622, %gather3A_625 : vector<16xf32>
        %max3A_627 = arith.constant 1.000000e-30 : f32
        %max3A_628 = vector.broadcast %max3A_627 : f32 to vector<16xf32>
        %max3A_629 = arith.maximumf %add3A_626, %max3A_628 : vector<16xf32>
        %bitcast_convert_type3A_630 = tpu.bitcast %max3A_629 : vector<16xf32> -> vector<16xi32>
        %shift_right_logical3A_631 = arith.constant 1 : i32
        %shift_right_logical3A_632 = vector.broadcast %shift_right_logical3A_631 : i32 to vector<16xi32>
        %shift_right_logical3A_633 = arith.shrui %bitcast_convert_type3A_630, %shift_right_logical3A_632 : vector<16xi32>
        %sub3A_634 = arith.constant 1597463007 : i32
        %sub3A_635 = vector.broadcast %sub3A_634 : i32 to vector<16xi32>
        %sub3A_636 = arith.subi %sub3A_635, %shift_right_logical3A_633 : vector<16xi32>
        %bitcast_convert_type3A_637 = tpu.bitcast %sub3A_636 : vector<16xi32> -> vector<16xf32>
        %mul3A_638 = arith.constant 5.000000e-01 : f32
        %mul3A_639 = vector.broadcast %mul3A_638 : f32 to vector<16xf32>
        %mul3A_640 = arith.mulf %mul3A_639, %max3A_629 : vector<16xf32>
        %mul3A_641 = arith.mulf %mul3A_640, %bitcast_convert_type3A_637 : vector<16xf32>
        %mul3A_642 = arith.mulf %mul3A_641, %bitcast_convert_type3A_637 : vector<16xf32>
        %sub3A_643 = arith.constant 1.500000e+00 : f32
        %sub3A_644 = vector.broadcast %sub3A_643 : f32 to vector<16xf32>
        %sub3A_645 = arith.subf %sub3A_644, %mul3A_642 : vector<16xf32>
        %mul3A_646 = arith.mulf %bitcast_convert_type3A_637, %sub3A_645 : vector<16xf32>
        %mul3A_647 = arith.constant 5.000000e-01 : f32
        %mul3A_648 = vector.broadcast %mul3A_647 : f32 to vector<16xf32>
        %mul3A_649 = arith.mulf %mul3A_648, %max3A_629 : vector<16xf32>
        %mul3A_650 = arith.mulf %mul3A_649, %mul3A_646 : vector<16xf32>
        %mul3A_651 = arith.mulf %mul3A_650, %mul3A_646 : vector<16xf32>
        %sub3A_652 = arith.constant 1.500000e+00 : f32
        %sub3A_653 = vector.broadcast %sub3A_652 : f32 to vector<16xf32>
        %sub3A_654 = arith.subf %sub3A_653, %mul3A_651 : vector<16xf32>
        %mul3A_655 = arith.mulf %mul3A_646, %sub3A_654 : vector<16xf32>
        %mul3A_656 = arith.mulf %sub3A_617, %mul3A_655 : vector<16xf32>
        %swap3A_657 = arith.index_cast %scan3A_591 : i32 to index
        %swap3A_658 = arith.constant 0 : index
        %swap3A_659 = tpu.vector_load %arg11[%swap3A_657, %swap3A_658] {strides = array<i32>} : memref<640x16xf32, #tpu.memory_space<vmem>>, vector<16xf32>,
        tpu.vector_store %arg11[%swap3A_657, %swap3A_658], %mul3A_656 {strides = array<i32>} : memref<640x16xf32, #tpu.memory_space<vmem>>, vector<16xf32>,
        %scan3A_660 = arith.constant 0 : i32
        scf.yield %scan3A_660 : i32
      }
      %scan3A_377 = arith.constant 640 : i32
      %mul3A_378 = arith.constant 6400 : i32
      %mul3A_379 = arith.muli %add3A, %mul3A_378 : i32
      %mul3A_380 = arith.constant 640 : i32
      %mul3A_381 = arith.muli %scan3A_41, %mul3A_380 : i32
      %add3A_382 = arith.addi %mul3A_379, %mul3A_381 : i32
      "tpu.region"() ({
        %run_scoped3A_384 = tpu.sem_alloc : memref<!tpu.dma_semaphore, #tpu.memory_space<semaphore_mem>>
        %dma_start3A_385 = arith.constant 0 : i32
        %dma_start3A_386 = tpu.memref_slice %arg4[%add3A_382, %dma_start3A_385] : memref<204800x16xf32, #tpu.memory_space<hbm>> -> memref<640x16xf32, #tpu.memory_space<hbm>>
        %dma_start3A_387 = arith.constant 0 : i32
        %dma_start3A_388 = tpu.memref_slice %arg4[%add3A_382, %dma_start3A_387] : memref<204800x16xf32, #tpu.memory_space<hbm>> -> memref<640x16xf32, #tpu.memory_space<hbm>>
        tpu.enqueue_dma source(%arg11 : memref<640x16xf32, #tpu.memory_space<vmem>>) target(%dma_start3A_388 : memref<640x16xf32, #tpu.memory_space<hbm>>) target_semaphore(%run_scoped3A_384 : memref<!tpu.dma_semaphore, #tpu.memory_space<semaphore_mem>>)
        %dma_wait3A_389 = arith.constant 0 : i32
        %dma_wait3A_390 = tpu.memref_slice %arg4[%add3A_382, %dma_wait3A_389] : memref<204800x16xf32, #tpu.memory_space<hbm>> -> memref<640x16xf32, #tpu.memory_space<hbm>>
        %dma_wait3A_391 = arith.constant 0 : i32
        %dma_wait3A_392 = tpu.memref_slice %arg4[%add3A_382, %dma_wait3A_391] : memref<204800x16xf32, #tpu.memory_space<hbm>> -> memref<640x16xf32, #tpu.memory_space<hbm>>
        tpu.wait_dma2 semaphore(%run_scoped3A_384 : memref<!tpu.dma_semaphore, #tpu.memory_space<semaphore_mem>>) src(%arg11 : memref<640x16xf32, #tpu.memory_space<vmem>>) dst(%dma_wait3A_392 : memref<640x16xf32, #tpu.memory_space<hbm>>)
        tpu.yield
      }) : () -> ()
      %scan3A_383 = arith.constant 0 : i32
      scf.yield %scan3A_383 : i32
    }
    %scan3A_40 = arith.constant 10 : i32
    return
  }
}

module attributes {stable_mosaic.version = 14 : i64} {
  func.func @_dense_body(%arg0: i32, %arg1: memref<4x16xf32, #tpu.memory_space<smem>>, %arg2: memref<12x2048xbf16, #tpu.memory_space<vmem>>, %arg3: memref<12x2048xf32, #tpu.memory_space<vmem>>, %arg4: memref<12x2048xf32, #tpu.memory_space<vmem>>, %arg5: memref<12x2048xf32, #tpu.memory_space<vmem>>) attributes {dimension_semantics = [#tpu.dimension_semantics<arbitrary>], iteration_bounds = array<i64: 50>, scalar_prefetch = 0 : i64, scratch_operands = 0 : i64, tpu.core_type = #tpu.core_type<tc>, window_params = [{transform_indices = @transform_0, window_bounds = array<i64: 4, 16>}, {transform_indices = @transform_1, window_bounds = array<i64: 12, 2048>}, {transform_indices = @transform_2, window_bounds = array<i64: 12, 2048>}, {transform_indices = @transform_3, window_bounds = array<i64: 12, 2048>}, {transform_indices = @transform_4, window_bounds = array<i64: 12, 2048>}]} {
    %get3A = arith.constant 0 : index
    %get3A_0 = arith.constant 0 : index
    %get3A_1 = vector.load %arg2[%get3A, %get3A_0] : memref<12x2048xbf16, #tpu.memory_space<vmem>>, vector<12x2048xbf16>
    %convert_element_type3A = arith.extf %get3A_1 : vector<12x2048xbf16> to vector<12x2048xf32>
    %slice3A = vector.extract_strided_slice %convert_element_type3A {offsets = [0, 0], sizes = [1, 2048], strides = [1, 1]} : vector<12x2048xf32> to vector<1x2048xf32>
    %slice3A_2 = vector.extract_strided_slice %convert_element_type3A {offsets = [1, 0], sizes = [1, 2048], strides = [1, 1]} : vector<12x2048xf32> to vector<1x2048xf32>
    %slice3A_3 = vector.extract_strided_slice %convert_element_type3A {offsets = [2, 0], sizes = [1, 2048], strides = [1, 1]} : vector<12x2048xf32> to vector<1x2048xf32>
    %get3A_4 = arith.constant 0 : index
    %get3A_5 = arith.constant 0 : index
    %get3A_6 = memref.load %arg1[%get3A_4, %get3A_5] : memref<4x16xf32, #tpu.memory_space<smem>>
    %mul3A = vector.broadcast %get3A_6 : f32 to vector<1x2048xf32>
    %mul3A_7 = arith.mulf %mul3A, %slice3A : vector<1x2048xf32>
    %get3A_8 = arith.constant 0 : index
    %get3A_9 = arith.constant 1 : index
    %get3A_10 = memref.load %arg1[%get3A_8, %get3A_9] : memref<4x16xf32, #tpu.memory_space<smem>>
    %mul3A_11 = vector.broadcast %get3A_10 : f32 to vector<1x2048xf32>
    %mul3A_12 = arith.mulf %mul3A_11, %slice3A_2 : vector<1x2048xf32>
    %add3A = arith.addf %mul3A_7, %mul3A_12 : vector<1x2048xf32>
    %get3A_13 = arith.constant 0 : index
    %get3A_14 = arith.constant 2 : index
    %get3A_15 = memref.load %arg1[%get3A_13, %get3A_14] : memref<4x16xf32, #tpu.memory_space<smem>>
    %mul3A_16 = vector.broadcast %get3A_15 : f32 to vector<1x2048xf32>
    %mul3A_17 = arith.mulf %mul3A_16, %slice3A_3 : vector<1x2048xf32>
    %add3A_18 = arith.addf %add3A, %mul3A_17 : vector<1x2048xf32>
    %get3A_19 = arith.constant 0 : index
    %get3A_20 = arith.constant 9 : index
    %get3A_21 = memref.load %arg1[%get3A_19, %get3A_20] : memref<4x16xf32, #tpu.memory_space<smem>>
    %add3A_22 = vector.broadcast %get3A_21 : f32 to vector<1x2048xf32>
    %add3A_23 = arith.addf %add3A_18, %add3A_22 : vector<1x2048xf32>
    %get3A_24 = arith.constant 0 : index
    %get3A_25 = arith.constant 3 : index
    %get3A_26 = memref.load %arg1[%get3A_24, %get3A_25] : memref<4x16xf32, #tpu.memory_space<smem>>
    %mul3A_27 = vector.broadcast %get3A_26 : f32 to vector<1x2048xf32>
    %mul3A_28 = arith.mulf %mul3A_27, %slice3A : vector<1x2048xf32>
    %get3A_29 = arith.constant 0 : index
    %get3A_30 = arith.constant 4 : index
    %get3A_31 = memref.load %arg1[%get3A_29, %get3A_30] : memref<4x16xf32, #tpu.memory_space<smem>>
    %mul3A_32 = vector.broadcast %get3A_31 : f32 to vector<1x2048xf32>
    %mul3A_33 = arith.mulf %mul3A_32, %slice3A_2 : vector<1x2048xf32>
    %add3A_34 = arith.addf %mul3A_28, %mul3A_33 : vector<1x2048xf32>
    %get3A_35 = arith.constant 0 : index
    %get3A_36 = arith.constant 5 : index
    %get3A_37 = memref.load %arg1[%get3A_35, %get3A_36] : memref<4x16xf32, #tpu.memory_space<smem>>
    %mul3A_38 = vector.broadcast %get3A_37 : f32 to vector<1x2048xf32>
    %mul3A_39 = arith.mulf %mul3A_38, %slice3A_3 : vector<1x2048xf32>
    %add3A_40 = arith.addf %add3A_34, %mul3A_39 : vector<1x2048xf32>
    %get3A_41 = arith.constant 0 : index
    %get3A_42 = arith.constant 10 : index
    %get3A_43 = memref.load %arg1[%get3A_41, %get3A_42] : memref<4x16xf32, #tpu.memory_space<smem>>
    %add3A_44 = vector.broadcast %get3A_43 : f32 to vector<1x2048xf32>
    %add3A_45 = arith.addf %add3A_40, %add3A_44 : vector<1x2048xf32>
    %get3A_46 = arith.constant 0 : index
    %get3A_47 = arith.constant 6 : index
    %get3A_48 = memref.load %arg1[%get3A_46, %get3A_47] : memref<4x16xf32, #tpu.memory_space<smem>>
    %mul3A_49 = vector.broadcast %get3A_48 : f32 to vector<1x2048xf32>
    %mul3A_50 = arith.mulf %mul3A_49, %slice3A : vector<1x2048xf32>
    %get3A_51 = arith.constant 0 : index
    %get3A_52 = arith.constant 7 : index
    %get3A_53 = memref.load %arg1[%get3A_51, %get3A_52] : memref<4x16xf32, #tpu.memory_space<smem>>
    %mul3A_54 = vector.broadcast %get3A_53 : f32 to vector<1x2048xf32>
    %mul3A_55 = arith.mulf %mul3A_54, %slice3A_2 : vector<1x2048xf32>
    %add3A_56 = arith.addf %mul3A_50, %mul3A_55 : vector<1x2048xf32>
    %get3A_57 = arith.constant 0 : index
    %get3A_58 = arith.constant 8 : index
    %get3A_59 = memref.load %arg1[%get3A_57, %get3A_58] : memref<4x16xf32, #tpu.memory_space<smem>>
    %mul3A_60 = vector.broadcast %get3A_59 : f32 to vector<1x2048xf32>
    %mul3A_61 = arith.mulf %mul3A_60, %slice3A_3 : vector<1x2048xf32>
    %add3A_62 = arith.addf %add3A_56, %mul3A_61 : vector<1x2048xf32>
    %get3A_63 = arith.constant 0 : index
    %get3A_64 = arith.constant 11 : index
    %get3A_65 = memref.load %arg1[%get3A_63, %get3A_64] : memref<4x16xf32, #tpu.memory_space<smem>>
    %add3A_66 = vector.broadcast %get3A_65 : f32 to vector<1x2048xf32>
    %add3A_67 = arith.addf %add3A_62, %add3A_66 : vector<1x2048xf32>
    %div3A = arith.divf %add3A_23, %add3A_67 : vector<1x2048xf32>
    %get3A_68 = arith.constant 0 : index
    %get3A_69 = arith.constant 12 : index
    %get3A_70 = memref.load %arg1[%get3A_68, %get3A_69] : memref<4x16xf32, #tpu.memory_space<smem>>
    %mul3A_71 = vector.broadcast %get3A_70 : f32 to vector<1x2048xf32>
    %mul3A_72 = arith.mulf %div3A, %mul3A_71 : vector<1x2048xf32>
    %get3A_73 = arith.constant 0 : index
    %get3A_74 = arith.constant 14 : index
    %get3A_75 = memref.load %arg1[%get3A_73, %get3A_74] : memref<4x16xf32, #tpu.memory_space<smem>>
    %add3A_76 = vector.broadcast %get3A_75 : f32 to vector<1x2048xf32>
    %add3A_77 = arith.addf %mul3A_72, %add3A_76 : vector<1x2048xf32>
    %div3A_78 = arith.divf %add3A_45, %add3A_67 : vector<1x2048xf32>
    %get3A_79 = arith.constant 0 : index
    %get3A_80 = arith.constant 13 : index
    %get3A_81 = memref.load %arg1[%get3A_79, %get3A_80] : memref<4x16xf32, #tpu.memory_space<smem>>
    %mul3A_82 = vector.broadcast %get3A_81 : f32 to vector<1x2048xf32>
    %mul3A_83 = arith.mulf %div3A_78, %mul3A_82 : vector<1x2048xf32>
    %get3A_84 = arith.constant 0 : index
    %get3A_85 = arith.constant 15 : index
    %get3A_86 = memref.load %arg1[%get3A_84, %get3A_85] : memref<4x16xf32, #tpu.memory_space<smem>>
    %add3A_87 = vector.broadcast %get3A_86 : f32 to vector<1x2048xf32>
    %add3A_88 = arith.addf %mul3A_83, %add3A_87 : vector<1x2048xf32>
    %mul3A_89 = arith.mulf %add3A_23, %add3A_23 : vector<1x2048xf32>
    %mul3A_90 = arith.mulf %add3A_45, %add3A_45 : vector<1x2048xf32>
    %add3A_91 = arith.addf %mul3A_89, %mul3A_90 : vector<1x2048xf32>
    %mul3A_92 = arith.mulf %add3A_67, %add3A_67 : vector<1x2048xf32>
    %add3A_93 = arith.addf %add3A_91, %mul3A_92 : vector<1x2048xf32>
    %rsqrt3A = math.rsqrt %add3A_93 : vector<1x2048xf32>
    %swap3A = arith.constant 0 : index
    %swap3A_94 = arith.constant 0 : index
    %swap3A_95 = vector.load %arg4[%swap3A, %swap3A_94] : memref<12x2048xf32, #tpu.memory_space<vmem>>, vector<1x2048xf32>
    tpu.vector_store %arg4[%swap3A, %swap3A_94], %add3A_23 {strides = array<i32>} : memref<12x2048xf32, #tpu.memory_space<vmem>>, vector<1x2048xf32>,
    %swap3A_96 = arith.constant 1 : index
    %swap3A_97 = arith.constant 0 : index
    %swap3A_98 = vector.load %arg4[%swap3A_96, %swap3A_97] : memref<12x2048xf32, #tpu.memory_space<vmem>>, vector<1x2048xf32>
    tpu.vector_store %arg4[%swap3A_96, %swap3A_97], %add3A_45 {strides = array<i32>} : memref<12x2048xf32, #tpu.memory_space<vmem>>, vector<1x2048xf32>,
    %swap3A_99 = arith.constant 2 : index
    %swap3A_100 = arith.constant 0 : index
    %swap3A_101 = vector.load %arg4[%swap3A_99, %swap3A_100] : memref<12x2048xf32, #tpu.memory_space<vmem>>, vector<1x2048xf32>
    tpu.vector_store %arg4[%swap3A_99, %swap3A_100], %add3A_67 {strides = array<i32>} : memref<12x2048xf32, #tpu.memory_space<vmem>>, vector<1x2048xf32>,
    %swap3A_102 = arith.constant 0 : index
    %swap3A_103 = arith.constant 0 : index
    %swap3A_104 = vector.load %arg3[%swap3A_102, %swap3A_103] : memref<12x2048xf32, #tpu.memory_space<vmem>>, vector<1x2048xf32>
    tpu.vector_store %arg3[%swap3A_102, %swap3A_103], %add3A_77 {strides = array<i32>} : memref<12x2048xf32, #tpu.memory_space<vmem>>, vector<1x2048xf32>,
    %swap3A_105 = arith.constant 1 : index
    %swap3A_106 = arith.constant 0 : index
    %swap3A_107 = vector.load %arg3[%swap3A_105, %swap3A_106] : memref<12x2048xf32, #tpu.memory_space<vmem>>, vector<1x2048xf32>
    tpu.vector_store %arg3[%swap3A_105, %swap3A_106], %add3A_88 {strides = array<i32>} : memref<12x2048xf32, #tpu.memory_space<vmem>>, vector<1x2048xf32>,
    %swap3A_108 = arith.constant 2 : index
    %swap3A_109 = arith.constant 0 : index
    %swap3A_110 = vector.load %arg3[%swap3A_108, %swap3A_109] : memref<12x2048xf32, #tpu.memory_space<vmem>>, vector<1x2048xf32>
    tpu.vector_store %arg3[%swap3A_108, %swap3A_109], %add3A_67 {strides = array<i32>} : memref<12x2048xf32, #tpu.memory_space<vmem>>, vector<1x2048xf32>,
    %mul3A_111 = arith.mulf %add3A_23, %rsqrt3A : vector<1x2048xf32>
    %swap3A_112 = arith.constant 0 : index
    %swap3A_113 = arith.constant 0 : index
    %swap3A_114 = vector.load %arg5[%swap3A_112, %swap3A_113] : memref<12x2048xf32, #tpu.memory_space<vmem>>, vector<1x2048xf32>
    tpu.vector_store %arg5[%swap3A_112, %swap3A_113], %mul3A_111 {strides = array<i32>} : memref<12x2048xf32, #tpu.memory_space<vmem>>, vector<1x2048xf32>,
    %mul3A_115 = arith.mulf %add3A_45, %rsqrt3A : vector<1x2048xf32>
    %swap3A_116 = arith.constant 1 : index
    %swap3A_117 = arith.constant 0 : index
    %swap3A_118 = vector.load %arg5[%swap3A_116, %swap3A_117] : memref<12x2048xf32, #tpu.memory_space<vmem>>, vector<1x2048xf32>
    tpu.vector_store %arg5[%swap3A_116, %swap3A_117], %mul3A_115 {strides = array<i32>} : memref<12x2048xf32, #tpu.memory_space<vmem>>, vector<1x2048xf32>,
    %mul3A_119 = arith.mulf %add3A_67, %rsqrt3A : vector<1x2048xf32>
    %swap3A_120 = arith.constant 2 : index
    %swap3A_121 = arith.constant 0 : index
    %swap3A_122 = vector.load %arg5[%swap3A_120, %swap3A_121] : memref<12x2048xf32, #tpu.memory_space<vmem>>, vector<1x2048xf32>
    tpu.vector_store %arg5[%swap3A_120, %swap3A_121], %mul3A_119 {strides = array<i32>} : memref<12x2048xf32, #tpu.memory_space<vmem>>, vector<1x2048xf32>,
    %slice3A_123 = vector.extract_strided_slice %convert_element_type3A {offsets = [3, 0], sizes = [1, 2048], strides = [1, 1]} : vector<12x2048xf32> to vector<1x2048xf32>
    %slice3A_124 = vector.extract_strided_slice %convert_element_type3A {offsets = [4, 0], sizes = [1, 2048], strides = [1, 1]} : vector<12x2048xf32> to vector<1x2048xf32>
    %slice3A_125 = vector.extract_strided_slice %convert_element_type3A {offsets = [5, 0], sizes = [1, 2048], strides = [1, 1]} : vector<12x2048xf32> to vector<1x2048xf32>
    %get3A_126 = arith.constant 1 : index
    %get3A_127 = arith.constant 0 : index
    %get3A_128 = memref.load %arg1[%get3A_126, %get3A_127] : memref<4x16xf32, #tpu.memory_space<smem>>
    %mul3A_129 = vector.broadcast %get3A_128 : f32 to vector<1x2048xf32>
    %mul3A_130 = arith.mulf %mul3A_129, %slice3A_123 : vector<1x2048xf32>
    %get3A_131 = arith.constant 1 : index
    %get3A_132 = arith.constant 1 : index
    %get3A_133 = memref.load %arg1[%get3A_131, %get3A_132] : memref<4x16xf32, #tpu.memory_space<smem>>
    %mul3A_134 = vector.broadcast %get3A_133 : f32 to vector<1x2048xf32>
    %mul3A_135 = arith.mulf %mul3A_134, %slice3A_124 : vector<1x2048xf32>
    %add3A_136 = arith.addf %mul3A_130, %mul3A_135 : vector<1x2048xf32>
    %get3A_137 = arith.constant 1 : index
    %get3A_138 = arith.constant 2 : index
    %get3A_139 = memref.load %arg1[%get3A_137, %get3A_138] : memref<4x16xf32, #tpu.memory_space<smem>>
    %mul3A_140 = vector.broadcast %get3A_139 : f32 to vector<1x2048xf32>
    %mul3A_141 = arith.mulf %mul3A_140, %slice3A_125 : vector<1x2048xf32>
    %add3A_142 = arith.addf %add3A_136, %mul3A_141 : vector<1x2048xf32>
    %get3A_143 = arith.constant 1 : index
    %get3A_144 = arith.constant 9 : index
    %get3A_145 = memref.load %arg1[%get3A_143, %get3A_144] : memref<4x16xf32, #tpu.memory_space<smem>>
    %add3A_146 = vector.broadcast %get3A_145 : f32 to vector<1x2048xf32>
    %add3A_147 = arith.addf %add3A_142, %add3A_146 : vector<1x2048xf32>
    %get3A_148 = arith.constant 1 : index
    %get3A_149 = arith.constant 3 : index
    %get3A_150 = memref.load %arg1[%get3A_148, %get3A_149] : memref<4x16xf32, #tpu.memory_space<smem>>
    %mul3A_151 = vector.broadcast %get3A_150 : f32 to vector<1x2048xf32>
    %mul3A_152 = arith.mulf %mul3A_151, %slice3A_123 : vector<1x2048xf32>
    %get3A_153 = arith.constant 1 : index
    %get3A_154 = arith.constant 4 : index
    %get3A_155 = memref.load %arg1[%get3A_153, %get3A_154] : memref<4x16xf32, #tpu.memory_space<smem>>
    %mul3A_156 = vector.broadcast %get3A_155 : f32 to vector<1x2048xf32>
    %mul3A_157 = arith.mulf %mul3A_156, %slice3A_124 : vector<1x2048xf32>
    %add3A_158 = arith.addf %mul3A_152, %mul3A_157 : vector<1x2048xf32>
    %get3A_159 = arith.constant 1 : index
    %get3A_160 = arith.constant 5 : index
    %get3A_161 = memref.load %arg1[%get3A_159, %get3A_160] : memref<4x16xf32, #tpu.memory_space<smem>>
    %mul3A_162 = vector.broadcast %get3A_161 : f32 to vector<1x2048xf32>
    %mul3A_163 = arith.mulf %mul3A_162, %slice3A_125 : vector<1x2048xf32>
    %add3A_164 = arith.addf %add3A_158, %mul3A_163 : vector<1x2048xf32>
    %get3A_165 = arith.constant 1 : index
    %get3A_166 = arith.constant 10 : index
    %get3A_167 = memref.load %arg1[%get3A_165, %get3A_166] : memref<4x16xf32, #tpu.memory_space<smem>>
    %add3A_168 = vector.broadcast %get3A_167 : f32 to vector<1x2048xf32>
    %add3A_169 = arith.addf %add3A_164, %add3A_168 : vector<1x2048xf32>
    %get3A_170 = arith.constant 1 : index
    %get3A_171 = arith.constant 6 : index
    %get3A_172 = memref.load %arg1[%get3A_170, %get3A_171] : memref<4x16xf32, #tpu.memory_space<smem>>
    %mul3A_173 = vector.broadcast %get3A_172 : f32 to vector<1x2048xf32>
    %mul3A_174 = arith.mulf %mul3A_173, %slice3A_123 : vector<1x2048xf32>
    %get3A_175 = arith.constant 1 : index
    %get3A_176 = arith.constant 7 : index
    %get3A_177 = memref.load %arg1[%get3A_175, %get3A_176] : memref<4x16xf32, #tpu.memory_space<smem>>
    %mul3A_178 = vector.broadcast %get3A_177 : f32 to vector<1x2048xf32>
    %mul3A_179 = arith.mulf %mul3A_178, %slice3A_124 : vector<1x2048xf32>
    %add3A_180 = arith.addf %mul3A_174, %mul3A_179 : vector<1x2048xf32>
    %get3A_181 = arith.constant 1 : index
    %get3A_182 = arith.constant 8 : index
    %get3A_183 = memref.load %arg1[%get3A_181, %get3A_182] : memref<4x16xf32, #tpu.memory_space<smem>>
    %mul3A_184 = vector.broadcast %get3A_183 : f32 to vector<1x2048xf32>
    %mul3A_185 = arith.mulf %mul3A_184, %slice3A_125 : vector<1x2048xf32>
    %add3A_186 = arith.addf %add3A_180, %mul3A_185 : vector<1x2048xf32>
    %get3A_187 = arith.constant 1 : index
    %get3A_188 = arith.constant 11 : index
    %get3A_189 = memref.load %arg1[%get3A_187, %get3A_188] : memref<4x16xf32, #tpu.memory_space<smem>>
    %add3A_190 = vector.broadcast %get3A_189 : f32 to vector<1x2048xf32>
    %add3A_191 = arith.addf %add3A_186, %add3A_190 : vector<1x2048xf32>
    %div3A_192 = arith.divf %add3A_147, %add3A_191 : vector<1x2048xf32>
    %get3A_193 = arith.constant 1 : index
    %get3A_194 = arith.constant 12 : index
    %get3A_195 = memref.load %arg1[%get3A_193, %get3A_194] : memref<4x16xf32, #tpu.memory_space<smem>>
    %mul3A_196 = vector.broadcast %get3A_195 : f32 to vector<1x2048xf32>
    %mul3A_197 = arith.mulf %div3A_192, %mul3A_196 : vector<1x2048xf32>
    %get3A_198 = arith.constant 1 : index
    %get3A_199 = arith.constant 14 : index
    %get3A_200 = memref.load %arg1[%get3A_198, %get3A_199] : memref<4x16xf32, #tpu.memory_space<smem>>
    %add3A_201 = vector.broadcast %get3A_200 : f32 to vector<1x2048xf32>
    %add3A_202 = arith.addf %mul3A_197, %add3A_201 : vector<1x2048xf32>
    %div3A_203 = arith.divf %add3A_169, %add3A_191 : vector<1x2048xf32>
    %get3A_204 = arith.constant 1 : index
    %get3A_205 = arith.constant 13 : index
    %get3A_206 = memref.load %arg1[%get3A_204, %get3A_205] : memref<4x16xf32, #tpu.memory_space<smem>>
    %mul3A_207 = vector.broadcast %get3A_206 : f32 to vector<1x2048xf32>
    %mul3A_208 = arith.mulf %div3A_203, %mul3A_207 : vector<1x2048xf32>
    %get3A_209 = arith.constant 1 : index
    %get3A_210 = arith.constant 15 : index
    %get3A_211 = memref.load %arg1[%get3A_209, %get3A_210] : memref<4x16xf32, #tpu.memory_space<smem>>
    %add3A_212 = vector.broadcast %get3A_211 : f32 to vector<1x2048xf32>
    %add3A_213 = arith.addf %mul3A_208, %add3A_212 : vector<1x2048xf32>
    %mul3A_214 = arith.mulf %add3A_147, %add3A_147 : vector<1x2048xf32>
    %mul3A_215 = arith.mulf %add3A_169, %add3A_169 : vector<1x2048xf32>
    %add3A_216 = arith.addf %mul3A_214, %mul3A_215 : vector<1x2048xf32>
    %mul3A_217 = arith.mulf %add3A_191, %add3A_191 : vector<1x2048xf32>
    %add3A_218 = arith.addf %add3A_216, %mul3A_217 : vector<1x2048xf32>
    %rsqrt3A_219 = math.rsqrt %add3A_218 : vector<1x2048xf32>
    %swap3A_220 = arith.constant 3 : index
    %swap3A_221 = arith.constant 0 : index
    %swap3A_222 = vector.load %arg4[%swap3A_220, %swap3A_221] : memref<12x2048xf32, #tpu.memory_space<vmem>>, vector<1x2048xf32>
    tpu.vector_store %arg4[%swap3A_220, %swap3A_221], %add3A_147 {strides = array<i32>} : memref<12x2048xf32, #tpu.memory_space<vmem>>, vector<1x2048xf32>,
    %swap3A_223 = arith.constant 4 : index
    %swap3A_224 = arith.constant 0 : index
    %swap3A_225 = vector.load %arg4[%swap3A_223, %swap3A_224] : memref<12x2048xf32, #tpu.memory_space<vmem>>, vector<1x2048xf32>
    tpu.vector_store %arg4[%swap3A_223, %swap3A_224], %add3A_169 {strides = array<i32>} : memref<12x2048xf32, #tpu.memory_space<vmem>>, vector<1x2048xf32>,
    %swap3A_226 = arith.constant 5 : index
    %swap3A_227 = arith.constant 0 : index
    %swap3A_228 = vector.load %arg4[%swap3A_226, %swap3A_227] : memref<12x2048xf32, #tpu.memory_space<vmem>>, vector<1x2048xf32>
    tpu.vector_store %arg4[%swap3A_226, %swap3A_227], %add3A_191 {strides = array<i32>} : memref<12x2048xf32, #tpu.memory_space<vmem>>, vector<1x2048xf32>,
    %swap3A_229 = arith.constant 3 : index
    %swap3A_230 = arith.constant 0 : index
    %swap3A_231 = vector.load %arg3[%swap3A_229, %swap3A_230] : memref<12x2048xf32, #tpu.memory_space<vmem>>, vector<1x2048xf32>
    tpu.vector_store %arg3[%swap3A_229, %swap3A_230], %add3A_202 {strides = array<i32>} : memref<12x2048xf32, #tpu.memory_space<vmem>>, vector<1x2048xf32>,
    %swap3A_232 = arith.constant 4 : index
    %swap3A_233 = arith.constant 0 : index
    %swap3A_234 = vector.load %arg3[%swap3A_232, %swap3A_233] : memref<12x2048xf32, #tpu.memory_space<vmem>>, vector<1x2048xf32>
    tpu.vector_store %arg3[%swap3A_232, %swap3A_233], %add3A_213 {strides = array<i32>} : memref<12x2048xf32, #tpu.memory_space<vmem>>, vector<1x2048xf32>,
    %swap3A_235 = arith.constant 5 : index
    %swap3A_236 = arith.constant 0 : index
    %swap3A_237 = vector.load %arg3[%swap3A_235, %swap3A_236] : memref<12x2048xf32, #tpu.memory_space<vmem>>, vector<1x2048xf32>
    tpu.vector_store %arg3[%swap3A_235, %swap3A_236], %add3A_191 {strides = array<i32>} : memref<12x2048xf32, #tpu.memory_space<vmem>>, vector<1x2048xf32>,
    %mul3A_238 = arith.mulf %add3A_147, %rsqrt3A_219 : vector<1x2048xf32>
    %swap3A_239 = arith.constant 3 : index
    %swap3A_240 = arith.constant 0 : index
    %swap3A_241 = vector.load %arg5[%swap3A_239, %swap3A_240] : memref<12x2048xf32, #tpu.memory_space<vmem>>, vector<1x2048xf32>
    tpu.vector_store %arg5[%swap3A_239, %swap3A_240], %mul3A_238 {strides = array<i32>} : memref<12x2048xf32, #tpu.memory_space<vmem>>, vector<1x2048xf32>,
    %mul3A_242 = arith.mulf %add3A_169, %rsqrt3A_219 : vector<1x2048xf32>
    %swap3A_243 = arith.constant 4 : index
    %swap3A_244 = arith.constant 0 : index
    %swap3A_245 = vector.load %arg5[%swap3A_243, %swap3A_244] : memref<12x2048xf32, #tpu.memory_space<vmem>>, vector<1x2048xf32>
    tpu.vector_store %arg5[%swap3A_243, %swap3A_244], %mul3A_242 {strides = array<i32>} : memref<12x2048xf32, #tpu.memory_space<vmem>>, vector<1x2048xf32>,
    %mul3A_246 = arith.mulf %add3A_191, %rsqrt3A_219 : vector<1x2048xf32>
    %swap3A_247 = arith.constant 5 : index
    %swap3A_248 = arith.constant 0 : index
    %swap3A_249 = vector.load %arg5[%swap3A_247, %swap3A_248] : memref<12x2048xf32, #tpu.memory_space<vmem>>, vector<1x2048xf32>
    tpu.vector_store %arg5[%swap3A_247, %swap3A_248], %mul3A_246 {strides = array<i32>} : memref<12x2048xf32, #tpu.memory_space<vmem>>, vector<1x2048xf32>,
    %slice3A_250 = vector.extract_strided_slice %convert_element_type3A {offsets = [6, 0], sizes = [1, 2048], strides = [1, 1]} : vector<12x2048xf32> to vector<1x2048xf32>
    %slice3A_251 = vector.extract_strided_slice %convert_element_type3A {offsets = [7, 0], sizes = [1, 2048], strides = [1, 1]} : vector<12x2048xf32> to vector<1x2048xf32>
    %slice3A_252 = vector.extract_strided_slice %convert_element_type3A {offsets = [8, 0], sizes = [1, 2048], strides = [1, 1]} : vector<12x2048xf32> to vector<1x2048xf32>
    %get3A_253 = arith.constant 2 : index
    %get3A_254 = arith.constant 0 : index
    %get3A_255 = memref.load %arg1[%get3A_253, %get3A_254] : memref<4x16xf32, #tpu.memory_space<smem>>
    %mul3A_256 = vector.broadcast %get3A_255 : f32 to vector<1x2048xf32>
    %mul3A_257 = arith.mulf %mul3A_256, %slice3A_250 : vector<1x2048xf32>
    %get3A_258 = arith.constant 2 : index
    %get3A_259 = arith.constant 1 : index
    %get3A_260 = memref.load %arg1[%get3A_258, %get3A_259] : memref<4x16xf32, #tpu.memory_space<smem>>
    %mul3A_261 = vector.broadcast %get3A_260 : f32 to vector<1x2048xf32>
    %mul3A_262 = arith.mulf %mul3A_261, %slice3A_251 : vector<1x2048xf32>
    %add3A_263 = arith.addf %mul3A_257, %mul3A_262 : vector<1x2048xf32>
    %get3A_264 = arith.constant 2 : index
    %get3A_265 = arith.constant 2 : index
    %get3A_266 = memref.load %arg1[%get3A_264, %get3A_265] : memref<4x16xf32, #tpu.memory_space<smem>>
    %mul3A_267 = vector.broadcast %get3A_266 : f32 to vector<1x2048xf32>
    %mul3A_268 = arith.mulf %mul3A_267, %slice3A_252 : vector<1x2048xf32>
    %add3A_269 = arith.addf %add3A_263, %mul3A_268 : vector<1x2048xf32>
    %get3A_270 = arith.constant 2 : index
    %get3A_271 = arith.constant 9 : index
    %get3A_272 = memref.load %arg1[%get3A_270, %get3A_271] : memref<4x16xf32, #tpu.memory_space<smem>>
    %add3A_273 = vector.broadcast %get3A_272 : f32 to vector<1x2048xf32>
    %add3A_274 = arith.addf %add3A_269, %add3A_273 : vector<1x2048xf32>
    %get3A_275 = arith.constant 2 : index
    %get3A_276 = arith.constant 3 : index
    %get3A_277 = memref.load %arg1[%get3A_275, %get3A_276] : memref<4x16xf32, #tpu.memory_space<smem>>
    %mul3A_278 = vector.broadcast %get3A_277 : f32 to vector<1x2048xf32>
    %mul3A_279 = arith.mulf %mul3A_278, %slice3A_250 : vector<1x2048xf32>
    %get3A_280 = arith.constant 2 : index
    %get3A_281 = arith.constant 4 : index
    %get3A_282 = memref.load %arg1[%get3A_280, %get3A_281] : memref<4x16xf32, #tpu.memory_space<smem>>
    %mul3A_283 = vector.broadcast %get3A_282 : f32 to vector<1x2048xf32>
    %mul3A_284 = arith.mulf %mul3A_283, %slice3A_251 : vector<1x2048xf32>
    %add3A_285 = arith.addf %mul3A_279, %mul3A_284 : vector<1x2048xf32>
    %get3A_286 = arith.constant 2 : index
    %get3A_287 = arith.constant 5 : index
    %get3A_288 = memref.load %arg1[%get3A_286, %get3A_287] : memref<4x16xf32, #tpu.memory_space<smem>>
    %mul3A_289 = vector.broadcast %get3A_288 : f32 to vector<1x2048xf32>
    %mul3A_290 = arith.mulf %mul3A_289, %slice3A_252 : vector<1x2048xf32>
    %add3A_291 = arith.addf %add3A_285, %mul3A_290 : vector<1x2048xf32>
    %get3A_292 = arith.constant 2 : index
    %get3A_293 = arith.constant 10 : index
    %get3A_294 = memref.load %arg1[%get3A_292, %get3A_293] : memref<4x16xf32, #tpu.memory_space<smem>>
    %add3A_295 = vector.broadcast %get3A_294 : f32 to vector<1x2048xf32>
    %add3A_296 = arith.addf %add3A_291, %add3A_295 : vector<1x2048xf32>
    %get3A_297 = arith.constant 2 : index
    %get3A_298 = arith.constant 6 : index
    %get3A_299 = memref.load %arg1[%get3A_297, %get3A_298] : memref<4x16xf32, #tpu.memory_space<smem>>
    %mul3A_300 = vector.broadcast %get3A_299 : f32 to vector<1x2048xf32>
    %mul3A_301 = arith.mulf %mul3A_300, %slice3A_250 : vector<1x2048xf32>
    %get3A_302 = arith.constant 2 : index
    %get3A_303 = arith.constant 7 : index
    %get3A_304 = memref.load %arg1[%get3A_302, %get3A_303] : memref<4x16xf32, #tpu.memory_space<smem>>
    %mul3A_305 = vector.broadcast %get3A_304 : f32 to vector<1x2048xf32>
    %mul3A_306 = arith.mulf %mul3A_305, %slice3A_251 : vector<1x2048xf32>
    %add3A_307 = arith.addf %mul3A_301, %mul3A_306 : vector<1x2048xf32>
    %get3A_308 = arith.constant 2 : index
    %get3A_309 = arith.constant 8 : index
    %get3A_310 = memref.load %arg1[%get3A_308, %get3A_309] : memref<4x16xf32, #tpu.memory_space<smem>>
    %mul3A_311 = vector.broadcast %get3A_310 : f32 to vector<1x2048xf32>
    %mul3A_312 = arith.mulf %mul3A_311, %slice3A_252 : vector<1x2048xf32>
    %add3A_313 = arith.addf %add3A_307, %mul3A_312 : vector<1x2048xf32>
    %get3A_314 = arith.constant 2 : index
    %get3A_315 = arith.constant 11 : index
    %get3A_316 = memref.load %arg1[%get3A_314, %get3A_315] : memref<4x16xf32, #tpu.memory_space<smem>>
    %add3A_317 = vector.broadcast %get3A_316 : f32 to vector<1x2048xf32>
    %add3A_318 = arith.addf %add3A_313, %add3A_317 : vector<1x2048xf32>
    %div3A_319 = arith.divf %add3A_274, %add3A_318 : vector<1x2048xf32>
    %get3A_320 = arith.constant 2 : index
    %get3A_321 = arith.constant 12 : index
    %get3A_322 = memref.load %arg1[%get3A_320, %get3A_321] : memref<4x16xf32, #tpu.memory_space<smem>>
    %mul3A_323 = vector.broadcast %get3A_322 : f32 to vector<1x2048xf32>
    %mul3A_324 = arith.mulf %div3A_319, %mul3A_323 : vector<1x2048xf32>
    %get3A_325 = arith.constant 2 : index
    %get3A_326 = arith.constant 14 : index
    %get3A_327 = memref.load %arg1[%get3A_325, %get3A_326] : memref<4x16xf32, #tpu.memory_space<smem>>
    %add3A_328 = vector.broadcast %get3A_327 : f32 to vector<1x2048xf32>
    %add3A_329 = arith.addf %mul3A_324, %add3A_328 : vector<1x2048xf32>
    %div3A_330 = arith.divf %add3A_296, %add3A_318 : vector<1x2048xf32>
    %get3A_331 = arith.constant 2 : index
    %get3A_332 = arith.constant 13 : index
    %get3A_333 = memref.load %arg1[%get3A_331, %get3A_332] : memref<4x16xf32, #tpu.memory_space<smem>>
    %mul3A_334 = vector.broadcast %get3A_333 : f32 to vector<1x2048xf32>
    %mul3A_335 = arith.mulf %div3A_330, %mul3A_334 : vector<1x2048xf32>
    %get3A_336 = arith.constant 2 : index
    %get3A_337 = arith.constant 15 : index
    %get3A_338 = memref.load %arg1[%get3A_336, %get3A_337] : memref<4x16xf32, #tpu.memory_space<smem>>
    %add3A_339 = vector.broadcast %get3A_338 : f32 to vector<1x2048xf32>
    %add3A_340 = arith.addf %mul3A_335, %add3A_339 : vector<1x2048xf32>
    %mul3A_341 = arith.mulf %add3A_274, %add3A_274 : vector<1x2048xf32>
    %mul3A_342 = arith.mulf %add3A_296, %add3A_296 : vector<1x2048xf32>
    %add3A_343 = arith.addf %mul3A_341, %mul3A_342 : vector<1x2048xf32>
    %mul3A_344 = arith.mulf %add3A_318, %add3A_318 : vector<1x2048xf32>
    %add3A_345 = arith.addf %add3A_343, %mul3A_344 : vector<1x2048xf32>
    %rsqrt3A_346 = math.rsqrt %add3A_345 : vector<1x2048xf32>
    %swap3A_347 = arith.constant 6 : index
    %swap3A_348 = arith.constant 0 : index
    %swap3A_349 = vector.load %arg4[%swap3A_347, %swap3A_348] : memref<12x2048xf32, #tpu.memory_space<vmem>>, vector<1x2048xf32>
    tpu.vector_store %arg4[%swap3A_347, %swap3A_348], %add3A_274 {strides = array<i32>} : memref<12x2048xf32, #tpu.memory_space<vmem>>, vector<1x2048xf32>,
    %swap3A_350 = arith.constant 7 : index
    %swap3A_351 = arith.constant 0 : index
    %swap3A_352 = vector.load %arg4[%swap3A_350, %swap3A_351] : memref<12x2048xf32, #tpu.memory_space<vmem>>, vector<1x2048xf32>
    tpu.vector_store %arg4[%swap3A_350, %swap3A_351], %add3A_296 {strides = array<i32>} : memref<12x2048xf32, #tpu.memory_space<vmem>>, vector<1x2048xf32>,
    %swap3A_353 = arith.constant 8 : index
    %swap3A_354 = arith.constant 0 : index
    %swap3A_355 = vector.load %arg4[%swap3A_353, %swap3A_354] : memref<12x2048xf32, #tpu.memory_space<vmem>>, vector<1x2048xf32>
    tpu.vector_store %arg4[%swap3A_353, %swap3A_354], %add3A_318 {strides = array<i32>} : memref<12x2048xf32, #tpu.memory_space<vmem>>, vector<1x2048xf32>,
    %swap3A_356 = arith.constant 6 : index
    %swap3A_357 = arith.constant 0 : index
    %swap3A_358 = vector.load %arg3[%swap3A_356, %swap3A_357] : memref<12x2048xf32, #tpu.memory_space<vmem>>, vector<1x2048xf32>
    tpu.vector_store %arg3[%swap3A_356, %swap3A_357], %add3A_329 {strides = array<i32>} : memref<12x2048xf32, #tpu.memory_space<vmem>>, vector<1x2048xf32>,
    %swap3A_359 = arith.constant 7 : index
    %swap3A_360 = arith.constant 0 : index
    %swap3A_361 = vector.load %arg3[%swap3A_359, %swap3A_360] : memref<12x2048xf32, #tpu.memory_space<vmem>>, vector<1x2048xf32>
    tpu.vector_store %arg3[%swap3A_359, %swap3A_360], %add3A_340 {strides = array<i32>} : memref<12x2048xf32, #tpu.memory_space<vmem>>, vector<1x2048xf32>,
    %swap3A_362 = arith.constant 8 : index
    %swap3A_363 = arith.constant 0 : index
    %swap3A_364 = vector.load %arg3[%swap3A_362, %swap3A_363] : memref<12x2048xf32, #tpu.memory_space<vmem>>, vector<1x2048xf32>
    tpu.vector_store %arg3[%swap3A_362, %swap3A_363], %add3A_318 {strides = array<i32>} : memref<12x2048xf32, #tpu.memory_space<vmem>>, vector<1x2048xf32>,
    %mul3A_365 = arith.mulf %add3A_274, %rsqrt3A_346 : vector<1x2048xf32>
    %swap3A_366 = arith.constant 6 : index
    %swap3A_367 = arith.constant 0 : index
    %swap3A_368 = vector.load %arg5[%swap3A_366, %swap3A_367] : memref<12x2048xf32, #tpu.memory_space<vmem>>, vector<1x2048xf32>
    tpu.vector_store %arg5[%swap3A_366, %swap3A_367], %mul3A_365 {strides = array<i32>} : memref<12x2048xf32, #tpu.memory_space<vmem>>, vector<1x2048xf32>,
    %mul3A_369 = arith.mulf %add3A_296, %rsqrt3A_346 : vector<1x2048xf32>
    %swap3A_370 = arith.constant 7 : index
    %swap3A_371 = arith.constant 0 : index
    %swap3A_372 = vector.load %arg5[%swap3A_370, %swap3A_371] : memref<12x2048xf32, #tpu.memory_space<vmem>>, vector<1x2048xf32>
    tpu.vector_store %arg5[%swap3A_370, %swap3A_371], %mul3A_369 {strides = array<i32>} : memref<12x2048xf32, #tpu.memory_space<vmem>>, vector<1x2048xf32>,
    %mul3A_373 = arith.mulf %add3A_318, %rsqrt3A_346 : vector<1x2048xf32>
    %swap3A_374 = arith.constant 8 : index
    %swap3A_375 = arith.constant 0 : index
    %swap3A_376 = vector.load %arg5[%swap3A_374, %swap3A_375] : memref<12x2048xf32, #tpu.memory_space<vmem>>, vector<1x2048xf32>
    tpu.vector_store %arg5[%swap3A_374, %swap3A_375], %mul3A_373 {strides = array<i32>} : memref<12x2048xf32, #tpu.memory_space<vmem>>, vector<1x2048xf32>,
    %slice3A_377 = vector.extract_strided_slice %convert_element_type3A {offsets = [9, 0], sizes = [1, 2048], strides = [1, 1]} : vector<12x2048xf32> to vector<1x2048xf32>
    %slice3A_378 = vector.extract_strided_slice %convert_element_type3A {offsets = [10, 0], sizes = [1, 2048], strides = [1, 1]} : vector<12x2048xf32> to vector<1x2048xf32>
    %slice3A_379 = vector.extract_strided_slice %convert_element_type3A {offsets = [11, 0], sizes = [1, 2048], strides = [1, 1]} : vector<12x2048xf32> to vector<1x2048xf32>
    %get3A_380 = arith.constant 3 : index
    %get3A_381 = arith.constant 0 : index
    %get3A_382 = memref.load %arg1[%get3A_380, %get3A_381] : memref<4x16xf32, #tpu.memory_space<smem>>
    %mul3A_383 = vector.broadcast %get3A_382 : f32 to vector<1x2048xf32>
    %mul3A_384 = arith.mulf %mul3A_383, %slice3A_377 : vector<1x2048xf32>
    %get3A_385 = arith.constant 3 : index
    %get3A_386 = arith.constant 1 : index
    %get3A_387 = memref.load %arg1[%get3A_385, %get3A_386] : memref<4x16xf32, #tpu.memory_space<smem>>
    %mul3A_388 = vector.broadcast %get3A_387 : f32 to vector<1x2048xf32>
    %mul3A_389 = arith.mulf %mul3A_388, %slice3A_378 : vector<1x2048xf32>
    %add3A_390 = arith.addf %mul3A_384, %mul3A_389 : vector<1x2048xf32>
    %get3A_391 = arith.constant 3 : index
    %get3A_392 = arith.constant 2 : index
    %get3A_393 = memref.load %arg1[%get3A_391, %get3A_392] : memref<4x16xf32, #tpu.memory_space<smem>>
    %mul3A_394 = vector.broadcast %get3A_393 : f32 to vector<1x2048xf32>
    %mul3A_395 = arith.mulf %mul3A_394, %slice3A_379 : vector<1x2048xf32>
    %add3A_396 = arith.addf %add3A_390, %mul3A_395 : vector<1x2048xf32>
    %get3A_397 = arith.constant 3 : index
    %get3A_398 = arith.constant 9 : index
    %get3A_399 = memref.load %arg1[%get3A_397, %get3A_398] : memref<4x16xf32, #tpu.memory_space<smem>>
    %add3A_400 = vector.broadcast %get3A_399 : f32 to vector<1x2048xf32>
    %add3A_401 = arith.addf %add3A_396, %add3A_400 : vector<1x2048xf32>
    %get3A_402 = arith.constant 3 : index
    %get3A_403 = arith.constant 3 : index
    %get3A_404 = memref.load %arg1[%get3A_402, %get3A_403] : memref<4x16xf32, #tpu.memory_space<smem>>
    %mul3A_405 = vector.broadcast %get3A_404 : f32 to vector<1x2048xf32>
    %mul3A_406 = arith.mulf %mul3A_405, %slice3A_377 : vector<1x2048xf32>
    %get3A_407 = arith.constant 3 : index
    %get3A_408 = arith.constant 4 : index
    %get3A_409 = memref.load %arg1[%get3A_407, %get3A_408] : memref<4x16xf32, #tpu.memory_space<smem>>
    %mul3A_410 = vector.broadcast %get3A_409 : f32 to vector<1x2048xf32>
    %mul3A_411 = arith.mulf %mul3A_410, %slice3A_378 : vector<1x2048xf32>
    %add3A_412 = arith.addf %mul3A_406, %mul3A_411 : vector<1x2048xf32>
    %get3A_413 = arith.constant 3 : index
    %get3A_414 = arith.constant 5 : index
    %get3A_415 = memref.load %arg1[%get3A_413, %get3A_414] : memref<4x16xf32, #tpu.memory_space<smem>>
    %mul3A_416 = vector.broadcast %get3A_415 : f32 to vector<1x2048xf32>
    %mul3A_417 = arith.mulf %mul3A_416, %slice3A_379 : vector<1x2048xf32>
    %add3A_418 = arith.addf %add3A_412, %mul3A_417 : vector<1x2048xf32>
    %get3A_419 = arith.constant 3 : index
    %get3A_420 = arith.constant 10 : index
    %get3A_421 = memref.load %arg1[%get3A_419, %get3A_420] : memref<4x16xf32, #tpu.memory_space<smem>>
    %add3A_422 = vector.broadcast %get3A_421 : f32 to vector<1x2048xf32>
    %add3A_423 = arith.addf %add3A_418, %add3A_422 : vector<1x2048xf32>
    %get3A_424 = arith.constant 3 : index
    %get3A_425 = arith.constant 6 : index
    %get3A_426 = memref.load %arg1[%get3A_424, %get3A_425] : memref<4x16xf32, #tpu.memory_space<smem>>
    %mul3A_427 = vector.broadcast %get3A_426 : f32 to vector<1x2048xf32>
    %mul3A_428 = arith.mulf %mul3A_427, %slice3A_377 : vector<1x2048xf32>
    %get3A_429 = arith.constant 3 : index
    %get3A_430 = arith.constant 7 : index
    %get3A_431 = memref.load %arg1[%get3A_429, %get3A_430] : memref<4x16xf32, #tpu.memory_space<smem>>
    %mul3A_432 = vector.broadcast %get3A_431 : f32 to vector<1x2048xf32>
    %mul3A_433 = arith.mulf %mul3A_432, %slice3A_378 : vector<1x2048xf32>
    %add3A_434 = arith.addf %mul3A_428, %mul3A_433 : vector<1x2048xf32>
    %get3A_435 = arith.constant 3 : index
    %get3A_436 = arith.constant 8 : index
    %get3A_437 = memref.load %arg1[%get3A_435, %get3A_436] : memref<4x16xf32, #tpu.memory_space<smem>>
    %mul3A_438 = vector.broadcast %get3A_437 : f32 to vector<1x2048xf32>
    %mul3A_439 = arith.mulf %mul3A_438, %slice3A_379 : vector<1x2048xf32>
    %add3A_440 = arith.addf %add3A_434, %mul3A_439 : vector<1x2048xf32>
    %get3A_441 = arith.constant 3 : index
    %get3A_442 = arith.constant 11 : index
    %get3A_443 = memref.load %arg1[%get3A_441, %get3A_442] : memref<4x16xf32, #tpu.memory_space<smem>>
    %add3A_444 = vector.broadcast %get3A_443 : f32 to vector<1x2048xf32>
    %add3A_445 = arith.addf %add3A_440, %add3A_444 : vector<1x2048xf32>
    %div3A_446 = arith.divf %add3A_401, %add3A_445 : vector<1x2048xf32>
    %get3A_447 = arith.constant 3 : index
    %get3A_448 = arith.constant 12 : index
    %get3A_449 = memref.load %arg1[%get3A_447, %get3A_448] : memref<4x16xf32, #tpu.memory_space<smem>>
    %mul3A_450 = vector.broadcast %get3A_449 : f32 to vector<1x2048xf32>
    %mul3A_451 = arith.mulf %div3A_446, %mul3A_450 : vector<1x2048xf32>
    %get3A_452 = arith.constant 3 : index
    %get3A_453 = arith.constant 14 : index
    %get3A_454 = memref.load %arg1[%get3A_452, %get3A_453] : memref<4x16xf32, #tpu.memory_space<smem>>
    %add3A_455 = vector.broadcast %get3A_454 : f32 to vector<1x2048xf32>
    %add3A_456 = arith.addf %mul3A_451, %add3A_455 : vector<1x2048xf32>
    %div3A_457 = arith.divf %add3A_423, %add3A_445 : vector<1x2048xf32>
    %get3A_458 = arith.constant 3 : index
    %get3A_459 = arith.constant 13 : index
    %get3A_460 = memref.load %arg1[%get3A_458, %get3A_459] : memref<4x16xf32, #tpu.memory_space<smem>>
    %mul3A_461 = vector.broadcast %get3A_460 : f32 to vector<1x2048xf32>
    %mul3A_462 = arith.mulf %div3A_457, %mul3A_461 : vector<1x2048xf32>
    %get3A_463 = arith.constant 3 : index
    %get3A_464 = arith.constant 15 : index
    %get3A_465 = memref.load %arg1[%get3A_463, %get3A_464] : memref<4x16xf32, #tpu.memory_space<smem>>
    %add3A_466 = vector.broadcast %get3A_465 : f32 to vector<1x2048xf32>
    %add3A_467 = arith.addf %mul3A_462, %add3A_466 : vector<1x2048xf32>
    %mul3A_468 = arith.mulf %add3A_401, %add3A_401 : vector<1x2048xf32>
    %mul3A_469 = arith.mulf %add3A_423, %add3A_423 : vector<1x2048xf32>
    %add3A_470 = arith.addf %mul3A_468, %mul3A_469 : vector<1x2048xf32>
    %mul3A_471 = arith.mulf %add3A_445, %add3A_445 : vector<1x2048xf32>
    %add3A_472 = arith.addf %add3A_470, %mul3A_471 : vector<1x2048xf32>
    %rsqrt3A_473 = math.rsqrt %add3A_472 : vector<1x2048xf32>
    %swap3A_474 = arith.constant 9 : index
    %swap3A_475 = arith.constant 0 : index
    %swap3A_476 = vector.load %arg4[%swap3A_474, %swap3A_475] : memref<12x2048xf32, #tpu.memory_space<vmem>>, vector<1x2048xf32>
    tpu.vector_store %arg4[%swap3A_474, %swap3A_475], %add3A_401 {strides = array<i32>} : memref<12x2048xf32, #tpu.memory_space<vmem>>, vector<1x2048xf32>,
    %swap3A_477 = arith.constant 10 : index
    %swap3A_478 = arith.constant 0 : index
    %swap3A_479 = vector.load %arg4[%swap3A_477, %swap3A_478] : memref<12x2048xf32, #tpu.memory_space<vmem>>, vector<1x2048xf32>
    tpu.vector_store %arg4[%swap3A_477, %swap3A_478], %add3A_423 {strides = array<i32>} : memref<12x2048xf32, #tpu.memory_space<vmem>>, vector<1x2048xf32>,
    %swap3A_480 = arith.constant 11 : index
    %swap3A_481 = arith.constant 0 : index
    %swap3A_482 = vector.load %arg4[%swap3A_480, %swap3A_481] : memref<12x2048xf32, #tpu.memory_space<vmem>>, vector<1x2048xf32>
    tpu.vector_store %arg4[%swap3A_480, %swap3A_481], %add3A_445 {strides = array<i32>} : memref<12x2048xf32, #tpu.memory_space<vmem>>, vector<1x2048xf32>,
    %swap3A_483 = arith.constant 9 : index
    %swap3A_484 = arith.constant 0 : index
    %swap3A_485 = vector.load %arg3[%swap3A_483, %swap3A_484] : memref<12x2048xf32, #tpu.memory_space<vmem>>, vector<1x2048xf32>
    tpu.vector_store %arg3[%swap3A_483, %swap3A_484], %add3A_456 {strides = array<i32>} : memref<12x2048xf32, #tpu.memory_space<vmem>>, vector<1x2048xf32>,
    %swap3A_486 = arith.constant 10 : index
    %swap3A_487 = arith.constant 0 : index
    %swap3A_488 = vector.load %arg3[%swap3A_486, %swap3A_487] : memref<12x2048xf32, #tpu.memory_space<vmem>>, vector<1x2048xf32>
    tpu.vector_store %arg3[%swap3A_486, %swap3A_487], %add3A_467 {strides = array<i32>} : memref<12x2048xf32, #tpu.memory_space<vmem>>, vector<1x2048xf32>,
    %swap3A_489 = arith.constant 11 : index
    %swap3A_490 = arith.constant 0 : index
    %swap3A_491 = vector.load %arg3[%swap3A_489, %swap3A_490] : memref<12x2048xf32, #tpu.memory_space<vmem>>, vector<1x2048xf32>
    tpu.vector_store %arg3[%swap3A_489, %swap3A_490], %add3A_445 {strides = array<i32>} : memref<12x2048xf32, #tpu.memory_space<vmem>>, vector<1x2048xf32>,
    %mul3A_492 = arith.mulf %add3A_401, %rsqrt3A_473 : vector<1x2048xf32>
    %swap3A_493 = arith.constant 9 : index
    %swap3A_494 = arith.constant 0 : index
    %swap3A_495 = vector.load %arg5[%swap3A_493, %swap3A_494] : memref<12x2048xf32, #tpu.memory_space<vmem>>, vector<1x2048xf32>
    tpu.vector_store %arg5[%swap3A_493, %swap3A_494], %mul3A_492 {strides = array<i32>} : memref<12x2048xf32, #tpu.memory_space<vmem>>, vector<1x2048xf32>,
    %mul3A_496 = arith.mulf %add3A_423, %rsqrt3A_473 : vector<1x2048xf32>
    %swap3A_497 = arith.constant 10 : index
    %swap3A_498 = arith.constant 0 : index
    %swap3A_499 = vector.load %arg5[%swap3A_497, %swap3A_498] : memref<12x2048xf32, #tpu.memory_space<vmem>>, vector<1x2048xf32>
    tpu.vector_store %arg5[%swap3A_497, %swap3A_498], %mul3A_496 {strides = array<i32>} : memref<12x2048xf32, #tpu.memory_space<vmem>>, vector<1x2048xf32>,
    %mul3A_500 = arith.mulf %add3A_445, %rsqrt3A_473 : vector<1x2048xf32>
    %swap3A_501 = arith.constant 11 : index
    %swap3A_502 = arith.constant 0 : index
    %swap3A_503 = vector.load %arg5[%swap3A_501, %swap3A_502] : memref<12x2048xf32, #tpu.memory_space<vmem>>, vector<1x2048xf32>
    tpu.vector_store %arg5[%swap3A_501, %swap3A_502], %mul3A_500 {strides = array<i32>} : memref<12x2048xf32, #tpu.memory_space<vmem>>, vector<1x2048xf32>,
    return
  }
  func.func @transform_0(%arg0: i32) -> (i32, i32) {
    %c0_i32 = arith.constant 0 : i32
    %c0_i32_0 = arith.constant 0 : i32
    %c0_i32_1 = arith.constant 0 : i32
    return %c0_i32, %c0_i32_0 : i32, i32
  }
  func.func @transform_1(%arg0: i32) -> (i32, i32) {
    %c0_i32 = arith.constant 0 : i32
    %c0_i32_0 = arith.constant 0 : i32
    return %c0_i32, %arg0 : i32, i32
  }
  func.func @transform_2(%arg0: i32) -> (i32, i32) {
    %c0_i32 = arith.constant 0 : i32
    %c0_i32_0 = arith.constant 0 : i32
    return %c0_i32, %arg0 : i32, i32
  }
  func.func @transform_3(%arg0: i32) -> (i32, i32) {
    %c0_i32 = arith.constant 0 : i32
    %c0_i32_0 = arith.constant 0 : i32
    return %c0_i32, %arg0 : i32, i32
  }
  func.func @transform_4(%arg0: i32) -> (i32, i32) {
    %c0_i32 = arith.constant 0 : i32
    %c0_i32_0 = arith.constant 0 : i32
    return %c0_i32, %arg0 : i32, i32
  }
}

</mosaic_0001>

<sc_bundles>
// kernel: kernel.5.cloned.1.call-start
scs
__scs_entry_jumppad:
0x0: {  	(pc) =	sbr.rel $0x88, $3  }
0x1: {  	(tag) =	ssettag $0x0;
	lr =	simm.s32 $0x1  }
0x2: {  	[smem:$0x3F9B] =	sst lr;
	_ =	strace $0xD0000000  }
0x3: {  	_ = 	snop  }
0x4: {  	_ = 	snop  }
0x5: {  	_ = 	snop  }
0x6: {  	_ = 	snop  }
0x7: {  	_ = 	snop  }
__scs_overlays_trampoline_lowered:
0x8: {  	[smem:$0x3FAA] =	sst s0  }
0x9: {  	[smem:$0x3FAB] =	sst s1  }
0xa: {  	[smem:$0x3FAC] =	sst s2  }
0xb: {  	[smem:$0x3FAD] =	sst s3  }
0xc: {  	[smem:$0x3FAE] =	sst s4  }
0xd: {  	[smem:$0x3FAF] =	sst s5  }
0xe: {  	[smem:$0x3FB0] =	sst s6  }
0xf: {  	[smem:$0x3FB1] =	sst s7  }
0x10: {  	[smem:$0x3FB2] =	sst s8  }
0x11: {  	[smem:$0x3FB3] =	sst s9;
	s0 =	simm.s32 @!p0 $0x0  }
0x12: {  	s1 =	sld [smem:$0x3F99];
	s0 =	simm.s32 @p0 $0x1  }
0x13: {  	[smem:$0x3FB4] =	sst s0;
	s0 =	simm.s32 @!p1 $0x0  }
0x14: {  	s2 =	sld [smem:$0x3F98];
	s0 =	simm.s32 @p1 $0x1  }
0x15: {  	[smem:$0x3FB5] =	sst s0;
	s0 =	simm.s32 @!p2 $0x0  }
0x16: {  	s3 =	sld [smem:$0x3FDB];
	s0 =	simm.s32 @p2 $0x1  }
0x17: {  	s4 =	simm.s32 $0x1BF5;
	[smem:$0x3FB7] =	sst s0  }
0x18: {  	s0 =	sld [smem:$0x3F9A];
	_ =	swait.ge [sflag:s4], $0x0  }
0x19: {  	s7 =	sld [smem:$0x3F9B]  }
0x1a: {  	s8 =	sadd.s32 $0xFFFFE003, lr  }
0x1b: {  	s9 =	sadd.s32 $0xFFFFFEF7, lr;
	s5 =	simm.s32 $0xFFFFFFFF;
	p2 =	slt.u32 s8, $0xFFFFF086  }
0x1c: {  	p1 =	slt.u32 s9, $0xF7A;
	s5 =	simm.s32 @!p2 $0x0  }
0x1d: {  	s5 =	simm.s32 @p1 $0x1;
	p0 =	seq.s32 s7, s2  }
0x1e: {  	s7 =	smul.u32 @!p0 $0xF7A, s2;
	p2 =	seq.s32 @!p0 s5, $0x0  }
0x1f: {  	s9 =	smul.u32 $0xF7A, s1;
	s8 =	simm.s32 @!p0 $0x1BF5;
	p2 =	por !p2, p0  }
0x20: {  	[sflag:s8] =	ssyncset.s32 @!p0 $0xFFFFF086;
	s6 =	sadd.s32 @!p0 s3, s7;
	s7 =	simm.s32 @!p0 $0x108  }
0x21: {  	s3 =	sadd.s32 s3, s9;
	s6 =	sadd.s32 @!p0 $0x88, s6;
	s7 =	simm.s32 @p2 $0x1082  }
0x22: {  	[simem:s7], [sflag:s8] =	dma.local @!p0 [hbm:s6], $0xF7A  }
0x23: {  	s9 =	sor.u32 $0xD0000000, s2;
	s6 =	simm.s32 $0x108;
	_ =	swait.ge @!p0 [sflag:s8], $0x0  }
0x24: {  	s3 =	sadd.s32 $0x88, s3;
	s6 =	simm.s32 @!p1 $0x1082;
	[sflag:s4] =	ssyncset.s32 $0xFFFFF086  }
0x25: {  	[simem:s6], [sflag:s4] =	dma.local [hbm:s3], $0xF7A  }
0x26: {  	[smem:$0x3F9B] =	sst s1;
	(tag) =	ssettag s2;
	_ =	strace s9  }
0x27: {  	s1 =	sld [smem:$0x3FAB]  }
0x28: {  	s2 =	sld [smem:$0x3FAC]  }
0x29: {  	s4 =	sld [smem:$0x3FAE]  }
0x2a: {  	p0 =	seq.s32 s5, $0x0;
	s5 =	sld [smem:$0x3FAF]  }
0x2b: {  	s6 =	sld [smem:$0x3FB0]  }
0x2c: {  	s7 =	sld [smem:$0x3FB1]  }
0x2d: {  	s3 =	simm.s32 $0x108;
	s8 =	sld [smem:$0x3FB2]  }
0x2e: {  	s3 =	simm.s32 @!p0 $0x1082;
	s9 =	sld [smem:$0x3FB3]  }
0x2f: {  	lr =	sadd.s32 s0, s3;
	s0 =	sld [smem:$0x3FAA]  }
0x30: {  	s3 =	sld [smem:$0x3FAD]  }
0x31: {  	[smem:$0x3FB6] =	sst s10  }
0x32: {  	s10 =	sld [smem:$0x3FB4];
	_ =	sdelay $0x3  }
0x33: {  	p0 =	seq.s32 s10, $0x1;
	s10 =	sld [smem:$0x3FB6];
	_ =	sdelay $0x3  }
0x34: {  	[smem:$0x3FB6] =	sst s10  }
0x35: {  	s10 =	sld [smem:$0x3FB5];
	_ =	sdelay $0x3  }
0x36: {  	p1 =	seq.s32 s10, $0x1;
	s10 =	sld [smem:$0x3FB6];
	_ =	sdelay $0x3  }
0x37: {  	[smem:$0x3FB6] =	sst s10  }
0x38: {  	s10 =	sld [smem:$0x3FB7]  }
0x39: {  	_ = 	snop;
	(pc) =	sbr.ind lr, $3  }
0x3a: {  	_ = 	snop  }
0x3b: {  	_ = 	snop  }
0x3c: {  	p2 =	seq.s32 s10, $0x1;
	s10 =	sld [smem:$0x3FB6]  }
0x3d: {  	_ =	shalt  }
0x3e: {  	_ =	shalt  }
0x3f: {  	_ =	shalt  }
0x40: {  	_ =	shalt  }
0x41: {  	_ =	shalt  }
0x42: {  	_ =	shalt  }
0x43: {  	_ =	shalt  }
0x44: {  	_ =	shalt  }
0x45: {  	_ =	shalt  }
0x46: {  	_ =	shalt  }
0x47: {  	_ =	shalt  }
0x48: {  	_ =	shalt  }
0x49: {  	_ =	shalt  }
0x4a: {  	_ =	shalt  }
0x4b: {  	_ =	shalt  }
0x4c: {  	_ =	shalt  }
0x4d: {  	_ =	shalt  }
0x4e: {  	_ =	shalt  }
0x4f: {  	_ =	shalt  }
0x50: {  	_ =	shalt  }
0x51: {  	_ =	shalt  }
0x52: {  	_ =	shalt  }
0x53: {  	_ =	shalt  }
0x54: {  	_ =	shalt  }
0x55: {  	_ =	shalt  }
0x56: {  	_ =	shalt  }
0x57: {  	_ =	shalt  }
0x58: {  	_ =	shalt  }
0x59: {  	_ =	shalt  }
0x5a: {  	_ =	shalt  }
0x5b: {  	_ =	shalt  }
0x5c: {  	_ =	shalt  }
0x5d: {  	_ =	shalt  }
0x5e: {  	_ =	shalt  }
0x5f: {  	_ =	shalt  }
0x60: {  	_ =	shalt  }
0x61: {  	_ =	shalt  }
0x62: {  	_ =	shalt  }
0x63: {  	_ =	shalt  }
0x64: {  	_ =	shalt  }
0x65: {  	_ =	shalt  }
0x66: {  	_ =	shalt  }
0x67: {  	_ =	shalt  }
0x68: {  	_ =	shalt  }
0x69: {  	_ =	shalt  }
0x6a: {  	_ =	shalt  }
0x6b: {  	_ =	shalt  }
0x6c: {  	_ =	shalt  }
0x6d: {  	_ =	shalt  }
0x6e: {  	_ =	shalt  }
0x6f: {  	_ =	shalt  }
0x70: {  	_ =	shalt  }
0x71: {  	_ =	shalt  }
0x72: {  	_ =	shalt  }
0x73: {  	_ =	shalt  }
0x74: {  	_ =	shalt  }
0x75: {  	_ =	shalt  }
0x76: {  	_ =	shalt  }
0x77: {  	_ =	shalt  }
0x78: {  	_ =	shalt  }
0x79: {  	_ =	shalt  }
0x7a: {  	_ =	shalt  }
0x7b: {  	_ =	shalt  }
0x7c: {  	_ =	shalt  }
0x7d: {  	_ =	shalt  }
0x7e: {  	_ =	shalt  }
0x7f: {  	_ =	shalt  }
0x80: {  	_ =	shalt  }
0x81: {  	_ =	shalt  }
0x82: {  	_ =	shalt  }
0x83: {  	_ =	shalt  }
0x84: {  	_ =	shalt  }
0x85: {  	_ =	shalt  }
0x86: {  	_ =	shalt  }
0x87: {  	_ =	shalt  }
.Lfunc_end0:
.L_simem_size_0:
called_computation_lowered:
.L_overlay_start_0:
0x88: {  	s2 =	sld [smem:$0x3FD9]  }
0x89: {  	s3 =	sld [smem:$0x3FFE];
	_ =	sdelay $0x1  }
0x8a: {  	s1 =	srdreg.scid  }
0x8b: {  	s0 =	sand.u32 $0x1, s1  }
0x8c: {  	s14 =	sshll.u32 s0, $0xA;
	s2 =	sadd.s32 s3, s2  }
0x8d: {  	s2 =	sadd.s32 s2, s14  }
0x8e: {  	[smem:$0x3FC2] =	sst s2  }
0x8f: {  	_ = 	snop  }
0x90: {  	s2 =	sld [smem:$0x3FD0];
	_ =	sdelay $0x2  }
0x91: {  	s15 =	simm.s32 $0xA;
	s4 =	simm.s32 $0x10  }
0x92: {  	[smem:s4], [sflag:s15] =	dma.local [hbm:s2], $0x1  }
0x93: {  	_ =	swait.eq [sflag:s15], $0x1  }
0x94: {  	[sflag:s15] =	ssyncset.done $0x0  }
0x95: {  	s16 =	sld [smem:$0x10];
	[sflag:s15] =	ssyncadd.s32 $0xFFFFFFFF  }
0x96: {  	s17 =	sld [smem:$0x11];
	(tm) =	ssettm $0x1  }
0x97: {  	s18 =	sld [smem:$0x3FFB];
	_ =	sdelay $0x3  }
0x98: {  	_ =	strace s18  }
0x99: {  	s4 =	sld [smem:$0x3FFC];
	_ =	sdelay $0x3  }
0x9a: {  	_ =	strace s4  }
0x9b: {  	s4 =	sld [smem:$0x3FFD];
	_ =	sdelay $0x3  }
0x9c: {  	_ =	strace s4  }
0x9d: {  	_ =	strace $0x8FFFFFFF  }
0x9e: {  	s19 =	sld [smem:$0x3FDB];
	_ =	sdelay $0x1  }
0x9f: {  	s5 =	simm.s32 $_scs_section_size  }
0xa0: {  	s6 =	simm.s32 $_size__tile_overlayer_lowered;
	s7 =	simm.s32 $_tile_overlayer_lowered  }
0xa1: {  	s22 =	simm.s32 $0x1BFF;
	s21 =	sshll.u32 s7, $0x1;
	s4 =	sadd.s32 s5, s19  }
0xa2: {  	s8 =	simm.s32 $0x0;
	s20 =	sshll.u32 s6, $0x1;
	s6 =	sadd.s32 s21, s4  }
0xa3: {  	[timem:s8], [sflag:s22] =	dma.local [hbm:s6], s20  }
0xa4: {  	_ =	swait.ge [sflag:s22], s20  }
0xa5: {  	s5 =	ssub.s32 $0x0, s20;
	[sflag:s22] =	ssyncset.done $0x0  }
0xa6: {  	[sflag:s22] =	ssyncadd.s32 s5;
	_ =	sdelay $0x1  }
0xa7: {  	s23 =	simm.s32 $0x1B8B  }
0xa8: {  	_ =	swait.ge [sflag:s23], $0x1  }
0xa9: {  	[sflag:s23] =	ssyncset.done $0x0  }
0xaa: {  	s25 =	simm.s32 $0x1B8E;
	s24 =	sld [smem:$0x3FFE];
	[sflag:s23] =	ssyncadd.s32 $0xFFFFFFFF  }
0xab: {  	s26 =	simm.s32 $execute0_lowered;
	[smem:$0x3FD2] =	sst s25  }
0xac: {  	s6 =	sshll.u32 s26, $0x1;
	_ =	strace $0x80000046;
	[dreg:$0x1] =	wrdreg $0xFFFFFFFF  }
0xad: {  	s28 =	simm.s32 $_size_execute0_lowered;
	s4 =	sadd.s32 s4, s6;
	[dreg:$0x0] =	wrdreg $0x0  }
0xae: {  	s6 =	sshll.u32 s28, $0x1;
	[dreg:$0x2] =	wrdreg s4  }
0xaf: {  	[dreg:$0x3] =	wrdreg s6  }
0xb0: {  	[dreg:$0x4] =	wrdreg $0xC0  }
0xb1: {  	_ =	task [dreg:s8], $0x5FFFF  }
0xb2: {  	[dreg:$0x1] =	wrdreg $0xFFFFFFFF  }
0xb3: {  	[dreg:$0x0] =	wrdreg $0x60  }
0xb4: {  	[dreg:$0x2] =	wrdreg s17  }
0xb5: {  	[dreg:$0x3] =	wrdreg s16  }
0xb6: {  	[dreg:$0x4] =	wrdreg s24  }
0xb7: {  	[dreg:$0x5] =	wrdreg $0x9  }
0xb8: {  	_ =	task.clear_ibuf [dreg:s8], $0x6FFFF;
	_ =	strace $0x90000046  }
0xb9: {  	s29 =	simm.s32 $0x9;
	_ =	strace $0x80000048  }
0xba: {  	_ =	swait.ge [sflag:s29], $0x1  }
0xbb: {  	[sflag:s29] =	ssyncadd.s32 $0xFFFFFFFF  }
0xbc: {  	_ =	strace $0x90000048  }
0xbd: {  	_ =	sfence  }
0xbe: {  	s30 =	sld [smem:$0x0];
	_ =	sdelay $0x2  }
0xbf: {  	s31 =	sshll.u32 s1, $0xD;
	s1 =	sshrl.u32 s1, $0x2  }
0xc0: {  	s3 =	sand.u32 $0x4000, s31;
	s1 =	sadd.s32 s1, s30  }
0xc1: {  	s0 =	sor.u32 s3, s0;
	s1 =	sshll.u32 s1, $0x11  }
0xc2: {  	s0 =	sor.u32 s1, s0  }
0xc3: {  	s0 =	sadd.s32 $0x8F2B, s0  }
0xc4: {  	[sflag:s0] =	ssyncadd.remote.s32 $0x1  }
0xc5: {  	_ =	sfence.sel $0xFFFF  }
0xc6: {  	[dreg:$0x0] =	wrdreg $0xFFFFFFFF;
	(pc) =	sbr.abs _section_cstart, $3  }
0xc7: {  	[dreg:$0x1] =	wrdreg $0xFFFFFFFF  }
0xc8: {  	_ =	task.clear_ibuf [dreg:s8], $0x2FFFF;
	_ =	strace $0x9FFFFFFF  }
0xc9: {  	(tm) =	ssettm $0x7FFFFFFF  }
tec
execute0_lowered:
.L_overlay_start_1:
0x0: {  	(tag) =	ssettag $0x1  }
0x1: {  	s1 =	rddreg [dreg:$0x0]  }
0x2: {  	s0 =	srdreg.scid;
	s2 =	rddreg [dreg:$0x1]  }
0x3: {  	s3 =	stileid.u32;
	s5 =	rddreg [dreg:$0x2];
	s10 =	simm.s32 $0x2  }
0x4: {  	s13 =	simm.s32 $0x80;
	s14 =	simm.s32 $0x4B00;
	s15 =	simm.s32 $0x5300  }
0x5: {  	s16 =	simm.s32 $0x5B00;
	s17 =	simm.s32 $0x6300;
	s18 =	simm.s32 $0x6B00  }
0x6: {  	s19 =	simm.s32 $0x7300;
	s20 =	simm.s32 $0x7B00;
	s21 =	simm.s32 $0x8300  }
0x7: {  	s22 =	simm.s32 $0x8B00;
	s23 =	simm.s32 $0x9300;
	s24 =	simm.s32 $0x9B00  }
0x8: {  	v0 =	vimm.s32 $0xFCEDB8A9;
	v1 =	vimm.s32 $0x74653021;
	s25 =	simm.s32 $0xA300;
	s0 =	sand.u32 $0x1, s0;
	s3 =	sshll.u32 s3, $0x1  }
0x9: {  	v2 =	vimm.s32 $0xFDCEB98A;
	v3 =	vimm.s32 $0x75463102;
	s26 =	simm.s32 $0xAB00;
	v0 =	vunpack.c.l.s4.s8 v0;
	s4 =	sor.u32 s0, s3;
	s0 =	ssub.s32 $0x2, s0  }
0xa: {  	s28 =	simm.s32 $0xB300;
	v1 =	vunpack.c.l.s4.s8 v1;
	v2 =	vunpack.c.l.s4.s8 v2;
	v3 =	vunpack.c.l.s4.s8 v3;
	s4 =	smul.u32 $0x1900, s4;
	s7 =	sshrl.u32 s0, $0x1  }
0xb: {  	s29 =	simm.s32 $0xBB00;
	s3 =	simm.s32 $0x0;
	v0 =	vunpack.c.0.s8.s32 v0;
	s0 =	ssub.s32 s0, s7  }
0xc: {  	[smem:$0x7FF] =	sst s3;
	v1 =	vunpack.c.0.s8.s32 v1;
	v2 =	vunpack.c.0.s8.s32 v2;
	v3 =	vunpack.c.0.s8.s32 v3;
	s6 =	sshrl.u32 s4, $0x3;
	s0 =	smax.u32 s0, $0x1  }
0xd: {  	_ =	strace $0x80000047;
	s2 =	sadd.s32 s2, s6;
	[dreg:$0x7] =	wrdreg s0  }
0xe: {  	s30 =	simm.s32 $0x1;
	v0 =	vcombine.low v1, v0;
	v1 =	vcombine.low v3, v2;
	s6 =	sadd.s32 $0x6400, s2;
	[dreg:$0x4] =	wrdreg s2  }
0xf: {  	s31 =	simm.s32 $0xC300;
	s2 =	sadd.s32 $0xC800, s2;
	[dreg:$0x5] =	wrdreg s6  }
0x10: {  	s5 =	sadd.s32 $0x1600, s5;
	v0 =	vand.u32 $0xF, v0;
	v1 =	vand.u32 $0xF, v1;
	[dreg:$0x6] =	wrdreg s2;
	s2 =	simm.s32 $0x0  }
.LBB2_1:
0x11: {  	[dreg:$0x8] =	wrdreg s2  }
0x12: {  	s0 =	rddreg [dreg:$0x4]  }
0x13: {  	[tilespmem:s3], [sflag:$0x2] =	stream.linear.gather [hbm4b:s0+s3], $0x1900, $0x38;
	[tilespmem:$0xEB00] =	vst v63  }
0x14: {  	_ =	swait.ge [sflag:s10], $0x1900  }
0x15: {  	[sflag:s10] =	ssyncset.done $0x0  }
0x16: {  	s9 =	simm.s32 $0x1900;
	s8 =	rddreg [dreg:$0x5];
	[sflag:s10] =	ssyncadd.s32 $0xFFFFE700  }
0x17: {  	[tilespmem:s9], [sflag:$0x2] =	stream.linear.gather [hbm4b:s8+s3], $0x1900, $0x38;
	[tilespmem:$0xEB00] =	vst v63  }
0x18: {  	_ =	swait.ge [sflag:s10], $0x1900  }
0x19: {  	[sflag:s10] =	ssyncset.done $0x0  }
0x1a: {  	s12 =	simm.s32 $0x3200;
	s11 =	rddreg [dreg:$0x6];
	[sflag:s10] =	ssyncadd.s32 $0xFFFFE700  }
0x1b: {  	[tilespmem:s12], [sflag:$0x2] =	stream.linear.gather [hbm4b:s11+s3], $0x1900, $0x38;
	[tilespmem:$0xEB00] =	vst v63  }
0x1c: {  	_ =	swait.ge [sflag:s10], $0x1900  }
0x1d: {  	[sflag:s10] =	ssyncset.done $0x0  }
0x1e: {  	s0 =	simm.s32 $0x0;
	[sflag:s10] =	ssyncadd.s32 $0xFFFFE700  }
.LBB2_2:
0x1f: {  	s11 =	smul.u32 $0x280, s0;
	_ =	sdelay $0x1  }
0x20: {  	[tilespmem:s14], [sflag:$0x1] =	stream.indirect.gather [hbm4b:s1+s13], $0x10, s11, s13, $0xb8;
	[tilespmem:$0xEB00] =	vst v63  }
0x21: {  	s2 =	sadd.s32 $0x80, s11  }
0x22: {  	[tilespmem:s15], [sflag:$0x1] =	stream.indirect.gather [hbm4b:s1+s13], $0x10, s2, s13, $0xb8;
	[tilespmem:$0xEB00] =	vst v63  }
0x23: {  	s6 =	sadd.s32 $0x100, s11  }
0x24: {  	[tilespmem:s16], [sflag:$0x1] =	stream.indirect.gather [hbm4b:s1+s13], $0x10, s6, s13, $0xb8;
	[tilespmem:$0xEB00] =	vst v63  }
0x25: {  	s7 =	sadd.s32 $0x180, s11  }
0x26: {  	[tilespmem:s17], [sflag:$0x1] =	stream.indirect.gather [hbm4b:s1+s13], $0x10, s7, s13, $0xb8;
	[tilespmem:$0xEB00] =	vst v63  }
0x27: {  	s8 =	sadd.s32 $0x200, s11  }
0x28: {  	[tilespmem:s18], [sflag:$0x1] =	stream.indirect.gather [hbm4b:s1+s13], $0x10, s8, s13, $0xb8;
	[tilespmem:$0xEB00] =	vst v63  }
0x29: {  	s9 =	sadd.s32 $0x1900, s11  }
0x2a: {  	[tilespmem:s19], [sflag:$0x1] =	stream.indirect.gather [hbm4b:s1+s13], $0x10, s9, s13, $0xb8;
	[tilespmem:$0xEB00] =	vst v63  }
0x2b: {  	s12 =	sadd.s32 $0x1980, s11  }
0x2c: {  	[tilespmem:s20], [sflag:$0x1] =	stream.indirect.gather [hbm4b:s1+s13], $0x10, s12, s13, $0xb8;
	[tilespmem:$0xEB00] =	vst v63  }
0x2d: {  	s6 =	sadd.s32 $0x1A00, s11  }
0x2e: {  	[tilespmem:s21], [sflag:$0x1] =	stream.indirect.gather [hbm4b:s1+s13], $0x10, s6, s13, $0xb8;
	[tilespmem:$0xEB00] =	vst v63  }
0x2f: {  	s7 =	sadd.s32 $0x1A80, s11  }
0x30: {  	[tilespmem:s22], [sflag:$0x1] =	stream.indirect.gather [hbm4b:s1+s13], $0x10, s7, s13, $0xb8;
	[tilespmem:$0xEB00] =	vst v63  }
0x31: {  	s8 =	sadd.s32 $0x1B00, s11  }
0x32: {  	[tilespmem:s23], [sflag:$0x1] =	stream.indirect.gather [hbm4b:s1+s13], $0x10, s8, s13, $0xb8;
	[tilespmem:$0xEB00] =	vst v63  }
0x33: {  	s9 =	sadd.s32 $0x3200, s11  }
0x34: {  	[tilespmem:s24], [sflag:$0x1] =	stream.indirect.gather [hbm4b:s1+s13], $0x10, s9, s13, $0xb8;
	[tilespmem:$0xEB00] =	vst v63  }
0x35: {  	s12 =	sadd.s32 $0x3280, s11  }
0x36: {  	[tilespmem:s25], [sflag:$0x1] =	stream.indirect.gather [hbm4b:s1+s13], $0x10, s12, s13, $0xb8;
	[tilespmem:$0xEB00] =	vst v63  }
0x37: {  	s6 =	sadd.s32 $0x3300, s11  }
0x38: {  	[tilespmem:s26], [sflag:$0x1] =	stream.indirect.gather [hbm4b:s1+s13], $0x10, s6, s13, $0xb8;
	[tilespmem:$0xEB00] =	vst v63  }
0x39: {  	s7 =	sadd.s32 $0x3380, s11  }
0x3a: {  	[tilespmem:s28], [sflag:$0x1] =	stream.indirect.gather [hbm4b:s1+s13], $0x10, s7, s13, $0xb8;
	[tilespmem:$0xEB00] =	vst v63  }
0x3b: {  	s8 =	sadd.s32 $0x3400, s11  }
0x3c: {  	[tilespmem:s29], [sflag:$0x1] =	stream.indirect.gather [hbm4b:s1+s13], $0x10, s8, s13, $0xb8;
	[tilespmem:$0xEB00] =	vst v63  }
0x3d: {  	_ =	swait.ge [sflag:s30], $0x800  }
0x3e: {  	[sflag:s30] =	ssyncset.done $0x0  }
0x3f: {  	[sflag:s30] =	ssyncadd.s32 $0xFFFFF800  }
0x40: {  	_ =	swait.ge [sflag:s30], $0x800  }
0x41: {  	[sflag:s30] =	ssyncset.done $0x0  }
0x42: {  	[sflag:s30] =	ssyncadd.s32 $0xFFFFF800  }
0x43: {  	_ =	swait.ge [sflag:s30], $0x800  }
0x44: {  	[sflag:s30] =	ssyncset.done $0x0  }
0x45: {  	[sflag:s30] =	ssyncadd.s32 $0xFFFFF800  }
0x46: {  	_ =	swait.ge [sflag:s30], $0x800  }
0x47: {  	[sflag:s30] =	ssyncset.done $0x0  }
0x48: {  	[sflag:s30] =	ssyncadd.s32 $0xFFFFF800  }
0x49: {  	_ =	swait.ge [sflag:s30], $0x800  }
0x4a: {  	[sflag:s30] =	ssyncset.done $0x0  }
0x4b: {  	[sflag:s30] =	ssyncadd.s32 $0xFFFFF800  }
0x4c: {  	_ =	swait.ge [sflag:s30], $0x800  }
0x4d: {  	[sflag:s30] =	ssyncset.done $0x0  }
0x4e: {  	[sflag:s30] =	ssyncadd.s32 $0xFFFFF800  }
0x4f: {  	_ =	swait.ge [sflag:s30], $0x800  }
0x50: {  	[sflag:s30] =	ssyncset.done $0x0  }
0x51: {  	[sflag:s30] =	ssyncadd.s32 $0xFFFFF800  }
0x52: {  	_ =	swait.ge [sflag:s30], $0x800  }
0x53: {  	[sflag:s30] =	ssyncset.done $0x0  }
0x54: {  	[sflag:s30] =	ssyncadd.s32 $0xFFFFF800  }
0x55: {  	_ =	swait.ge [sflag:s30], $0x800  }
0x56: {  	[sflag:s30] =	ssyncset.done $0x0  }
0x57: {  	[sflag:s30] =	ssyncadd.s32 $0xFFFFF800  }
0x58: {  	_ =	swait.ge [sflag:s30], $0x800  }
0x59: {  	[sflag:s30] =	ssyncset.done $0x0  }
0x5a: {  	[sflag:s30] =	ssyncadd.s32 $0xFFFFF800  }
0x5b: {  	_ =	swait.ge [sflag:s30], $0x800  }
0x5c: {  	[sflag:s30] =	ssyncset.done $0x0  }
0x5d: {  	[sflag:s30] =	ssyncadd.s32 $0xFFFFF800  }
0x5e: {  	_ =	swait.ge [sflag:s30], $0x800  }
0x5f: {  	[sflag:s30] =	ssyncset.done $0x0  }
0x60: {  	[sflag:s30] =	ssyncadd.s32 $0xFFFFF800  }
0x61: {  	_ =	swait.ge [sflag:s30], $0x800  }
0x62: {  	[sflag:s30] =	ssyncset.done $0x0  }
0x63: {  	[sflag:s30] =	ssyncadd.s32 $0xFFFFF800  }
0x64: {  	_ =	swait.ge [sflag:s30], $0x800  }
0x65: {  	[sflag:s30] =	ssyncset.done $0x0  }
0x66: {  	[sflag:s30] =	ssyncadd.s32 $0xFFFFF800  }
0x67: {  	_ =	swait.ge [sflag:s30], $0x800  }
0x68: {  	[sflag:s30] =	ssyncset.done $0x0  }
0x69: {  	s9 =	simm.s32 $0x7320;
	[sflag:s30] =	ssyncadd.s32 $0xFFFFF800  }
0x6a: {  	s12 =	simm.s32 $0x9B20;
	v2 =	vld [tilespmem:s9+$0xFFFFFFE0]  }
0x6b: {  	s6 =	simm.s32 $0x4B20;
	v3 =	vld [tilespmem:s12+$0xFFFFFFE0]  }
0x6c: {  	v4 =	vld [tilespmem:s6+$0xFFFFFFE0];
	_ =	sdelay $0x4  }
0x6d: {  	v2 =	vsub.f32 v2, v4;
	v3 =	vsub.f32 v3, v4;
	_ =	sdelay $0x1  }
0x6e: {  	v4 =	vperm.xlane v2, v0;
	v5 =	vperm.xlane v3, v1  }
0x6f: {  	v2 =	vperm.xlane v2, v1;
	v3 =	vperm.xlane v3, v0;
	_ =	sdelay $0x1  }
0x70: {  	v4 =	vmul.f32 v5, v4;
	v2 =	vmul.f32 v3, v2;
	_ =	sdelay $0x1  }
0x71: {  	v2 =	vsub.f32 v4, v2;
	_ =	sdelay $0x1  }
0x72: {  	v3 =	vmul.f32 v2, v2;
	_ =	sdelay $0x1  }
0x73: {  	v4 =	vperm.xlane v3, v0;
	_ =	sdelay $0x1  }
0x74: {  	v4 =	vadd.f32 v3, v4;
	v3 =	vperm.xlane v3, v1;
	_ =	sdelay $0x1  }
0x75: {  	v3 =	vadd.f32 v4, v3;
	_ =	sdelay $0x1  }
0x76: {  	v3 =	vmax.f32 v3, $1.000000000e-30  }
0x77: {  	v4 =	vshrl.u32 v3, $0x1;
	v3 =	vmul.f32 $5.000000000e-01, v3  }
0x78: {  	v4 =	vsub.s32 $0x5F3759DF, v4  }
0x79: {  	v5 =	vmul.f32 v4, v3;
	_ =	sdelay $0x1  }
0x7a: {  	v5 =	vmul.f32 v4, v5;
	_ =	sdelay $0x1  }
0x7b: {  	v5 =	vsub.f32 $1.500000000e+00, v5;
	_ =	sdelay $0x1  }
0x7c: {  	v4 =	vmul.f32 v4, v5;
	_ =	sdelay $0x1  }
0x7d: {  	v3 =	vmul.f32 v4, v3;
	_ =	sdelay $0x1  }
0x7e: {  	v3 =	vmul.f32 v3, v4;
	_ =	sdelay $0x1  }
0x7f: {  	v3 =	vsub.f32 $1.500000000e+00, v3;
	_ =	sdelay $0x1  }
0x80: {  	v3 =	vmul.f32 v3, v4;
	_ =	sdelay $0x1  }
0x81: {  	v2 =	vmul.f32 v3, v2  }
0x82: {  	s7 =	simm.s32 $0xC320  }
0x83: {  	[tilespmem:s7+$0xFFFFFFE0] =	vst v2  }
0x84: {  	v2 =	vld [tilespmem:s6+$0xFFFFFFF0]  }
0x85: {  	v3 =	vld [tilespmem:s12+$0xFFFFFFF0]  }
0x86: {  	v4 =	vld [tilespmem:s9+$0xFFFFFFF0];
	_ =	sdelay $0x3  }
0x87: {  	v3 =	vsub.f32 v3, v2  }
0x88: {  	v2 =	vsub.f32 v4, v2  }
0x89: {  	v4 =	vperm.xlane v3, v1;
	v3 =	vperm.xlane v3, v0  }
0x8a: {  	v5 =	vperm.xlane v2, v0;
	v2 =	vperm.xlane v2, v1;
	_ =	sdelay $0x1  }
0x8b: {  	v4 =	vmul.f32 v4, v5;
	v2 =	vmul.f32 v3, v2;
	_ =	sdelay $0x1  }
0x8c: {  	v2 =	vsub.f32 v4, v2;
	_ =	sdelay $0x1  }
0x8d: {  	v3 =	vmul.f32 v2, v2;
	_ =	sdelay $0x1  }
0x8e: {  	v4 =	vperm.xlane v3, v0;
	_ =	sdelay $0x1  }
0x8f: {  	v4 =	vadd.f32 v3, v4;
	v3 =	vperm.xlane v3, v1;
	_ =	sdelay $0x1  }
0x90: {  	v3 =	vadd.f32 v4, v3;
	_ =	sdelay $0x1  }
0x91: {  	v3 =	vmax.f32 v3, $1.000000000e-30  }
0x92: {  	v4 =	vshrl.u32 v3, $0x1;
	v3 =	vmul.f32 $5.000000000e-01, v3  }
0x93: {  	v4 =	vsub.s32 $0x5F3759DF, v4  }
0x94: {  	v5 =	vmul.f32 v4, v3;
	_ =	sdelay $0x1  }
0x95: {  	v5 =	vmul.f32 v4, v5;
	_ =	sdelay $0x1  }
0x96: {  	v5 =	vsub.f32 $1.500000000e+00, v5;
	_ =	sdelay $0x1  }
0x97: {  	v4 =	vmul.f32 v4, v5;
	_ =	sdelay $0x1  }
0x98: {  	v3 =	vmul.f32 v4, v3;
	_ =	sdelay $0x1  }
0x99: {  	v3 =	vmul.f32 v3, v4;
	_ =	sdelay $0x1  }
0x9a: {  	v3 =	vsub.f32 $1.500000000e+00, v3;
	_ =	sdelay $0x1  }
0x9b: {  	v3 =	vmul.f32 v3, v4;
	_ =	sdelay $0x1  }
0x9c: {  	v2 =	vmul.f32 v3, v2;
	_ =	sdelay $0x1  }
0x9d: {  	[tilespmem:s7+$0xFFFFFFF0] =	vst v2  }
0x9e: {  	v2 =	vld [tilespmem:s6+$0x0]  }
0x9f: {  	v3 =	vld [tilespmem:s9+$0x0]  }
0xa0: {  	v4 =	vld [tilespmem:s12+$0x0];
	_ =	sdelay $0x3  }
0xa1: {  	v3 =	vsub.f32 v3, v2  }
0xa2: {  	v2 =	vsub.f32 v4, v2  }
0xa3: {  	v4 =	vperm.xlane v3, v0;
	v3 =	vperm.xlane v3, v1  }
0xa4: {  	v5 =	vperm.xlane v2, v1;
	v2 =	vperm.xlane v2, v0;
	_ =	sdelay $0x1  }
0xa5: {  	v4 =	vmul.f32 v5, v4;
	v2 =	vmul.f32 v2, v3;
	_ =	sdelay $0x1  }
0xa6: {  	v2 =	vsub.f32 v4, v2;
	_ =	sdelay $0x1  }
0xa7: {  	v3 =	vmul.f32 v2, v2;
	_ =	sdelay $0x1  }
0xa8: {  	v4 =	vperm.xlane v3, v0;
	_ =	sdelay $0x1  }
0xa9: {  	v4 =	vadd.f32 v3, v4;
	v3 =	vperm.xlane v3, v1;
	_ =	sdelay $0x1  }
0xaa: {  	v3 =	vadd.f32 v4, v3;
	_ =	sdelay $0x1  }
0xab: {  	v3 =	vmax.f32 v3, $1.000000000e-30  }
0xac: {  	v4 =	vshrl.u32 v3, $0x1;
	v3 =	vmul.f32 $5.000000000e-01, v3  }
0xad: {  	v4 =	vsub.s32 $0x5F3759DF, v4  }
0xae: {  	v5 =	vmul.f32 v4, v3;
	_ =	sdelay $0x1  }
0xaf: {  	v5 =	vmul.f32 v4, v5;
	_ =	sdelay $0x1  }
0xb0: {  	v5 =	vsub.f32 $1.500000000e+00, v5;
	_ =	sdelay $0x1  }
0xb1: {  	v4 =	vmul.f32 v4, v5;
	_ =	sdelay $0x1  }
0xb2: {  	v3 =	vmul.f32 v4, v3;
	_ =	sdelay $0x1  }
0xb3: {  	v3 =	vmul.f32 v3, v4;
	_ =	sdelay $0x1  }
0xb4: {  	v3 =	vsub.f32 $1.500000000e+00, v3;
	_ =	sdelay $0x1  }
0xb5: {  	v3 =	vmul.f32 v3, v4;
	_ =	sdelay $0x1  }
0xb6: {  	v2 =	vmul.f32 v3, v2;
	_ =	sdelay $0x1  }
0xb7: {  	[tilespmem:s7+$0x0] =	vst v2  }
0xb8: {  	v2 =	vld [tilespmem:s6+$0x10]  }
0xb9: {  	v3 =	vld [tilespmem:s9+$0x10]  }
0xba: {  	v4 =	vld [tilespmem:s12+$0x10];
	_ =	sdelay $0x3  }
0xbb: {  	v3 =	vsub.f32 v3, v2  }
0xbc: {  	v2 =	vsub.f32 v4, v2  }
0xbd: {  	v4 =	vperm.xlane v3, v0;
	v3 =	vperm.xlane v3, v1  }
0xbe: {  	v5 =	vperm.xlane v2, v1;
	v2 =	vperm.xlane v2, v0;
	_ =	sdelay $0x1  }
0xbf: {  	v4 =	vmul.f32 v5, v4;
	v2 =	vmul.f32 v2, v3;
	_ =	sdelay $0x1  }
0xc0: {  	v2 =	vsub.f32 v4, v2;
	_ =	sdelay $0x1  }
0xc1: {  	v3 =	vmul.f32 v2, v2;
	_ =	sdelay $0x1  }
0xc2: {  	v4 =	vperm.xlane v3, v0;
	_ =	sdelay $0x1  }
0xc3: {  	v4 =	vadd.f32 v3, v4;
	v3 =	vperm.xlane v3, v1;
	_ =	sdelay $0x1  }
0xc4: {  	v3 =	vadd.f32 v4, v3;
	_ =	sdelay $0x1  }
0xc5: {  	v3 =	vmax.f32 v3, $1.000000000e-30  }
0xc6: {  	v4 =	vshrl.u32 v3, $0x1;
	v5 =	vmul.f32 $5.000000000e-01, v3  }
0xc7: {  	v3 =	vsub.s32 $0x5F3759DF, v4  }
0xc8: {  	v4 =	vmul.f32 v3, v5;
	_ =	sdelay $0x1  }
0xc9: {  	v4 =	vmul.f32 v3, v4;
	_ =	sdelay $0x1  }
0xca: {  	v4 =	vsub.f32 $1.500000000e+00, v4;
	_ =	sdelay $0x1  }
0xcb: {  	v3 =	vmul.f32 v3, v4  }
0xcc: {  	s2 =	simm.s32 $0x4B60  }
0xcd: {  	s8 =	simm.s32 $0xC320;
	s9 =	simm.s32 $0x0;
	s6 =	simm.s32 $0x7360;
	v4 =	vmul.f32 v3, v5  }
.LBB2_3:
0xce: {  	s9 =	sadd.s32 $0x4, s9;
	s7 =	sadd.s32 $0x40, s7;
	s12 =	sadd.s32 $0x40, s12  }
0xcf: {  	p0 =	slt.u32 s9, $0x27C;
	v4 =	vmul.f32 v4, v3;
	_ =	sdelay $0x1  }
0xd0: {  	v4 =	vsub.f32 $1.500000000e+00, v4;
	_ =	sdelay $0x1  }
0xd1: {  	v3 =	vmul.f32 v4, v3;
	_ =	sdelay $0x1  }
0xd2: {  	v2 =	vmul.f32 v3, v2;
	_ =	sdelay $0x1  }
0xd3: {  	[tilespmem:s8+$0x10] =	vst v2;
	s8 =	smov.u32 s7  }
0xd4: {  	v2 =	vld [tilespmem:s6+$0xFFFFFFE0]  }
0xd5: {  	v3 =	vld [tilespmem:s12+$0xFFFFFFE0]  }
0xd6: {  	v4 =	vld [tilespmem:s2+$0xFFFFFFE0];
	_ =	sdelay $0x4  }
0xd7: {  	v2 =	vsub.f32 v2, v4;
	v3 =	vsub.f32 v3, v4;
	_ =	sdelay $0x1  }
0xd8: {  	v4 =	vperm.xlane v2, v0;
	v5 =	vperm.xlane v3, v1  }
0xd9: {  	v2 =	vperm.xlane v2, v1;
	v3 =	vperm.xlane v3, v0  }
0xda: {  	v4 =	vmul.f32 v5, v4  }
0xdb: {  	v2 =	vmul.f32 v3, v2;
	_ =	sdelay $0x1  }
0xdc: {  	v2 =	vsub.f32 v4, v2;
	_ =	sdelay $0x1  }
0xdd: {  	v3 =	vmul.f32 v2, v2;
	_ =	sdelay $0x1  }
0xde: {  	v4 =	vperm.xlane v3, v0;
	_ =	sdelay $0x1  }
0xdf: {  	v4 =	vadd.f32 v3, v4;
	v3 =	vperm.xlane v3, v1;
	_ =	sdelay $0x1  }
0xe0: {  	v3 =	vadd.f32 v4, v3;
	_ =	sdelay $0x1  }
0xe1: {  	v3 =	vmax.f32 v3, $1.000000000e-30  }
0xe2: {  	v4 =	vshrl.u32 v3, $0x1;
	v3 =	vmul.f32 $5.000000000e-01, v3  }
0xe3: {  	v4 =	vsub.s32 $0x5F3759DF, v4  }
0xe4: {  	v5 =	vmul.f32 v4, v3;
	_ =	sdelay $0x1  }
0xe5: {  	v5 =	vmul.f32 v4, v5;
	_ =	sdelay $0x1  }
0xe6: {  	v5 =	vsub.f32 $1.500000000e+00, v5;
	_ =	sdelay $0x1  }
0xe7: {  	v4 =	vmul.f32 v4, v5;
	_ =	sdelay $0x1  }
0xe8: {  	v3 =	vmul.f32 v4, v3;
	_ =	sdelay $0x1  }
0xe9: {  	v3 =	vmul.f32 v3, v4;
	_ =	sdelay $0x1  }
0xea: {  	v3 =	vsub.f32 $1.500000000e+00, v3;
	_ =	sdelay $0x1  }
0xeb: {  	v3 =	vmul.f32 v3, v4;
	_ =	sdelay $0x1  }
0xec: {  	v2 =	vmul.f32 v3, v2;
	_ =	sdelay $0x1  }
0xed: {  	[tilespmem:s7+$0xFFFFFFE0] =	vst v2  }
0xee: {  	v2 =	vld [tilespmem:s2+$0xFFFFFFF0]  }
0xef: {  	v3 =	vld [tilespmem:s12+$0xFFFFFFF0]  }
0xf0: {  	v4 =	vld [tilespmem:s6+$0xFFFFFFF0];
	_ =	sdelay $0x3  }
0xf1: {  	v3 =	vsub.f32 v3, v2  }
0xf2: {  	v2 =	vsub.f32 v4, v2  }
0xf3: {  	v4 =	vperm.xlane v3, v1;
	v3 =	vperm.xlane v3, v0  }
0xf4: {  	v5 =	vperm.xlane v2, v0;
	v2 =	vperm.xlane v2, v1;
	_ =	sdelay $0x1  }
0xf5: {  	v4 =	vmul.f32 v4, v5;
	v2 =	vmul.f32 v3, v2;
	_ =	sdelay $0x1  }
0xf6: {  	v2 =	vsub.f32 v4, v2;
	_ =	sdelay $0x1  }
0xf7: {  	v3 =	vmul.f32 v2, v2;
	_ =	sdelay $0x1  }
0xf8: {  	v4 =	vperm.xlane v3, v0;
	_ =	sdelay $0x1  }
0xf9: {  	v4 =	vadd.f32 v3, v4;
	v3 =	vperm.xlane v3, v1;
	_ =	sdelay $0x1  }
0xfa: {  	v3 =	vadd.f32 v4, v3;
	_ =	sdelay $0x1  }
0xfb: {  	v3 =	vmax.f32 v3, $1.000000000e-30  }
0xfc: {  	v4 =	vshrl.u32 v3, $0x1;
	v3 =	vmul.f32 $5.000000000e-01, v3  }
0xfd: {  	v4 =	vsub.s32 $0x5F3759DF, v4  }
0xfe: {  	v5 =	vmul.f32 v4, v3;
	_ =	sdelay $0x1  }
0xff: {  	v5 =	vmul.f32 v4, v5;
	_ =	sdelay $0x1  }
0x100: {  	v5 =	vsub.f32 $1.500000000e+00, v5;
	_ =	sdelay $0x1  }
0x101: {  	v4 =	vmul.f32 v4, v5;
	_ =	sdelay $0x1  }
0x102: {  	v3 =	vmul.f32 v4, v3;
	_ =	sdelay $0x1  }
0x103: {  	v3 =	vmul.f32 v3, v4;
	_ =	sdelay $0x1  }
0x104: {  	v3 =	vsub.f32 $1.500000000e+00, v3;
	_ =	sdelay $0x1  }
0x105: {  	v3 =	vmul.f32 v3, v4;
	_ =	sdelay $0x1  }
0x106: {  	v2 =	vmul.f32 v3, v2;
	_ =	sdelay $0x1  }
0x107: {  	[tilespmem:s7+$0xFFFFFFF0] =	vst v2  }
0x108: {  	v2 =	vld [tilespmem:s2+$0x0]  }
0x109: {  	v3 =	vld [tilespmem:s6+$0x0]  }
0x10a: {  	v4 =	vld [tilespmem:s12+$0x0];
	_ =	sdelay $0x3  }
0x10b: {  	v3 =	vsub.f32 v3, v2  }
0x10c: {  	v2 =	vsub.f32 v4, v2  }
0x10d: {  	v4 =	vperm.xlane v3, v0;
	v3 =	vperm.xlane v3, v1  }
0x10e: {  	v5 =	vperm.xlane v2, v1;
	v2 =	vperm.xlane v2, v0;
	_ =	sdelay $0x1  }
0x10f: {  	v4 =	vmul.f32 v5, v4;
	v2 =	vmul.f32 v2, v3;
	_ =	sdelay $0x1  }
0x110: {  	v2 =	vsub.f32 v4, v2;
	_ =	sdelay $0x1  }
0x111: {  	v3 =	vmul.f32 v2, v2;
	_ =	sdelay $0x1  }
0x112: {  	v4 =	vperm.xlane v3, v0;
	_ =	sdelay $0x1  }
0x113: {  	v4 =	vadd.f32 v3, v4;
	v3 =	vperm.xlane v3, v1;
	_ =	sdelay $0x1  }
0x114: {  	v3 =	vadd.f32 v4, v3;
	_ =	sdelay $0x1  }
0x115: {  	v3 =	vmax.f32 v3, $1.000000000e-30  }
0x116: {  	v4 =	vshrl.u32 v3, $0x1;
	v3 =	vmul.f32 $5.000000000e-01, v3  }
0x117: {  	v4 =	vsub.s32 $0x5F3759DF, v4  }
0x118: {  	v5 =	vmul.f32 v4, v3;
	_ =	sdelay $0x1  }
0x119: {  	v5 =	vmul.f32 v4, v5;
	_ =	sdelay $0x1  }
0x11a: {  	v5 =	vsub.f32 $1.500000000e+00, v5;
	_ =	sdelay $0x1  }
0x11b: {  	v4 =	vmul.f32 v4, v5;
	_ =	sdelay $0x1  }
0x11c: {  	v3 =	vmul.f32 v4, v3;
	_ =	sdelay $0x1  }
0x11d: {  	v3 =	vmul.f32 v3, v4;
	_ =	sdelay $0x1  }
0x11e: {  	v3 =	vsub.f32 $1.500000000e+00, v3;
	_ =	sdelay $0x1  }
0x11f: {  	v3 =	vmul.f32 v3, v4;
	_ =	sdelay $0x1  }
0x120: {  	v2 =	vmul.f32 v3, v2;
	_ =	sdelay $0x1  }
0x121: {  	[tilespmem:s7+$0x0] =	vst v2  }
0x122: {  	v2 =	vld [tilespmem:s2+$0x10]  }
0x123: {  	v3 =	vld [tilespmem:s6+$0x10]  }
0x124: {  	v4 =	vld [tilespmem:s12+$0x10];
	_ =	sdelay $0x3  }
0x125: {  	v3 =	vsub.f32 v3, v2  }
0x126: {  	v2 =	vsub.f32 v4, v2  }
0x127: {  	v4 =	vperm.xlane v3, v0;
	v3 =	vperm.xlane v3, v1  }
0x128: {  	v5 =	vperm.xlane v2, v1;
	v2 =	vperm.xlane v2, v0;
	_ =	sdelay $0x1  }
0x129: {  	v4 =	vmul.f32 v5, v4;
	v2 =	vmul.f32 v2, v3;
	_ =	sdelay $0x1  }
0x12a: {  	v2 =	vsub.f32 v4, v2;
	_ =	sdelay $0x1  }
0x12b: {  	v3 =	vmul.f32 v2, v2;
	_ =	sdelay $0x1  }
0x12c: {  	v4 =	vperm.xlane v3, v0;
	_ =	sdelay $0x1  }
0x12d: {  	v4 =	vadd.f32 v3, v4;
	v3 =	vperm.xlane v3, v1;
	_ =	sdelay $0x1  }
0x12e: {  	v3 =	vadd.f32 v4, v3;
	_ =	sdelay $0x1  }
0x12f: {  	v3 =	vmax.f32 v3, $1.000000000e-30  }
0x130: {  	v4 =	vshrl.u32 v3, $0x1;
	v5 =	vmul.f32 $5.000000000e-01, v3  }
0x131: {  	v3 =	vsub.s32 $0x5F3759DF, v4  }
0x132: {  	v4 =	vmul.f32 v3, v5;
	_ =	sdelay $0x1  }
0x133: {  	v4 =	vmul.f32 v3, v4;
	_ =	sdelay $0x1  }
.Ltmp0:
0x134: {  	v4 =	vsub.f32 $1.500000000e+00, v4;
	(pc) =	sbr.rel @p0 .LBB2_3-.Ltmp0, $3  }
0x135: {  	_ = 	snop  }
0x136: {  	v3 =	vmul.f32 v3, v4;
	_ =	sdelay $0x1  }
0x137: {  	s2 =	sadd.s32 $0x40, s2;
	s6 =	sadd.s32 $0x40, s6;
	v4 =	vmul.f32 v3, v5  }
0x138: {  	_ = 	snop  }
0x139: {  	v4 =	vmul.f32 v4, v3;
	_ =	sdelay $0x1  }
0x13a: {  	v4 =	vsub.f32 $1.500000000e+00, v4;
	_ =	sdelay $0x1  }
0x13b: {  	v3 =	vmul.f32 v4, v3;
	_ =	sdelay $0x1  }
0x13c: {  	s2 =	sadd.s32 s4, s11;
	s0 =	sadd.s32 $0x1, s0;
	v2 =	vmul.f32 v3, v2  }
0x13d: {  	s2 =	sshll.u32 s2, $0x1;
	p0 =	sne.s32 s0, $0xA  }
.Ltmp1:
0x13e: {  	s2 =	sadd.s32 s5, s2;
	[tilespmem:s8+$0x10] =	vst v2;
	(pc) =	sbr.rel @p0 .LBB2_2-.Ltmp1, $4  }
0x13f: {  	[hbm4b:s2+s3] =	stream.linear.scatter [tilespmem:s31], [sflag:$0x2], $0x2800, $0x38;
	[tilespmem:$0xEB00] =	vst v63  }
0x140: {  	_ =	swait.ge [sflag:s10], $0x2800  }
0x141: {  	[sflag:s10] =	ssyncset.done $0x0  }
0x142: {  	[sflag:s10] =	ssyncadd.s32 $0xFFFFD800  }
0x143: {  	s2 =	rddreg [dreg:$0x8]  }
0x144: {  	s0 =	rddreg [dreg:$0x7];
	s2 =	sadd.s32 $0x1, s2  }
0x145: {  	p0 =	sne.s32 s2, s0  }
.Ltmp2:
0x146: {  	_ = 	snop;
	(pc) =	sbr.rel @p0 .LBB2_1-.Ltmp2, $1  }
0x147: {  	_ =	sdelay $0x3  }
0x148: {  	_ =	sfence.sel $0x180000  }
0x149: {  	[bflag:$0x0] =	sbarrier.arrive $0xFFFF  }
0x14a: {  	_ =	strace $0x90000047  }
0x14b: {  	s0 =	stileid.u32;
	[bflag:$0x2] =	sbarrier.arrive $0xFFFF  }
0x14c: {  	p0 =	sne.s32 s0, $0x0;
	s0 =	rddreg [dreg:$0x3]  }
0x14d: {  	s0 =	sadd.s32 @!p0 $0x100000, s0  }
0x14e: {  	[sflag:s0] =	ssyncadd.tile.s32 @!p0 $0x1;
	_ =	shalt  }
.Lfunc_end2:
_tile_overlayer_lowered:
.L_overlay_start_2:
0x14f: {  	(tag) =	ssettag $0x2  }
0x150: {  	s0 =	rddreg [dreg:$0x0];
	s2 =	stileid.u32  }
0x151: {  	s1 =	rddreg [dreg:$0x1];
	p0 =	sne.s32 s2, $0x0  }
0x152: {  	s3 =	rddreg [dreg:$0x2];
	[bflag:$0x3] =	sbarrier.arrive $0xFFFF;
	s2 =	simm.s32 @!p0 $0x1C02  }
0x153: {  	[timem:s3], [sflag:s2] =	dma.local @!p0 [hbm:s0], s1  }
0x154: {  	s0 =	simm.s32 @!p0 $0x2  }
0x155: {  	_ =	swait.ge @!p0 [sflag:s0], s1  }
0x156: {  	s1 =	ssub.s32 @!p0 $0x0, s1;
	[sflag:s0] =	ssyncset.done @!p0 $0x0  }
0x157: {  	[sflag:s0] =	ssyncadd.s32 @!p0 s1  }
0x158: {  	[bflag:$0x3] =	sbarrier.arrive $0xFFFF  }
0x159: {  	_ =	shalt  }

// kernel: kernel.8.cloned.1.call-start
scs
__scs_entry_jumppad:
0x0: {  	(pc) =	sbr.rel $0x88, $3  }
0x1: {  	(tag) =	ssettag $0x0;
	lr =	simm.s32 $0x1  }
0x2: {  	[smem:$0x3F9B] =	sst lr;
	_ =	strace $0xD0000000  }
0x3: {  	_ = 	snop  }
0x4: {  	_ = 	snop  }
0x5: {  	_ = 	snop  }
0x6: {  	_ = 	snop  }
0x7: {  	_ = 	snop  }
__scs_overlays_trampoline_lowered:
0x8: {  	[smem:$0x3FAA] =	sst s0  }
0x9: {  	[smem:$0x3FAB] =	sst s1  }
0xa: {  	[smem:$0x3FAC] =	sst s2  }
0xb: {  	[smem:$0x3FAD] =	sst s3  }
0xc: {  	[smem:$0x3FAE] =	sst s4  }
0xd: {  	[smem:$0x3FAF] =	sst s5  }
0xe: {  	[smem:$0x3FB0] =	sst s6  }
0xf: {  	[smem:$0x3FB1] =	sst s7  }
0x10: {  	[smem:$0x3FB2] =	sst s8  }
0x11: {  	[smem:$0x3FB3] =	sst s9;
	s0 =	simm.s32 @!p0 $0x0  }
0x12: {  	s1 =	sld [smem:$0x3F99];
	s0 =	simm.s32 @p0 $0x1  }
0x13: {  	[smem:$0x3FB4] =	sst s0;
	s0 =	simm.s32 @!p1 $0x0  }
0x14: {  	s2 =	sld [smem:$0x3F98];
	s0 =	simm.s32 @p1 $0x1  }
0x15: {  	[smem:$0x3FB5] =	sst s0;
	s0 =	simm.s32 @!p2 $0x0  }
0x16: {  	s3 =	sld [smem:$0x3FDB];
	s0 =	simm.s32 @p2 $0x1  }
0x17: {  	s4 =	simm.s32 $0x1BF5;
	[smem:$0x3FB7] =	sst s0  }
0x18: {  	s0 =	sld [smem:$0x3F9A];
	_ =	swait.ge [sflag:s4], $0x0  }
0x19: {  	s7 =	sld [smem:$0x3F9B]  }
0x1a: {  	s8 =	sadd.s32 $0xFFFFE003, lr  }
0x1b: {  	s9 =	sadd.s32 $0xFFFFFEF7, lr;
	s5 =	simm.s32 $0xFFFFFFFF;
	p2 =	slt.u32 s8, $0xFFFFF086  }
0x1c: {  	p1 =	slt.u32 s9, $0xF7A;
	s5 =	simm.s32 @!p2 $0x0  }
0x1d: {  	s5 =	simm.s32 @p1 $0x1;
	p0 =	seq.s32 s7, s2  }
0x1e: {  	s7 =	smul.u32 @!p0 $0xF7A, s2;
	p2 =	seq.s32 @!p0 s5, $0x0  }
0x1f: {  	s9 =	smul.u32 $0xF7A, s1;
	s8 =	simm.s32 @!p0 $0x1BF5;
	p2 =	por !p2, p0  }
0x20: {  	[sflag:s8] =	ssyncset.s32 @!p0 $0xFFFFF086;
	s6 =	sadd.s32 @!p0 s3, s7;
	s7 =	simm.s32 @!p0 $0x108  }
0x21: {  	s3 =	sadd.s32 s3, s9;
	s6 =	sadd.s32 @!p0 $0x88, s6;
	s7 =	simm.s32 @p2 $0x1082  }
0x22: {  	[simem:s7], [sflag:s8] =	dma.local @!p0 [hbm:s6], $0xF7A  }
0x23: {  	s9 =	sor.u32 $0xD0000000, s2;
	s6 =	simm.s32 $0x108;
	_ =	swait.ge @!p0 [sflag:s8], $0x0  }
0x24: {  	s3 =	sadd.s32 $0x88, s3;
	s6 =	simm.s32 @!p1 $0x1082;
	[sflag:s4] =	ssyncset.s32 $0xFFFFF086  }
0x25: {  	[simem:s6], [sflag:s4] =	dma.local [hbm:s3], $0xF7A  }
0x26: {  	[smem:$0x3F9B] =	sst s1;
	(tag) =	ssettag s2;
	_ =	strace s9  }
0x27: {  	s1 =	sld [smem:$0x3FAB]  }
0x28: {  	s2 =	sld [smem:$0x3FAC]  }
0x29: {  	s4 =	sld [smem:$0x3FAE]  }
0x2a: {  	p0 =	seq.s32 s5, $0x0;
	s5 =	sld [smem:$0x3FAF]  }
0x2b: {  	s6 =	sld [smem:$0x3FB0]  }
0x2c: {  	s7 =	sld [smem:$0x3FB1]  }
0x2d: {  	s3 =	simm.s32 $0x108;
	s8 =	sld [smem:$0x3FB2]  }
0x2e: {  	s3 =	simm.s32 @!p0 $0x1082;
	s9 =	sld [smem:$0x3FB3]  }
0x2f: {  	lr =	sadd.s32 s0, s3;
	s0 =	sld [smem:$0x3FAA]  }
0x30: {  	s3 =	sld [smem:$0x3FAD]  }
0x31: {  	[smem:$0x3FB6] =	sst s10  }
0x32: {  	s10 =	sld [smem:$0x3FB4];
	_ =	sdelay $0x3  }
0x33: {  	p0 =	seq.s32 s10, $0x1;
	s10 =	sld [smem:$0x3FB6];
	_ =	sdelay $0x3  }
0x34: {  	[smem:$0x3FB6] =	sst s10  }
0x35: {  	s10 =	sld [smem:$0x3FB5];
	_ =	sdelay $0x3  }
0x36: {  	p1 =	seq.s32 s10, $0x1;
	s10 =	sld [smem:$0x3FB6];
	_ =	sdelay $0x3  }
0x37: {  	[smem:$0x3FB6] =	sst s10  }
0x38: {  	s10 =	sld [smem:$0x3FB7]  }
0x39: {  	_ = 	snop;
	(pc) =	sbr.ind lr, $3  }
0x3a: {  	_ = 	snop  }
0x3b: {  	_ = 	snop  }
0x3c: {  	p2 =	seq.s32 s10, $0x1;
	s10 =	sld [smem:$0x3FB6]  }
0x3d: {  	_ =	shalt  }
0x3e: {  	_ =	shalt  }
0x3f: {  	_ =	shalt  }
0x40: {  	_ =	shalt  }
0x41: {  	_ =	shalt  }
0x42: {  	_ =	shalt  }
0x43: {  	_ =	shalt  }
0x44: {  	_ =	shalt  }
0x45: {  	_ =	shalt  }
0x46: {  	_ =	shalt  }
0x47: {  	_ =	shalt  }
0x48: {  	_ =	shalt  }
0x49: {  	_ =	shalt  }
0x4a: {  	_ =	shalt  }
0x4b: {  	_ =	shalt  }
0x4c: {  	_ =	shalt  }
0x4d: {  	_ =	shalt  }
0x4e: {  	_ =	shalt  }
0x4f: {  	_ =	shalt  }
0x50: {  	_ =	shalt  }
0x51: {  	_ =	shalt  }
0x52: {  	_ =	shalt  }
0x53: {  	_ =	shalt  }
0x54: {  	_ =	shalt  }
0x55: {  	_ =	shalt  }
0x56: {  	_ =	shalt  }
0x57: {  	_ =	shalt  }
0x58: {  	_ =	shalt  }
0x59: {  	_ =	shalt  }
0x5a: {  	_ =	shalt  }
0x5b: {  	_ =	shalt  }
0x5c: {  	_ =	shalt  }
0x5d: {  	_ =	shalt  }
0x5e: {  	_ =	shalt  }
0x5f: {  	_ =	shalt  }
0x60: {  	_ =	shalt  }
0x61: {  	_ =	shalt  }
0x62: {  	_ =	shalt  }
0x63: {  	_ =	shalt  }
0x64: {  	_ =	shalt  }
0x65: {  	_ =	shalt  }
0x66: {  	_ =	shalt  }
0x67: {  	_ =	shalt  }
0x68: {  	_ =	shalt  }
0x69: {  	_ =	shalt  }
0x6a: {  	_ =	shalt  }
0x6b: {  	_ =	shalt  }
0x6c: {  	_ =	shalt  }
0x6d: {  	_ =	shalt  }
0x6e: {  	_ =	shalt  }
0x6f: {  	_ =	shalt  }
0x70: {  	_ =	shalt  }
0x71: {  	_ =	shalt  }
0x72: {  	_ =	shalt  }
0x73: {  	_ =	shalt  }
0x74: {  	_ =	shalt  }
0x75: {  	_ =	shalt  }
0x76: {  	_ =	shalt  }
0x77: {  	_ =	shalt  }
0x78: {  	_ =	shalt  }
0x79: {  	_ =	shalt  }
0x7a: {  	_ =	shalt  }
0x7b: {  	_ =	shalt  }
0x7c: {  	_ =	shalt  }
0x7d: {  	_ =	shalt  }
0x7e: {  	_ =	shalt  }
0x7f: {  	_ =	shalt  }
0x80: {  	_ =	shalt  }
0x81: {  	_ =	shalt  }
0x82: {  	_ =	shalt  }
0x83: {  	_ =	shalt  }
0x84: {  	_ =	shalt  }
0x85: {  	_ =	shalt  }
0x86: {  	_ =	shalt  }
0x87: {  	_ =	shalt  }
.Lfunc_end0:
.L_simem_size_0:
called_computation.1_lowered:
.L_overlay_start_0:
0x88: {  	s2 =	sld [smem:$0x3FD9]  }
0x89: {  	s3 =	sld [smem:$0x3FFE];
	_ =	sdelay $0x1  }
0x8a: {  	s1 =	srdreg.scid  }
0x8b: {  	s0 =	sand.u32 $0x1, s1  }
0x8c: {  	s14 =	sshll.u32 s0, $0xA;
	s2 =	sadd.s32 s3, s2  }
0x8d: {  	s2 =	sadd.s32 s2, s14  }
0x8e: {  	[smem:$0x3FC2] =	sst s2  }
0x8f: {  	_ = 	snop  }
0x90: {  	s2 =	sld [smem:$0x3FD0];
	_ =	sdelay $0x2  }
0x91: {  	s15 =	simm.s32 $0xA;
	s4 =	simm.s32 $0x10  }
0x92: {  	[smem:s4], [sflag:s15] =	dma.local [hbm:s2], $0x1  }
0x93: {  	_ =	swait.eq [sflag:s15], $0x1  }
0x94: {  	[sflag:s15] =	ssyncset.done $0x0  }
0x95: {  	[sflag:s15] =	ssyncadd.s32 $0xFFFFFFFF  }
0x96: {  	s16 =	sld [smem:$0x12];
	(tm) =	ssettm $0x1  }
0x97: {  	s17 =	sld [smem:$0x3FFB];
	_ =	sdelay $0x3  }
0x98: {  	_ =	strace s17  }
0x99: {  	s3 =	sld [smem:$0x3FFC];
	_ =	sdelay $0x3  }
0x9a: {  	_ =	strace s3  }
0x9b: {  	s3 =	sld [smem:$0x3FFD];
	_ =	sdelay $0x3  }
0x9c: {  	_ =	strace s3  }
0x9d: {  	_ =	strace $0x8FFFFFFF  }
0x9e: {  	s18 =	sld [smem:$0x3FDB];
	_ =	sdelay $0x1  }
0x9f: {  	s19 =	simm.s32 $_scs_section_size  }
0xa0: {  	s5 =	simm.s32 $_size__tile_overlayer_lowered;
	s6 =	simm.s32 $_tile_overlayer_lowered  }
0xa1: {  	s22 =	simm.s32 $0x1BFF;
	s21 =	sshll.u32 s6, $0x1;
	s3 =	sadd.s32 s19, s18  }
0xa2: {  	s7 =	simm.s32 $0x0;
	s20 =	sshll.u32 s5, $0x1;
	s5 =	sadd.s32 s21, s3  }
0xa3: {  	[timem:s7], [sflag:s22] =	dma.local [hbm:s5], s20  }
0xa4: {  	_ =	swait.ge [sflag:s22], s20  }
0xa5: {  	s4 =	ssub.s32 $0x0, s20;
	[sflag:s22] =	ssyncset.done $0x0  }
0xa6: {  	[sflag:s22] =	ssyncadd.s32 s4;
	_ =	sdelay $0x1  }
0xa7: {  	s23 =	simm.s32 $0x1B8B  }
0xa8: {  	_ =	swait.ge [sflag:s23], $0x1  }
0xa9: {  	[sflag:s23] =	ssyncset.done $0x0  }
0xaa: {  	s25 =	simm.s32 $0x1B8E;
	s24 =	sld [smem:$0x3FFE];
	[sflag:s23] =	ssyncadd.s32 $0xFFFFFFFF  }
0xab: {  	s26 =	simm.s32 $execute0_lowered;
	[smem:$0x3FD2] =	sst s25  }
0xac: {  	s5 =	sshll.u32 s26, $0x1;
	_ =	strace $0x80000049;
	[dreg:$0x1] =	wrdreg $0xFFFFFFFF  }
0xad: {  	s28 =	simm.s32 $_size_execute0_lowered;
	s3 =	sadd.s32 s3, s5;
	[dreg:$0x0] =	wrdreg $0x0  }
0xae: {  	s5 =	sshll.u32 s28, $0x1;
	[dreg:$0x2] =	wrdreg s3  }
0xaf: {  	[dreg:$0x3] =	wrdreg s5  }
0xb0: {  	[dreg:$0x4] =	wrdreg $0xC0  }
0xb1: {  	_ =	task [dreg:s7], $0x5FFFF  }
0xb2: {  	[dreg:$0x1] =	wrdreg $0xFFFFFFFF  }
0xb3: {  	[dreg:$0x0] =	wrdreg $0x60  }
0xb4: {  	[dreg:$0x2] =	wrdreg s24  }
0xb5: {  	[dreg:$0x3] =	wrdreg s16  }
0xb6: {  	[dreg:$0x4] =	wrdreg $0x9  }
0xb7: {  	_ =	task.clear_ibuf [dreg:s7], $0x5FFFF;
	_ =	strace $0x90000049  }
0xb8: {  	s29 =	simm.s32 $0x9;
	_ =	strace $0x8000004B  }
0xb9: {  	_ =	swait.ge [sflag:s29], $0x1  }
0xba: {  	[sflag:s29] =	ssyncadd.s32 $0xFFFFFFFF  }
0xbb: {  	_ =	strace $0x9000004B  }
0xbc: {  	_ =	sfence  }
0xbd: {  	s30 =	sld [smem:$0x0];
	_ =	sdelay $0x2  }
0xbe: {  	s31 =	sshll.u32 s1, $0xD;
	s1 =	sshrl.u32 s1, $0x2  }
0xbf: {  	s3 =	sand.u32 $0x4000, s31;
	s1 =	sadd.s32 s1, s30  }
0xc0: {  	s0 =	sor.u32 s3, s0;
	s1 =	sshll.u32 s1, $0x11  }
0xc1: {  	s0 =	sor.u32 s1, s0  }
0xc2: {  	s0 =	sadd.s32 $0x8F2B, s0  }
0xc3: {  	[sflag:s0] =	ssyncadd.remote.s32 $0x1  }
0xc4: {  	_ =	sfence.sel $0xFFFF  }
0xc5: {  	[dreg:$0x0] =	wrdreg $0xFFFFFFFF;
	(pc) =	sbr.abs _section_cstart, $3  }
0xc6: {  	[dreg:$0x1] =	wrdreg $0xFFFFFFFF  }
0xc7: {  	_ =	task.clear_ibuf [dreg:s7], $0x2FFFF;
	_ =	strace $0x9FFFFFFF  }
0xc8: {  	(tm) =	ssettm $0x7FFFFFFF  }
0xc9: {  	_ =	shalt  }
tec
execute0_lowered:
.L_overlay_start_1:
0x0: {  	(tag) =	ssettag $0x1  }
0x1: {  	s0 =	rddreg [dreg:$0x0]  }
0x2: {  	s1 =	rddreg [dreg:$0x1]  }
0x3: {  	s2 =	simm.s32 $0x0;
	s3 =	srdreg.scid;
	s5 =	stileid.u32  }
0x4: {  	v0 =	vimm.s32 $0xFCEDB8A9;
	s10 =	simm.s32 $0x80;
	s11 =	simm.s32 $0xC80;
	s12 =	simm.s32 $0x1480  }
0x5: {  	v1 =	vimm.s32 $0x74653021;
	s13 =	simm.s32 $0x1C80;
	s14 =	simm.s32 $0x2480;
	s15 =	simm.s32 $0x2C80  }
0x6: {  	v2 =	vimm.s32 $0xFDCEB98A;
	v3 =	vimm.s32 $0x75463102;
	s16 =	simm.s32 $0x3480;
	s17 =	simm.s32 $0x1;
	s18 =	simm.s32 $0x5C80;
	v0 =	vunpack.c.l.s4.s8 v0  }
0x7: {  	s19 =	simm.s32 $0x8480;
	s20 =	simm.s32 $0x8700;
	s21 =	simm.s32 $0x8980;
	v1 =	vunpack.c.l.s4.s8 v1;
	v2 =	vunpack.c.l.s4.s8 v2;
	v3 =	vunpack.c.l.s4.s8 v3  }
0x8: {  	s22 =	simm.s32 $0x8C00;
	s23 =	simm.s32 $0x0;
	[smem:$0x7FF] =	sst s2;
	v0 =	vunpack.c.0.s8.s32 v0  }
0x9: {  	s4 =	sand.u32 $0x1, s3;
	s30 =	sshll.u32 s5, $0x1;
	s3 =	sadd.s32 $0x1600, s0;
	v1 =	vunpack.c.0.s8.s32 v1;
	v2 =	vunpack.c.0.s8.s32 v2;
	v3 =	vunpack.c.0.s8.s32 v3  }
0xa: {  	s5 =	sadd.s32 $0x65600, s0;
	s7 =	sor.u32 s4, s30;
	s6 =	ssub.s32 $0x2, s4  }
0xb: {  	_ =	strace $0x8000004A;
	s8 =	smul.u32 $0x190, s7;
	s9 =	sshrl.u32 s6, $0x1;
	v0 =	vcombine.low v1, v0;
	v1 =	vcombine.low v3, v2  }
0xc: {  	s4 =	sadd.s32 $0x1F5600, s0;
	s7 =	smul.u32 $0xC80, s7;
	s31 =	ssub.s32 s6, s9;
	v2 =	vlaneseq.u32  }
0xd: {  	s9 =	simm.s32 $0x2;
	s6 =	sadd.s32 s1, s8;
	s8 =	smax.u32 s31, $0x1;
	v2 =	vmul.u32 $0x10, v2;
	v0 =	vand.u32 $0xF, v0;
	v1 =	vand.u32 $0xF, v1  }
.LBB2_1:
0xe: {  	[tilespmem:s2], [sflag:$0x2] =	stream.linear.gather [hbm4b:s6+s2], $0xC80, $0x38;
	[tilespmem:$0x8E80] =	vst v63  }
0xf: {  	_ =	swait.ge [sflag:s9], $0xC80  }
0x10: {  	[sflag:s9] =	ssyncset.done $0x0  }
0x11: {  	s24 =	simm.s32 $0x0;
	[sflag:s9] =	ssyncadd.s32 $0xFFFFF380  }
.LBB2_2:
0x12: {  	s0 =	smul.u32 $0xA00, s24;
	_ =	sdelay $0x1  }
0x13: {  	s0 =	sshra.s32 s0, $0x2  }
0x14: {  	[tilespmem:s11], [sflag:$0x1] =	stream.indirect.gather [hbm4b:s3+s10], $0x10, s0, s10, $0xb8;
	[tilespmem:$0x8E80] =	vst v63  }
0x15: {  	s1 =	sadd.s32 $0x80, s0  }
0x16: {  	[tilespmem:s12], [sflag:$0x1] =	stream.indirect.gather [hbm4b:s3+s10], $0x10, s1, s10, $0xb8;
	[tilespmem:$0x8E80] =	vst v63  }
0x17: {  	s26 =	sadd.s32 $0x100, s0  }
0x18: {  	[tilespmem:s13], [sflag:$0x1] =	stream.indirect.gather [hbm4b:s3+s10], $0x10, s26, s10, $0xb8;
	[tilespmem:$0x8E80] =	vst v63  }
0x19: {  	s30 =	smul.u32 $0x280, s24;
	s25 =	sadd.s32 $0x180, s0  }
0x1a: {  	[tilespmem:s14], [sflag:$0x1] =	stream.indirect.gather [hbm4b:s3+s10], $0x10, s25, s10, $0xb8;
	[tilespmem:$0x8E80] =	vst v63  }
0x1b: {  	s25 =	sadd.s32 s7, s30  }
0x1c: {  	s0 =	sadd.s32 $0x200, s0;
	s26 =	sshll.u32 s25, $0x1  }
0x1d: {  	[tilespmem:s15], [sflag:$0x1] =	stream.indirect.gather [hbm4b:s3+s10], $0x10, s0, s10, $0xb8;
	[tilespmem:$0x8E80] =	vst v63  }
0x1e: {  	s0 =	sadd.s32 s4, s26  }
0x1f: {  	[tilespmem:s16], [sflag:$0x2] =	stream.linear.gather [hbm4b:s0+s2], $0x2800, $0x38;
	[tilespmem:$0x8E80] =	vst v63  }
0x20: {  	_ =	swait.ge [sflag:s9], $0x2800  }
0x21: {  	[sflag:s9] =	ssyncset.done $0x0  }
0x22: {  	[sflag:s9] =	ssyncadd.s32 $0xFFFFD800  }
0x23: {  	_ =	swait.ge [sflag:s17], $0x800  }
0x24: {  	[sflag:s17] =	ssyncset.done $0x0  }
0x25: {  	[sflag:s17] =	ssyncadd.s32 $0xFFFFF800  }
0x26: {  	_ =	swait.ge [sflag:s17], $0x800  }
0x27: {  	[sflag:s17] =	ssyncset.done $0x0  }
0x28: {  	[sflag:s17] =	ssyncadd.s32 $0xFFFFF800  }
0x29: {  	_ =	swait.ge [sflag:s17], $0x800  }
0x2a: {  	[sflag:s17] =	ssyncset.done $0x0  }
0x2b: {  	[sflag:s17] =	ssyncadd.s32 $0xFFFFF800  }
0x2c: {  	_ =	swait.ge [sflag:s17], $0x800  }
0x2d: {  	[sflag:s17] =	ssyncset.done $0x0  }
0x2e: {  	[sflag:s17] =	ssyncadd.s32 $0xFFFFF800  }
0x2f: {  	_ =	swait.ge [sflag:s17], $0x800  }
0x30: {  	[sflag:s17] =	ssyncset.done $0x0  }
0x31: {  	s30 =	simm.s32 $0xCA0;
	[sflag:s17] =	ssyncadd.s32 $0xFFFFF800  }
0x32: {  	s26 =	simm.s32 $0x34A0;
	v3 =	vld [tilespmem:s30+$0xFFFFFFE0]  }
0x33: {  	v4 =	vld [tilespmem:s26+$0xFFFFFFE0];
	_ =	sdelay $0x4  }
0x34: {  	v3 =	vmul.f32 v4, v3;
	_ =	sdelay $0x1  }
0x35: {  	v4 =	vperm.xlane v3, v0;
	_ =	sdelay $0x1  }
0x36: {  	v4 =	vadd.f32 v4, v3;
	v3 =	vperm.xlane v3, v1;
	_ =	sdelay $0x1  }
0x37: {  	v3 =	vadd.f32 v3, v4;
	_ =	sdelay $0x1  }
0x38: {  	v3 =	vsub.f32 $0.0e+00, v3;
	_ =	sdelay $0x1  }
0x39: {  	vm0 =	vlt.f32 v3, $9.999999770e-03  }
0x3a: {  	s28 =	simm.s32 $0x5CA0;
	v3 =	vsel vm0, $0xBF800000, v3  }
0x3b: {  	[tilespmem:s28+$0xFFFFFFE0] =	vst v3  }
0x3c: {  	v3 =	vld [tilespmem:s30+$0xFFFFFFF0]  }
0x3d: {  	v4 =	vld [tilespmem:s26+$0xFFFFFFF0];
	_ =	sdelay $0x4  }
0x3e: {  	v3 =	vmul.f32 v4, v3;
	_ =	sdelay $0x1  }
0x3f: {  	v4 =	vperm.xlane v3, v0;
	_ =	sdelay $0x1  }
0x40: {  	v5 =	vperm.xlane v3, v1;
	v3 =	vadd.f32 v4, v3;
	_ =	sdelay $0x1  }
0x41: {  	v3 =	vadd.f32 v5, v3;
	_ =	sdelay $0x1  }
0x42: {  	v3 =	vsub.f32 $0.0e+00, v3;
	_ =	sdelay $0x1  }
0x43: {  	vm14 =	vlt.f32 v3, $9.999999770e-03  }
0x44: {  	v3 =	vsel vm14, $0xBF800000, v3  }
0x45: {  	[tilespmem:s28+$0xFFFFFFF0] =	vst v3  }
0x46: {  	v3 =	vld [tilespmem:s30+$0x0]  }
0x47: {  	v4 =	vld [tilespmem:s26+$0x0];
	_ =	sdelay $0x4  }
0x48: {  	v3 =	vmul.f32 v4, v3;
	_ =	sdelay $0x1  }
0x49: {  	v4 =	vperm.xlane v3, v0;
	_ =	sdelay $0x1  }
0x4a: {  	v5 =	vperm.xlane v3, v1;
	v3 =	vadd.f32 v4, v3;
	_ =	sdelay $0x1  }
0x4b: {  	v3 =	vadd.f32 v5, v3;
	_ =	sdelay $0x1  }
0x4c: {  	v3 =	vsub.f32 $0.0e+00, v3;
	_ =	sdelay $0x1  }
0x4d: {  	vm15 =	vlt.f32 v3, $9.999999770e-03  }
0x4e: {  	v3 =	vsel vm15, $0xBF800000, v3  }
0x4f: {  	[tilespmem:s28+$0x0] =	vst v3  }
0x50: {  	v3 =	vld [tilespmem:s30+$0x10]  }
0x51: {  	v4 =	vld [tilespmem:s26+$0x10];
	_ =	sdelay $0x4  }
0x52: {  	v3 =	vmul.f32 v4, v3;
	_ =	sdelay $0x1  }
0x53: {  	v4 =	vperm.xlane v3, v0;
	_ =	sdelay $0x1  }
0x54: {  	v5 =	vperm.xlane v3, v1;
	v3 =	vadd.f32 v4, v3;
	_ =	sdelay $0x1  }
0x55: {  	v3 =	vadd.f32 v5, v3;
	_ =	sdelay $0x1  }
0x56: {  	s31 =	simm.s32 $0x0;
	s29 =	simm.s32 $0x5CA0;
	s0 =	simm.s32 $0xCE0;
	v3 =	vsub.f32 $0.0e+00, v3  }
.LBB2_3:
0x57: {  	s31 =	sadd.s32 $0x4, s31;
	s28 =	sadd.s32 $0x40, s28;
	s26 =	sadd.s32 $0x40, s26  }
0x58: {  	p0 =	slt.u32 s31, $0x27C;
	vm0 =	vlt.f32 v3, $9.999999770e-03  }
0x59: {  	v3 =	vsel vm0, $0xBF800000, v3  }
0x5a: {  	[tilespmem:s29+$0x10] =	vst v3;
	s29 =	smov.u32 s28  }
0x5b: {  	v3 =	vld [tilespmem:s0+$0xFFFFFFE0]  }
0x5c: {  	v4 =	vld [tilespmem:s26+$0xFFFFFFE0];
	_ =	sdelay $0x4  }
0x5d: {  	v3 =	vmul.f32 v4, v3;
	_ =	sdelay $0x1  }
0x5e: {  	v4 =	vperm.xlane v3, v0;
	_ =	sdelay $0x1  }
0x5f: {  	v4 =	vadd.f32 v4, v3;
	v3 =	vperm.xlane v3, v1;
	_ =	sdelay $0x1  }
0x60: {  	v3 =	vadd.f32 v3, v4;
	_ =	sdelay $0x1  }
0x61: {  	v3 =	vsub.f32 $0.0e+00, v3;
	_ =	sdelay $0x1  }
0x62: {  	vm0 =	vlt.f32 v3, $9.999999770e-03  }
0x63: {  	v3 =	vsel vm0, $0xBF800000, v3  }
0x64: {  	[tilespmem:s28+$0xFFFFFFE0] =	vst v3  }
0x65: {  	v3 =	vld [tilespmem:s0+$0xFFFFFFF0]  }
0x66: {  	v4 =	vld [tilespmem:s26+$0xFFFFFFF0];
	_ =	sdelay $0x4  }
0x67: {  	v3 =	vmul.f32 v4, v3;
	_ =	sdelay $0x1  }
0x68: {  	v4 =	vperm.xlane v3, v0  }
0x69: {  	v5 =	vperm.xlane v3, v1  }
0x6a: {  	v3 =	vadd.f32 v4, v3;
	_ =	sdelay $0x1  }
0x6b: {  	v3 =	vadd.f32 v5, v3;
	_ =	sdelay $0x1  }
0x6c: {  	v3 =	vsub.f32 $0.0e+00, v3;
	_ =	sdelay $0x1  }
0x6d: {  	vm0 =	vlt.f32 v3, $9.999999770e-03  }
0x6e: {  	v3 =	vsel vm0, $0xBF800000, v3  }
0x6f: {  	[tilespmem:s28+$0xFFFFFFF0] =	vst v3  }
0x70: {  	v3 =	vld [tilespmem:s0+$0x0]  }
0x71: {  	v4 =	vld [tilespmem:s26+$0x0];
	_ =	sdelay $0x4  }
0x72: {  	v3 =	vmul.f32 v4, v3;
	_ =	sdelay $0x1  }
0x73: {  	v4 =	vperm.xlane v3, v0;
	v5 =	vperm.xlane v3, v1;
	_ =	sdelay $0x1  }
0x74: {  	v3 =	vadd.f32 v4, v3;
	_ =	sdelay $0x1  }
0x75: {  	v3 =	vadd.f32 v5, v3;
	_ =	sdelay $0x1  }
0x76: {  	v3 =	vsub.f32 $0.0e+00, v3;
	_ =	sdelay $0x1  }
0x77: {  	vm0 =	vlt.f32 v3, $9.999999770e-03  }
0x78: {  	v3 =	vsel vm0, $0xBF800000, v3  }
0x79: {  	[tilespmem:s28+$0x0] =	vst v3  }
0x7a: {  	v3 =	vld [tilespmem:s0+$0x10]  }
0x7b: {  	v4 =	vld [tilespmem:s26+$0x10];
	_ =	sdelay $0x4  }
0x7c: {  	v3 =	vmul.f32 v4, v3;
	_ =	sdelay $0x1  }
0x7d: {  	v4 =	vperm.xlane v3, v0;
	v5 =	vperm.xlane v3, v1;
	_ =	sdelay $0x1  }
.Ltmp0:
0x7e: {  	v3 =	vadd.f32 v4, v3;
	(pc) =	sbr.rel @p0 .LBB2_3-.Ltmp0, $4  }
0x7f: {  	_ = 	snop  }
0x80: {  	v3 =	vadd.f32 v5, v3  }
0x81: {  	s30 =	simm.s32 $0x8980  }
0x82: {  	s1 =	simm.s32 $0x0;
	s0 =	sadd.s32 $0x40, s0;
	v3 =	vsub.f32 $0.0e+00, v3  }
0x83: {  	v4 =	vmov s1  }
0x84: {  	v4 =	vshll.u32 v4, $0x4  }
0x85: {  	v4 =	vor.u32 v2, v4;
	_ =	sdelay $0x1  }
0x86: {  	vm0 =	vlt.f32 v3, $9.999999770e-03  }
0x87: {  	v3 =	vsel vm0, $0xBF800000, v3  }
0x88: {  	[tilespmem:s29+$0x10] =	vst v3  }
0x89: {  	v3 =	vld.idx.msk [tilespmem:v4+s18+$0x0], $0xffff  }
0x8a: {  	v5 =	vor.u32 $0x4, v4;
	_ =	sdelay $0x3  }
0x8b: {  	[tilespmem:s30+$0xFFFFFB00] =	vst v3  }
0x8c: {  	v3 =	vld.idx.msk [tilespmem:v5+s18+$0x0], $0xffff  }
0x8d: {  	v5 =	vor.u32 $0x8, v4;
	_ =	sdelay $0x3  }
0x8e: {  	[tilespmem:s30+$0xFFFFFD80] =	vst v3  }
0x8f: {  	v3 =	vld.idx.msk [tilespmem:v5+s18+$0x0], $0xffff  }
0x90: {  	v4 =	vor.u32 $0xC, v4;
	_ =	sdelay $0x2  }
0x91: {  	s0 =	simm.s32 $0x10  }
0x92: {  	[tilespmem:s30+$0x0] =	vst v3;
	v3 =	vmov s0  }
0x93: {  	v4 =	vld.idx.msk [tilespmem:v4+s18+$0x0], $0xffff;
	v3 =	vshll.u32 v3, $0x4  }
0x94: {  	v3 =	vor.u32 v2, v3;
	_ =	sdelay $0x3  }
0x95: {  	[tilespmem:s30+$0x280] =	vst v4  }
0x96: {  	v4 =	vld.idx.msk [tilespmem:v3+s18+$0x0], $0xffff  }
0x97: {  	v5 =	vor.u32 $0x4, v3;
	_ =	sdelay $0x3  }
0x98: {  	[tilespmem:s30+$0xFFFFFB10] =	vst v4  }
0x99: {  	v4 =	vld.idx.msk [tilespmem:v5+s18+$0x0], $0xffff  }
0x9a: {  	v5 =	vor.u32 $0x8, v3;
	_ =	sdelay $0x3  }
0x9b: {  	[tilespmem:s30+$0xFFFFFD90] =	vst v4  }
0x9c: {  	v4 =	vld.idx.msk [tilespmem:v5+s18+$0x0], $0xffff  }
0x9d: {  	v3 =	vor.u32 $0xC, v3;
	_ =	sdelay $0x3  }
0x9e: {  	s26 =	simm.s32 $0x20;
	s0 =	simm.s32 $0x0;
	[tilespmem:s30+$0x10] =	vst v4  }
.LBB2_5:
0x9f: {  	v4 =	vmov s26;
	s0 =	sadd.s32 $0x2, s0;
	v3 =	vld.idx.msk [tilespmem:v3+s18+$0x0], $0xffff  }
0xa0: {  	v4 =	vshll.u32 v4, $0x4;
	p0 =	slt.u32 s0, $0x26  }
0xa1: {  	v4 =	vor.u32 v2, v4;
	_ =	sdelay $0x3  }
0xa2: {  	[tilespmem:s30+$0x290] =	vst v3  }
0xa3: {  	v3 =	vld.idx.msk [tilespmem:v4+s18+$0x0], $0xffff;
	_ =	sdelay $0x1  }
0xa4: {  	v5 =	vor.u32 $0x4, v4;
	_ =	sdelay $0x2  }
0xa5: {  	s30 =	sadd.s32 $0x20, s30  }
0xa6: {  	[tilespmem:s30+$0xFFFFFB00] =	vst v3  }
0xa7: {  	v3 =	vld.idx.msk [tilespmem:v5+s18+$0x0], $0xffff;
	_ =	sdelay $0x1  }
0xa8: {  	v5 =	vor.u32 $0x8, v4;
	_ =	sdelay $0x3  }
0xa9: {  	[tilespmem:s30+$0xFFFFFD80] =	vst v3  }
0xaa: {  	v3 =	vld.idx.msk [tilespmem:v5+s18+$0x0], $0xffff;
	_ =	sdelay $0x1  }
0xab: {  	v4 =	vor.u32 $0xC, v4;
	_ =	sdelay $0x3  }
0xac: {  	s1 =	sadd.s32 $0x10, s26;
	[tilespmem:s30+$0x0] =	vst v3  }
0xad: {  	v3 =	vld.idx.msk [tilespmem:v4+s18+$0x0], $0xffff;
	v4 =	vmov s1  }
0xae: {  	v4 =	vshll.u32 v4, $0x4  }
0xaf: {  	v4 =	vor.u32 v2, v4;
	_ =	sdelay $0x3  }
0xb0: {  	[tilespmem:s30+$0x280] =	vst v3  }
0xb1: {  	v3 =	vld.idx.msk [tilespmem:v4+s18+$0x0], $0xffff;
	_ =	sdelay $0x1  }
0xb2: {  	v5 =	vor.u32 $0x4, v4;
	_ =	sdelay $0x3  }
0xb3: {  	[tilespmem:s30+$0xFFFFFB10] =	vst v3  }
0xb4: {  	v3 =	vld.idx.msk [tilespmem:v5+s18+$0x0], $0xffff;
	_ =	sdelay $0x1  }
0xb5: {  	v5 =	vor.u32 $0x8, v4;
	_ =	sdelay $0x3  }
0xb6: {  	[tilespmem:s30+$0xFFFFFD90] =	vst v3  }
0xb7: {  	v5 =	vld.idx.msk [tilespmem:v5+s18+$0x0], $0xffff;
	_ =	sdelay $0x1  }
.Ltmp1:
0xb8: {  	v3 =	vor.u32 $0xC, v4;
	(pc) =	sbr.rel @p0 .LBB2_5-.Ltmp1, $2  }
0xb9: {  	_ =	sdelay $0x2  }
0xba: {  	s26 =	sadd.s32 $0x20, s26;
	[tilespmem:s30+$0x10] =	vst v5  }
0xbb: {  	_ =	sdelay $0x3  }
0xbc: {  	v3 =	vld.idx.msk [tilespmem:v3+s18+$0x0], $0xffff;
	_ =	sdelay $0x3  }
0xbd: {  	s0 =	sshrl.u32 s25, $0x3  }
0xbe: {  	s0 =	sadd.s32 s5, s0;
	[tilespmem:s30+$0x290] =	vst v3  }
0xbf: {  	[hbm4b:s0+s2] =	stream.linear.scatter [tilespmem:s19], [sflag:$0x2], $0x280, $0x38;
	[tilespmem:$0x8E80] =	vst v63  }
0xc0: {  	_ =	swait.ge [sflag:s9], $0x280  }
0xc1: {  	[sflag:s9] =	ssyncset.done $0x0  }
0xc2: {  	s1 =	sadd.s32 $0x3200, s0;
	[sflag:s9] =	ssyncadd.s32 $0xFFFFFD80  }
0xc3: {  	[hbm4b:s1+s2] =	stream.linear.scatter [tilespmem:s20], [sflag:$0x2], $0x280, $0x38;
	[tilespmem:$0x8E80] =	vst v63  }
0xc4: {  	_ =	swait.ge [sflag:s9], $0x280  }
0xc5: {  	[sflag:s9] =	ssyncset.done $0x0  }
0xc6: {  	s31 =	sadd.s32 $0x6400, s0;
	[sflag:s9] =	ssyncadd.s32 $0xFFFFFD80  }
0xc7: {  	[hbm4b:s31+s2] =	stream.linear.scatter [tilespmem:s21], [sflag:$0x2], $0x280, $0x38;
	[tilespmem:$0x8E80] =	vst v63  }
0xc8: {  	s24 =	sadd.s32 $0x1, s24;
	_ =	swait.ge [sflag:s9], $0x280  }
0xc9: {  	p0 =	sne.s32 s24, $0x5;
	[sflag:s9] =	ssyncset.done $0x0  }
.Ltmp2:
0xca: {  	s0 =	sadd.s32 $0x9600, s0;
	[sflag:s9] =	ssyncadd.s32 $0xFFFFFD80;
	(pc) =	sbr.rel @p0 .LBB2_2-.Ltmp2, $4  }
0xcb: {  	[hbm4b:s0+s2] =	stream.linear.scatter [tilespmem:s22], [sflag:$0x2], $0x280, $0x38;
	[tilespmem:$0x8E80] =	vst v63  }
0xcc: {  	_ =	swait.ge [sflag:s9], $0x280  }
0xcd: {  	[sflag:s9] =	ssyncset.done $0x0  }
0xce: {  	[sflag:s9] =	ssyncadd.s32 $0xFFFFFD80  }
0xcf: {  	s23 =	sadd.s32 $0x1, s23  }
0xd0: {  	p0 =	sne.s32 s23, s8  }
.Ltmp3:
0xd1: {  	_ = 	snop;
	(pc) =	sbr.rel @p0 .LBB2_1-.Ltmp3, $1  }
0xd2: {  	_ =	sdelay $0x3  }
0xd3: {  	_ =	sfence.sel $0x180000  }
0xd4: {  	[bflag:$0x0] =	sbarrier.arrive $0xFFFF  }
0xd5: {  	_ =	strace $0x9000004A  }
0xd6: {  	s0 =	stileid.u32;
	[bflag:$0x2] =	sbarrier.arrive $0xFFFF  }
0xd7: {  	p0 =	sne.s32 s0, $0x0;
	s0 =	rddreg [dreg:$0x2]  }
0xd8: {  	s0 =	sadd.s32 @!p0 $0x100000, s0  }
0xd9: {  	[sflag:s0] =	ssyncadd.tile.s32 @!p0 $0x1;
	_ =	shalt  }
.Lfunc_end2:
_tile_overlayer_lowered:
.L_overlay_start_2:
0xda: {  	(tag) =	ssettag $0x2  }
0xdb: {  	s0 =	rddreg [dreg:$0x0];
	s2 =	stileid.u32  }
0xdc: {  	s1 =	rddreg [dreg:$0x1];
	p0 =	sne.s32 s2, $0x0  }
0xdd: {  	s3 =	rddreg [dreg:$0x2];
	[bflag:$0x3] =	sbarrier.arrive $0xFFFF;
	s2 =	simm.s32 @!p0 $0x1C02  }
0xde: {  	[timem:s3], [sflag:s2] =	dma.local @!p0 [hbm:s0], s1  }
0xdf: {  	s0 =	simm.s32 @!p0 $0x2  }
0xe0: {  	_ =	swait.ge @!p0 [sflag:s0], s1  }
0xe1: {  	s1 =	ssub.s32 @!p0 $0x0, s1;
	[sflag:s0] =	ssyncset.done @!p0 $0x0  }
0xe2: {  	[sflag:s0] =	ssyncadd.s32 @!p0 s1  }
0xe3: {  	[bflag:$0x3] =	sbarrier.arrive $0xFFFF  }
0xe4: {  	_ =	shalt  }

</sc_bundles>
